<compile_context>
chip_gen: v7x
topology: tpu7x:2x2x1
jax: 0.10.2.dev20260603
libtpu: 0.0.44.dev20260713+nightly
codegen_flags: <defaults>
</compile_context>

<pallas_src>
import jax
import jax.numpy as jnp
from jax import lax
from jax.experimental import pallas as pl
from jax.experimental.pallas import tpu as pltpu
from jax.experimental.pallas import tpu_sc as plsc

_N = 10000
_E = 320000
_D = 128
_NREL = 3
_NHEADS = 4

_C = 128
_NW = 32
_CPT = 80
_NCHUNK = _NW * _CPT
_NREAL = _E // _C
_RPT = 632
_RPT_LAST = _N - 15 * _RPT
_APAD = 240

_BN = 2000


def _dense_body(h_ref, w_ref, q_ref, out_ref):
    hb = h_ref[...]
    for r in range(_NREL):
        acc = None
        qr = q_ref[r]
        for hd in range(_NHEADS):
            wm = w_ref[r, hd]
            hp = lax.dot_general(hb, wm, (((1,), (1,)), ((), ())),
                                 preferred_element_type=jnp.float32)
            qv = qr[hd:hd + 1, :]
            g = jnp.sum(hp * qv, axis=1, keepdims=True)
            gate = jax.nn.sigmoid(g)
            term = hp * gate
            acc = term if acc is None else acc + term
        out_ref[r] = acc * (1.0 / _NHEADS)


def _dense_call(h, W, q_pad):
    grid = _N // _BN
    return pl.pallas_call(
        _dense_body,
        grid=(grid,),
        in_specs=[
            pl.BlockSpec((_BN, _D), lambda i: (i, 0)),
            pl.BlockSpec((_NREL, _NHEADS, _D, _D), lambda i: (0, 0, 0, 0)),
            pl.BlockSpec((_NREL, 8, _D), lambda i: (0, 0, 0)),
        ],
        out_specs=pl.BlockSpec((_NREL, _BN, _D), lambda i: (0, i, 0)),
        out_shape=jax.ShapeDtypeStruct((_NREL, _N, _D), jnp.float32),
    )(h.astype(jnp.bfloat16), W.astype(jnp.bfloat16), q_pad)


def _sc_body(xbar_hbm, srcs_hbm, dsts_hbm, zeros_hbm, out_hbm, acc,
             si0, si1, si2, si3, di0, di1, di2, di3, rb0, rb1,
             mi0, mi1, mi2, mi3, mg0, mg1, ms0, ms1):
    c = lax.axis_index("c")
    s = lax.axis_index("s")
    wid = s * 2 + c
    base = s * _RPT
    sidx = (si0, si1, si2, si3)
    didx = (di0, di1, di2, di3)
    rows = (rb0, rb1)
    sem_i = (mi0, mi1, mi2, mi3)
    sem_g = (mg0, mg1)
    sem_s = (ms0, ms1)

    def idx_start(cid, k):
        pltpu.async_copy(srcs_hbm.at[cid], sidx[k], sem_i[k])
        pltpu.async_copy(dsts_hbm.at[cid], didx[k], sem_i[k])

    def idx_wait(k):
        pltpu.make_async_copy(srcs_hbm.at[0], sidx[k], sem_i[k]).wait()
        pltpu.make_async_copy(srcs_hbm.at[0], didx[k], sem_i[k]).wait()

    def gather_start(k4, r2):
        pltpu.async_copy(xbar_hbm.at[sidx[k4]], rows[r2], sem_g[r2])

    def gather_wait(r2):
        pltpu.make_async_copy(xbar_hbm.at[pl.ds(0, _C)], rows[r2],
                              sem_g[r2]).wait()

    def scatter_start(r2, k4):
        pltpu.async_copy(rows[r2], acc.at[didx[k4]], sem_s[r2], add=True)

    def scatter_wait(r2):
        pltpu.make_async_copy(xbar_hbm.at[pl.ds(0, _C)], rows[r2],
                              sem_s[r2]).wait()

    def zero_slice():
        @pl.when(s < 15)
        def _():
            pltpu.sync_copy(zeros_hbm, acc.at[pl.ds(base, _RPT)])

        @pl.when(s == 15)
        def _():
            pltpu.sync_copy(zeros_hbm.at[pl.ds(0, _RPT_LAST)],
                            acc.at[pl.ds(base, _RPT_LAST)])

    zero_slice()
    plsc.subcore_barrier()

    for r in range(_NREL):
        tbase = r * _NCHUNK + wid * _CPT
        idx_start(tbase, 0)
        idx_start(tbase + 1, 1)
        idx_start(tbase + 2, 2)
        idx_wait(0)
        gather_start(0, 0)

        def outer(g, carry):
            for b4 in range(4):
                j = g * 4 + b4
                r2 = b4 % 2

                @pl.when(j > 0)
                def _():
                    scatter_wait(1 - r2)

                @pl.when(j < _CPT - 1)
                def _():
                    idx_wait((b4 + 1) % 4)
                    gather_start((b4 + 1) % 4, 1 - r2)

                @pl.when(j < _CPT - 3)
                def _():
                    idx_start(tbase + j + 3, (b4 + 3) % 4)

                gather_wait(r2)
                scatter_start(r2, b4)
            return carry

        lax.fori_loop(0, _CPT // 4, outer, 0)
        scatter_wait(1)
        plsc.subcore_barrier()

        out_off = (c * _NREL + r) * _N + base

        @pl.when(s < 15)
        def _():
            pltpu.sync_copy(acc.at[pl.ds(base, _RPT)],
                            out_hbm.at[pl.ds(out_off, _RPT)])

        @pl.when(s == 15)
        def _():
            pltpu.sync_copy(acc.at[pl.ds(base, _RPT_LAST)],
                            out_hbm.at[pl.ds(out_off, _RPT_LAST)])

        if r < _NREL - 1:
            zero_slice()
        plsc.subcore_barrier()


def _sc_call(xbar_flat, srcs, dsts, zeros_hbm):
    mesh = plsc.VectorSubcoreMesh(core_axis_name="c", subcore_axis_name="s")
    return pl.kernel(
        _sc_body,
        out_type=jax.ShapeDtypeStruct((2 * _NREL * _N, _D), jnp.float32),
        mesh=mesh,
        scratch_types=[
            pltpu.VMEM_SHARED((_N + _APAD, _D), jnp.float32),
            pltpu.VMEM((_C,), jnp.int32),
            pltpu.VMEM((_C,), jnp.int32),
            pltpu.VMEM((_C,), jnp.int32),
            pltpu.VMEM((_C,), jnp.int32),
            pltpu.VMEM((_C,), jnp.int32),
            pltpu.VMEM((_C,), jnp.int32),
            pltpu.VMEM((_C,), jnp.int32),
            pltpu.VMEM((_C,), jnp.int32),
            pltpu.VMEM((_C, _D), jnp.float32),
            pltpu.VMEM((_C, _D), jnp.float32),
            pltpu.SemaphoreType.DMA,
            pltpu.SemaphoreType.DMA,
            pltpu.SemaphoreType.DMA,
            pltpu.SemaphoreType.DMA,
            pltpu.SemaphoreType.DMA,
            pltpu.SemaphoreType.DMA,
            pltpu.SemaphoreType.DMA,
            pltpu.SemaphoreType.DMA,
        ],
    )(xbar_flat, srcs, dsts, zeros_hbm)


def _fuse_body(p_ref, rv_ref, bias_ref, h_ref, attn_ref):
    m0 = p_ref[0] + p_ref[3]
    m1 = p_ref[1] + p_ref[4]
    m2 = p_ref[2] + p_ref[5]
    rv = rv_ref[...]
    l0 = jnp.sum(m0 * rv[0:1, :], axis=1, keepdims=True) + bias_ref[0]
    l1 = jnp.sum(m1 * rv[1:2, :], axis=1, keepdims=True) + bias_ref[1]
    l2 = jnp.sum(m2 * rv[2:3, :], axis=1, keepdims=True) + bias_ref[2]
    mx = jnp.maximum(jnp.maximum(l0, l1), l2)
    e0 = jnp.exp(l0 - mx)
    e1 = jnp.exp(l1 - mx)
    e2 = jnp.exp(l2 - mx)
    inv = 1.0 / (e0 + e1 + e2)
    a0 = e0 * inv
    a1 = e1 * inv
    a2 = e2 * inv
    h_ref[...] = jnp.maximum(a0 * m0 + a1 * m1 + a2 * m2, 0.0)
    col = lax.broadcasted_iota(jnp.int32, (1, _D), 1)
    attn_ref[0] = jnp.where(
        col == 0, jnp.sum(a0),
        jnp.where(col == 1, jnp.sum(a1),
                  jnp.where(col == 2, jnp.sum(a2), 0.0)))


def _fuse_call(partials, rv_pad, relation_bias):
    grid = _N // _BN
    return pl.pallas_call(
        _fuse_body,
        grid=(grid,),
        in_specs=[
            pl.BlockSpec((2 * _NREL, _BN, _D), lambda i: (0, i, 0)),
            pl.BlockSpec((8, _D), lambda i: (0, 0)),
            pl.BlockSpec(memory_space=pltpu.SMEM),
        ],
        out_specs=[
            pl.BlockSpec((_BN, _D), lambda i: (i, 0)),
            pl.BlockSpec((1, 1, _D), lambda i: (i, 0, 0)),
        ],
        out_shape=[
            jax.ShapeDtypeStruct((_N, _D), jnp.float32),
            jax.ShapeDtypeStruct((grid, 1, _D), jnp.float32),
        ],
    )(partials, rv_pad, relation_bias)


def kernel(h, edge_index_r0, edge_index_r1, edge_index_r2,
           relation_bias, W, node_query, rel_vector):
    q_pad = jnp.zeros((_NREL, 8, _D), jnp.float32).at[:, :_NHEADS].set(node_query)
    rv_pad = jnp.zeros((8, _D), jnp.float32).at[:_NREL].set(rel_vector)

    n_pad = _NCHUNK - _NREAL
    src_all = jnp.stack([edge_index_r0[1], edge_index_r1[1], edge_index_r2[1]])
    src_all = src_all + (jnp.arange(_NREL, dtype=jnp.int32) * _N)[:, None]
    src_pad = jnp.arange(n_pad * _C, dtype=jnp.int32) * 37 % _N
    src_pad = jnp.broadcast_to(src_pad.reshape(1, n_pad, _C),
                               (_NREL, n_pad, _C))
    srcs = jnp.concatenate(
        [src_all.reshape(_NREL, _NREAL, _C), src_pad], axis=1)
    srcs = srcs.reshape(_NREL * _NCHUNK, _C)
    dsts = jnp.stack([edge_index_r0[0], edge_index_r1[0], edge_index_r2[0]])
    dst_pad = _N + jnp.arange(n_pad * _C, dtype=jnp.int32) % _APAD
    dst_pad = jnp.broadcast_to(dst_pad.reshape(1, n_pad, _C),
                               (_NREL, n_pad, _C))
    dsts = jnp.concatenate(
        [dsts.reshape(_NREL, _NREAL, _C), dst_pad], axis=1)
    dsts = dsts.reshape(_NREL * _NCHUNK, _C)
    zeros_hbm = jnp.zeros((_RPT, _D), jnp.float32)

    xbar = _dense_call(h, W, q_pad)
    part = _sc_call(xbar.reshape(_NREL * _N, _D), srcs, dsts, zeros_hbm)
    h_next, attn_p = _fuse_call(part.reshape(2 * _NREL, _N, _D),
                                rv_pad, relation_bias)
    rel_attn_global = attn_p[:, 0, :_NREL].sum(axis=0) * (1.0 / _N)
    return (h_next, rel_attn_global)

# --- scband reference (transcript-rebuilt; emitter-appended) ---
"""Pipeline reference for scband-aemgnnlayer-64055142252934 (READ-ONLY COPY).

The authoritative reference and input builder live on the scoring server;
editing this copy changes nothing except your own understanding.
"""

import jax, jax.numpy as jnp
import numpy as np

N = 10000
E = 320000
IN_DIM = 128
OUT_DIM = 128
N_REL = 3
N_HEADS = 4


def setup_inputs(seed: int = 0) -> dict:
    key = jax.random.key(seed)
    ks = jax.random.split(key, 9)
    h = jax.random.normal(ks[0], (N, IN_DIM), dtype=jnp.float32)
    edge_index_r0 = jax.random.randint(ks[1], (2, E), 0, N, dtype=jnp.int32)
    edge_index_r1 = jax.random.randint(ks[2], (2, E), 0, N, dtype=jnp.int32)
    edge_index_r2 = jax.random.randint(ks[3], (2, E), 0, N, dtype=jnp.int32)
    relation_bias = jax.random.normal(ks[4], (N_REL,), dtype=jnp.float32)
    # Learned parameters (xavier-uniform like torch init)
    lim_w = float(np.sqrt(6.0 / (IN_DIM + OUT_DIM)))
    W = jax.random.uniform(ks[5], (N_REL, N_HEADS, OUT_DIM, IN_DIM), minval=-lim_w, maxval=lim_w, dtype=jnp.float32)
    lim_q = float(np.sqrt(6.0 / (N_HEADS + OUT_DIM)))
    node_query = jax.random.uniform(ks[6], (N_REL, N_HEADS, OUT_DIM), minval=-lim_q, maxval=lim_q, dtype=jnp.float32)
    lim_r = float(np.sqrt(6.0 / (N_REL + OUT_DIM)))
    rel_vector = jax.random.uniform(ks[7], (N_REL, OUT_DIM), minval=-lim_r, maxval=lim_r, dtype=jnp.float32)
    return {
        "h": h,
        "edge_index_r0": edge_index_r0,
        "edge_index_r1": edge_index_r1,
        "edge_index_r2": edge_index_r2,
        "relation_bias": relation_bias,
        "W": W,
        "node_query": node_query,
        "rel_vector": rel_vector,
    }


def reference(h, edge_index_r0, edge_index_r1, edge_index_r2, relation_bias, W, node_query, rel_vector):
    edges = [edge_index_r0, edge_index_r1, edge_index_r2]
    rel_outs = []
    for ridx in range(N_REL):
        dst = edges[ridx][0]
        src = edges[ridx][1]
        head_outs = []
        for hidx in range(N_HEADS):
            hp = h @ W[ridx, hidx].T  # Linear, bias=False
            gate = jax.nn.sigmoid(jnp.sum(hp * node_query[ridx, hidx], axis=1, keepdims=True))
            x = hp * gate
            # torch.sparse.mm(adj, x): out[row] = sum over cols j with adj[row, j]=1 of x[j]
            msg = jax.ops.segment_sum(x[src], dst, num_segments=N)
            head_outs.append(msg)
        rel_outs.append(jnp.mean(jnp.stack(head_outs, axis=0), axis=0))
    rel_stack = jnp.stack(rel_outs, axis=0)  # [n_rel, N, out_dim]
    rel_logits = jnp.sum(rel_stack * rel_vector[:, None, :], axis=2).T  # [N, n_rel]
    rel_logits = rel_logits + relation_bias[None, :]
    rel_attn_node = jax.nn.softmax(rel_logits, axis=1)
    h_next = jnp.sum(rel_attn_node.T[:, :, None] * rel_stack, axis=0)
    h_next = jax.nn.relu(h_next)  # dropout is identity in eval
    rel_attn_global = jnp.mean(rel_attn_node, axis=0)
    return (h_next, rel_attn_global)

if __name__ == "__main__":
    import jax
    _d = setup_inputs()
    print(jax.jit(kernel)(*tuple(_d.values())))

</pallas_src>

<mosaic_0001>
#map = affine_map<(d0, d1) -> (0, 0)>
module attributes {stable_mosaic.version = 14 : i64} {
  func.func @_sc_body(%arg0: i32, %arg1: i32, %arg2: memref<30000x128xf32, #tpu.memory_space<hbm>>, %arg3: memref<7680x128xi32, #tpu.memory_space<hbm>>, %arg4: memref<7680x128xi32, #tpu.memory_space<hbm>>, %arg5: memref<632x128xf32, #tpu.memory_space<hbm>>, %arg6: memref<60000x128xf32, #tpu.memory_space<hbm>>, %arg7: memref<10240x128xf32, #tpu.memory_space<vmem_shared>>, %arg8: memref<128xi32, #tpu.memory_space<vmem>>, %arg9: memref<128xi32, #tpu.memory_space<vmem>>, %arg10: memref<128xi32, #tpu.memory_space<vmem>>, %arg11: memref<128xi32, #tpu.memory_space<vmem>>, %arg12: memref<128xi32, #tpu.memory_space<vmem>>, %arg13: memref<128xi32, #tpu.memory_space<vmem>>, %arg14: memref<128xi32, #tpu.memory_space<vmem>>, %arg15: memref<128xi32, #tpu.memory_space<vmem>>, %arg16: memref<128x128xf32, #tpu.memory_space<vmem>>, %arg17: memref<128x128xf32, #tpu.memory_space<vmem>>, %arg18: memref<!tpu.dma_semaphore, #tpu.memory_space<semaphore_mem>>, %arg19: memref<!tpu.dma_semaphore, #tpu.memory_space<semaphore_mem>>, %arg20: memref<!tpu.dma_semaphore, #tpu.memory_space<semaphore_mem>>, %arg21: memref<!tpu.dma_semaphore, #tpu.memory_space<semaphore_mem>>, %arg22: memref<!tpu.dma_semaphore, #tpu.memory_space<semaphore_mem>>, %arg23: memref<!tpu.dma_semaphore, #tpu.memory_space<semaphore_mem>>, %arg24: memref<!tpu.dma_semaphore, #tpu.memory_space<semaphore_mem>>, %arg25: memref<!tpu.dma_semaphore, #tpu.memory_space<semaphore_mem>>) attributes {dimension_semantics = [#tpu.dimension_semantics<core_parallel>, #tpu.dimension_semantics<subcore_parallel>], iteration_bounds = array<i64: 2, 16>, scalar_prefetch = 0 : i64, scratch_operands = 19 : i64, tpu.core_type = #tpu.core_type<sc_vector_subcore>, window_params = [{transform_indices = #map}, {transform_indices = #map}, {transform_indices = #map}, {transform_indices = #map}, {transform_indices = #map}]} {
    %mul3A = arith.constant 2 : i32
    %mul3A_0 = arith.muli %arg1, %mul3A : i32
    %add3A = arith.addi %mul3A_0, %arg0 : i32
    %mul3A_1 = arith.constant 632 : i32
    %mul3A_2 = arith.muli %arg1, %mul3A_1 : i32
    %lt3A = arith.constant 15 : i32
    %lt3A_3 = arith.cmpi slt, %arg1, %lt3A : i32
    %convert_element_type3A = arith.extui %lt3A_3 : i1 to i32
    %cond3A = arith.constant 0 : i32
    %cond3A_4 = arith.cmpi ne, %convert_element_type3A, %cond3A : i32
    scf.if %cond3A_4 {
      "tpu.region"() ({
        %run_scoped3A = tpu.sem_alloc : memref<!tpu.dma_semaphore, #tpu.memory_space<semaphore_mem>>
        %dma_start3A_302 = arith.constant 0 : i32
        %dma_start3A_303 = tpu.memref_slice %arg7[%mul3A_2, %dma_start3A_302] : memref<10240x128xf32, #tpu.memory_space<vmem_shared>> -> memref<632x128xf32, #tpu.memory_space<vmem_shared>>
        tpu.enqueue_dma source(%arg5 : memref<632x128xf32, #tpu.memory_space<hbm>>) target(%dma_start3A_303 : memref<632x128xf32, #tpu.memory_space<vmem_shared>>) target_semaphore(%run_scoped3A : memref<!tpu.dma_semaphore, #tpu.memory_space<semaphore_mem>>)
        %dma_wait3A_304 = arith.constant 0 : i32
        %dma_wait3A_305 = tpu.memref_slice %arg7[%mul3A_2, %dma_wait3A_304] : memref<10240x128xf32, #tpu.memory_space<vmem_shared>> -> memref<632x128xf32, #tpu.memory_space<vmem_shared>>
        tpu.wait_dma2 semaphore(%run_scoped3A : memref<!tpu.dma_semaphore, #tpu.memory_space<semaphore_mem>>) src(%arg5 : memref<632x128xf32, #tpu.memory_space<hbm>>) dst(%dma_wait3A_305 : memref<632x128xf32, #tpu.memory_space<vmem_shared>>)
        tpu.yield
      }) : () -> ()
    } else {
    }
    %eq3A = arith.constant 15 : i32
    %eq3A_5 = arith.cmpi eq, %arg1, %eq3A : i32
    %convert_element_type3A_6 = arith.extui %eq3A_5 : i1 to i32
    %cond3A_7 = arith.constant 0 : i32
    %cond3A_8 = arith.cmpi ne, %convert_element_type3A_6, %cond3A_7 : i32
    scf.if %cond3A_8 {
      "tpu.region"() ({
        %run_scoped3A = tpu.sem_alloc : memref<!tpu.dma_semaphore, #tpu.memory_space<semaphore_mem>>
        %dma_start3A_302 = arith.constant 0 : i32
        %dma_start3A_303 = tpu.memref_slice %arg7[%mul3A_2, %dma_start3A_302] : memref<10240x128xf32, #tpu.memory_space<vmem_shared>> -> memref<520x128xf32, #tpu.memory_space<vmem_shared>>
        %dma_start3A_304 = arith.constant 0 : i32
        %dma_start3A_305 = arith.constant 0 : i32
        %dma_start3A_306 = tpu.memref_slice %arg5[%dma_start3A_304, %dma_start3A_305] : memref<632x128xf32, #tpu.memory_space<hbm>> -> memref<520x128xf32, #tpu.memory_space<hbm>>
        tpu.enqueue_dma source(%dma_start3A_306 : memref<520x128xf32, #tpu.memory_space<hbm>>) target(%dma_start3A_303 : memref<520x128xf32, #tpu.memory_space<vmem_shared>>) target_semaphore(%run_scoped3A : memref<!tpu.dma_semaphore, #tpu.memory_space<semaphore_mem>>)
        %dma_wait3A_307 = arith.constant 0 : i32
        %dma_wait3A_308 = tpu.memref_slice %arg7[%mul3A_2, %dma_wait3A_307] : memref<10240x128xf32, #tpu.memory_space<vmem_shared>> -> memref<520x128xf32, #tpu.memory_space<vmem_shared>>
        %dma_wait3A_309 = arith.constant 0 : i32
        %dma_wait3A_310 = arith.constant 0 : i32
        %dma_wait3A_311 = tpu.memref_slice %arg5[%dma_wait3A_309, %dma_wait3A_310] : memref<632x128xf32, #tpu.memory_space<hbm>> -> memref<520x128xf32, #tpu.memory_space<hbm>>
        tpu.wait_dma2 semaphore(%run_scoped3A : memref<!tpu.dma_semaphore, #tpu.memory_space<semaphore_mem>>) src(%dma_wait3A_311 : memref<520x128xf32, #tpu.memory_space<hbm>>) dst(%dma_wait3A_308 : memref<520x128xf32, #tpu.memory_space<vmem_shared>>)
        tpu.yield
      }) : () -> ()
    } else {
    }
    %barrier3A = arith.constant 0 : index
    tpu.barrier barrier_id(%barrier3A)
    %mul3A_9 = arith.constant 80 : i32
    %mul3A_10 = arith.muli %add3A, %mul3A_9 : i32
    %add3A_11 = arith.constant 0 : i32
    %add3A_12 = arith.addi %add3A_11, %mul3A_10 : i32
    %dma_start3A = arith.constant 0 : i32
    %dma_start3A_13 = tpu.memref_slice %arg3[%add3A_12, %dma_start3A] : memref<7680x128xi32, #tpu.memory_space<hbm>> -> memref<1x128xi32, #tpu.memory_space<hbm>>
    %dma_start3A_14 = tpu.memref_squeeze %dma_start3A_13 : memref<1x128xi32, #tpu.memory_space<hbm>> -> memref<128xi32, #tpu.memory_space<hbm>>
    %dma_start3A_15 = arith.constant 0 : i32
    %dma_start3A_16 = tpu.memref_slice %arg3[%add3A_12, %dma_start3A_15] : memref<7680x128xi32, #tpu.memory_space<hbm>> -> memref<1x128xi32, #tpu.memory_space<hbm>>
    %dma_start3A_17 = tpu.memref_squeeze %dma_start3A_16 : memref<1x128xi32, #tpu.memory_space<hbm>> -> memref<128xi32, #tpu.memory_space<hbm>>
    tpu.enqueue_dma source(%dma_start3A_17 : memref<128xi32, #tpu.memory_space<hbm>>) target(%arg8 : memref<128xi32, #tpu.memory_space<vmem>>) target_semaphore(%arg18 : memref<!tpu.dma_semaphore, #tpu.memory_space<semaphore_mem>>)
    %dma_start3A_18 = arith.constant 0 : i32
    %dma_start3A_19 = tpu.memref_slice %arg4[%add3A_12, %dma_start3A_18] : memref<7680x128xi32, #tpu.memory_space<hbm>> -> memref<1x128xi32, #tpu.memory_space<hbm>>
    %dma_start3A_20 = tpu.memref_squeeze %dma_start3A_19 : memref<1x128xi32, #tpu.memory_space<hbm>> -> memref<128xi32, #tpu.memory_space<hbm>>
    %dma_start3A_21 = arith.constant 0 : i32
    %dma_start3A_22 = tpu.memref_slice %arg4[%add3A_12, %dma_start3A_21] : memref<7680x128xi32, #tpu.memory_space<hbm>> -> memref<1x128xi32, #tpu.memory_space<hbm>>
    %dma_start3A_23 = tpu.memref_squeeze %dma_start3A_22 : memref<1x128xi32, #tpu.memory_space<hbm>> -> memref<128xi32, #tpu.memory_space<hbm>>
    tpu.enqueue_dma source(%dma_start3A_23 : memref<128xi32, #tpu.memory_space<hbm>>) target(%arg12 : memref<128xi32, #tpu.memory_space<vmem>>) target_semaphore(%arg18 : memref<!tpu.dma_semaphore, #tpu.memory_space<semaphore_mem>>)
    %add3A_24 = arith.constant 1 : i32
    %add3A_25 = arith.addi %add3A_12, %add3A_24 : i32
    %dma_start3A_26 = arith.constant 0 : i32
    %dma_start3A_27 = tpu.memref_slice %arg3[%add3A_25, %dma_start3A_26] : memref<7680x128xi32, #tpu.memory_space<hbm>> -> memref<1x128xi32, #tpu.memory_space<hbm>>
    %dma_start3A_28 = tpu.memref_squeeze %dma_start3A_27 : memref<1x128xi32, #tpu.memory_space<hbm>> -> memref<128xi32, #tpu.memory_space<hbm>>
    %dma_start3A_29 = arith.constant 0 : i32
    %dma_start3A_30 = tpu.memref_slice %arg3[%add3A_25, %dma_start3A_29] : memref<7680x128xi32, #tpu.memory_space<hbm>> -> memref<1x128xi32, #tpu.memory_space<hbm>>
    %dma_start3A_31 = tpu.memref_squeeze %dma_start3A_30 : memref<1x128xi32, #tpu.memory_space<hbm>> -> memref<128xi32, #tpu.memory_space<hbm>>
    tpu.enqueue_dma source(%dma_start3A_31 : memref<128xi32, #tpu.memory_space<hbm>>) target(%arg9 : memref<128xi32, #tpu.memory_space<vmem>>) target_semaphore(%arg19 : memref<!tpu.dma_semaphore, #tpu.memory_space<semaphore_mem>>)
    %dma_start3A_32 = arith.constant 0 : i32
    %dma_start3A_33 = tpu.memref_slice %arg4[%add3A_25, %dma_start3A_32] : memref<7680x128xi32, #tpu.memory_space<hbm>> -> memref<1x128xi32, #tpu.memory_space<hbm>>
    %dma_start3A_34 = tpu.memref_squeeze %dma_start3A_33 : memref<1x128xi32, #tpu.memory_space<hbm>> -> memref<128xi32, #tpu.memory_space<hbm>>
    %dma_start3A_35 = arith.constant 0 : i32
    %dma_start3A_36 = tpu.memref_slice %arg4[%add3A_25, %dma_start3A_35] : memref<7680x128xi32, #tpu.memory_space<hbm>> -> memref<1x128xi32, #tpu.memory_space<hbm>>
    %dma_start3A_37 = tpu.memref_squeeze %dma_start3A_36 : memref<1x128xi32, #tpu.memory_space<hbm>> -> memref<128xi32, #tpu.memory_space<hbm>>
    tpu.enqueue_dma source(%dma_start3A_37 : memref<128xi32, #tpu.memory_space<hbm>>) target(%arg13 : memref<128xi32, #tpu.memory_space<vmem>>) target_semaphore(%arg19 : memref<!tpu.dma_semaphore, #tpu.memory_space<semaphore_mem>>)
    %add3A_38 = arith.constant 2 : i32
    %add3A_39 = arith.addi %add3A_12, %add3A_38 : i32
    %dma_start3A_40 = arith.constant 0 : i32
    %dma_start3A_41 = tpu.memref_slice %arg3[%add3A_39, %dma_start3A_40] : memref<7680x128xi32, #tpu.memory_space<hbm>> -> memref<1x128xi32, #tpu.memory_space<hbm>>
    %dma_start3A_42 = tpu.memref_squeeze %dma_start3A_41 : memref<1x128xi32, #tpu.memory_space<hbm>> -> memref<128xi32, #tpu.memory_space<hbm>>
    %dma_start3A_43 = arith.constant 0 : i32
    %dma_start3A_44 = tpu.memref_slice %arg3[%add3A_39, %dma_start3A_43] : memref<7680x128xi32, #tpu.memory_space<hbm>> -> memref<1x128xi32, #tpu.memory_space<hbm>>
    %dma_start3A_45 = tpu.memref_squeeze %dma_start3A_44 : memref<1x128xi32, #tpu.memory_space<hbm>> -> memref<128xi32, #tpu.memory_space<hbm>>
    tpu.enqueue_dma source(%dma_start3A_45 : memref<128xi32, #tpu.memory_space<hbm>>) target(%arg10 : memref<128xi32, #tpu.memory_space<vmem>>) target_semaphore(%arg20 : memref<!tpu.dma_semaphore, #tpu.memory_space<semaphore_mem>>)
    %dma_start3A_46 = arith.constant 0 : i32
    %dma_start3A_47 = tpu.memref_slice %arg4[%add3A_39, %dma_start3A_46] : memref<7680x128xi32, #tpu.memory_space<hbm>> -> memref<1x128xi32, #tpu.memory_space<hbm>>
    %dma_start3A_48 = tpu.memref_squeeze %dma_start3A_47 : memref<1x128xi32, #tpu.memory_space<hbm>> -> memref<128xi32, #tpu.memory_space<hbm>>
    %dma_start3A_49 = arith.constant 0 : i32
    %dma_start3A_50 = tpu.memref_slice %arg4[%add3A_39, %dma_start3A_49] : memref<7680x128xi32, #tpu.memory_space<hbm>> -> memref<1x128xi32, #tpu.memory_space<hbm>>
    %dma_start3A_51 = tpu.memref_squeeze %dma_start3A_50 : memref<1x128xi32, #tpu.memory_space<hbm>> -> memref<128xi32, #tpu.memory_space<hbm>>
    tpu.enqueue_dma source(%dma_start3A_51 : memref<128xi32, #tpu.memory_space<hbm>>) target(%arg14 : memref<128xi32, #tpu.memory_space<vmem>>) target_semaphore(%arg20 : memref<!tpu.dma_semaphore, #tpu.memory_space<semaphore_mem>>)
    %dma_wait3A = arith.constant 0 : i32
    %dma_wait3A_52 = arith.constant 0 : i32
    %dma_wait3A_53 = tpu.memref_slice %arg3[%dma_wait3A, %dma_wait3A_52] : memref<7680x128xi32, #tpu.memory_space<hbm>> -> memref<1x128xi32, #tpu.memory_space<hbm>>
    %dma_wait3A_54 = tpu.memref_squeeze %dma_wait3A_53 : memref<1x128xi32, #tpu.memory_space<hbm>> -> memref<128xi32, #tpu.memory_space<hbm>>
    %dma_wait3A_55 = arith.constant 0 : i32
    %dma_wait3A_56 = tpu.memref_slice %arg3[%dma_wait3A, %dma_wait3A_55] : memref<7680x128xi32, #tpu.memory_space<hbm>> -> memref<1x128xi32, #tpu.memory_space<hbm>>
    %dma_wait3A_57 = tpu.memref_squeeze %dma_wait3A_56 : memref<1x128xi32, #tpu.memory_space<hbm>> -> memref<128xi32, #tpu.memory_space<hbm>>
    tpu.wait_dma2 semaphore(%arg18 : memref<!tpu.dma_semaphore, #tpu.memory_space<semaphore_mem>>) src(%dma_wait3A_57 : memref<128xi32, #tpu.memory_space<hbm>>) dst(%arg8 : memref<128xi32, #tpu.memory_space<vmem>>)
    %dma_wait3A_58 = arith.constant 0 : i32
    %dma_wait3A_59 = arith.constant 0 : i32
    %dma_wait3A_60 = tpu.memref_slice %arg3[%dma_wait3A_58, %dma_wait3A_59] : memref<7680x128xi32, #tpu.memory_space<hbm>> -> memref<1x128xi32, #tpu.memory_space<hbm>>
    %dma_wait3A_61 = tpu.memref_squeeze %dma_wait3A_60 : memref<1x128xi32, #tpu.memory_space<hbm>> -> memref<128xi32, #tpu.memory_space<hbm>>
    %dma_wait3A_62 = arith.constant 0 : i32
    %dma_wait3A_63 = tpu.memref_slice %arg3[%dma_wait3A_58, %dma_wait3A_62] : memref<7680x128xi32, #tpu.memory_space<hbm>> -> memref<1x128xi32, #tpu.memory_space<hbm>>
    %dma_wait3A_64 = tpu.memref_squeeze %dma_wait3A_63 : memref<1x128xi32, #tpu.memory_space<hbm>> -> memref<128xi32, #tpu.memory_space<hbm>>
    tpu.wait_dma2 semaphore(%arg18 : memref<!tpu.dma_semaphore, #tpu.memory_space<semaphore_mem>>) src(%dma_wait3A_64 : memref<128xi32, #tpu.memory_space<hbm>>) dst(%arg12 : memref<128xi32, #tpu.memory_space<vmem>>)
    %dma_start3A_65 = arith.constant 0 : i32
    %dma_start3A_66 = arith.constant 0 : i32
    %dma_start3A_67 = tpu.memref_slice %arg2[%dma_start3A_65, %dma_start3A_66] : memref<30000x128xf32, #tpu.memory_space<hbm>> -> memref<30000x128xf32, #tpu.memory_space<hbm>>
    tpu.enqueue_indirect_dma source(%dma_start3A_67 : memref<30000x128xf32, #tpu.memory_space<hbm>>) target(%arg16 : memref<128x128xf32, #tpu.memory_space<vmem>>) offsets(%arg8 : memref<128xi32, #tpu.memory_space<vmem>>) semaphore(%arg22 : memref<!tpu.dma_semaphore, #tpu.memory_space<semaphore_mem>>)
    %scan3A = arith.constant 0 : i32
    %scan3A_68 = arith.constant 0 : i32
    %scan3A_69 = arith.constant 20 : i32
    %scan3A_70 = arith.addi %scan3A_68, %scan3A_69 : i32
    %scan3A_71 = arith.constant 1 : i32
    scf.for %scan3A_302 = %scan3A_68 to %scan3A_70 step %scan3A_71  : i32 {
      %mul3A_303 = arith.constant 4 : i32
      %mul3A_304 = arith.muli %scan3A_302, %mul3A_303 : i32
      %add3A_305 = arith.constant 0 : i32
      %add3A_306 = arith.addi %mul3A_304, %add3A_305 : i32
      %gt3A = arith.constant 0 : i32
      %gt3A_307 = arith.cmpi sgt, %add3A_306, %gt3A : i32
      %convert_element_type3A_308 = arith.extui %gt3A_307 : i1 to i32
      %cond3A_309 = arith.constant 0 : i32
      %cond3A_310 = arith.cmpi ne, %convert_element_type3A_308, %cond3A_309 : i32
      scf.if %cond3A_310 {
        %dma_wait3A_414 = arith.constant 0 : i32
        %dma_wait3A_415 = arith.constant 0 : i32
        %dma_wait3A_416 = tpu.memref_slice %arg2[%dma_wait3A_414, %dma_wait3A_415] : memref<30000x128xf32, #tpu.memory_space<hbm>> -> memref<128x128xf32, #tpu.memory_space<hbm>>
        %dma_wait3A_417 = arith.constant 0 : i32
        %dma_wait3A_418 = arith.constant 0 : i32
        %dma_wait3A_419 = tpu.memref_slice %arg2[%dma_wait3A_417, %dma_wait3A_418] : memref<30000x128xf32, #tpu.memory_space<hbm>> -> memref<128x128xf32, #tpu.memory_space<hbm>>
        tpu.wait_dma2 semaphore(%arg25 : memref<!tpu.dma_semaphore, #tpu.memory_space<semaphore_mem>>) src(%dma_wait3A_419 : memref<128x128xf32, #tpu.memory_space<hbm>>) dst(%arg17 : memref<128x128xf32, #tpu.memory_space<vmem>>)
      } else {
      }
      %lt3A_311 = arith.constant 79 : i32
      %lt3A_312 = arith.cmpi slt, %add3A_306, %lt3A_311 : i32
      %convert_element_type3A_313 = arith.extui %lt3A_312 : i1 to i32
      %cond3A_314 = arith.constant 0 : i32
      %cond3A_315 = arith.cmpi ne, %convert_element_type3A_313, %cond3A_314 : i32
      scf.if %cond3A_315 {
        %dma_wait3A_414 = arith.constant 0 : i32
        %dma_wait3A_415 = arith.constant 0 : i32
        %dma_wait3A_416 = tpu.memref_slice %arg3[%dma_wait3A_414, %dma_wait3A_415] : memref<7680x128xi32, #tpu.memory_space<hbm>> -> memref<1x128xi32, #tpu.memory_space<hbm>>
        %dma_wait3A_417 = tpu.memref_squeeze %dma_wait3A_416 : memref<1x128xi32, #tpu.memory_space<hbm>> -> memref<128xi32, #tpu.memory_space<hbm>>
        %dma_wait3A_418 = arith.constant 0 : i32
        %dma_wait3A_419 = tpu.memref_slice %arg3[%dma_wait3A_414, %dma_wait3A_418] : memref<7680x128xi32, #tpu.memory_space<hbm>> -> memref<1x128xi32, #tpu.memory_space<hbm>>
        %dma_wait3A_420 = tpu.memref_squeeze %dma_wait3A_419 : memref<1x128xi32, #tpu.memory_space<hbm>> -> memref<128xi32, #tpu.memory_space<hbm>>
        tpu.wait_dma2 semaphore(%arg19 : memref<!tpu.dma_semaphore, #tpu.memory_space<semaphore_mem>>) src(%dma_wait3A_420 : memref<128xi32, #tpu.memory_space<hbm>>) dst(%arg9 : memref<128xi32, #tpu.memory_space<vmem>>)
        %dma_wait3A_421 = arith.constant 0 : i32
        %dma_wait3A_422 = arith.constant 0 : i32
        %dma_wait3A_423 = tpu.memref_slice %arg3[%dma_wait3A_421, %dma_wait3A_422] : memref<7680x128xi32, #tpu.memory_space<hbm>> -> memref<1x128xi32, #tpu.memory_space<hbm>>
        %dma_wait3A_424 = tpu.memref_squeeze %dma_wait3A_423 : memref<1x128xi32, #tpu.memory_space<hbm>> -> memref<128xi32, #tpu.memory_space<hbm>>
        %dma_wait3A_425 = arith.constant 0 : i32
        %dma_wait3A_426 = tpu.memref_slice %arg3[%dma_wait3A_421, %dma_wait3A_425] : memref<7680x128xi32, #tpu.memory_space<hbm>> -> memref<1x128xi32, #tpu.memory_space<hbm>>
        %dma_wait3A_427 = tpu.memref_squeeze %dma_wait3A_426 : memref<1x128xi32, #tpu.memory_space<hbm>> -> memref<128xi32, #tpu.memory_space<hbm>>
        tpu.wait_dma2 semaphore(%arg19 : memref<!tpu.dma_semaphore, #tpu.memory_space<semaphore_mem>>) src(%dma_wait3A_427 : memref<128xi32, #tpu.memory_space<hbm>>) dst(%arg13 : memref<128xi32, #tpu.memory_space<vmem>>)
        %dma_start3A_428 = arith.constant 0 : i32
        %dma_start3A_429 = arith.constant 0 : i32
        %dma_start3A_430 = tpu.memref_slice %arg2[%dma_start3A_428, %dma_start3A_429] : memref<30000x128xf32, #tpu.memory_space<hbm>> -> memref<30000x128xf32, #tpu.memory_space<hbm>>
        tpu.enqueue_indirect_dma source(%dma_start3A_430 : memref<30000x128xf32, #tpu.memory_space<hbm>>) target(%arg17 : memref<128x128xf32, #tpu.memory_space<vmem>>) offsets(%arg9 : memref<128xi32, #tpu.memory_space<vmem>>) semaphore(%arg23 : memref<!tpu.dma_semaphore, #tpu.memory_space<semaphore_mem>>)
      } else {
      }
      %lt3A_316 = arith.constant 77 : i32
      %lt3A_317 = arith.cmpi slt, %add3A_306, %lt3A_316 : i32
      %convert_element_type3A_318 = arith.extui %lt3A_317 : i1 to i32
      %cond3A_319 = arith.constant 0 : i32
      %cond3A_320 = arith.cmpi ne, %convert_element_type3A_318, %cond3A_319 : i32
      scf.if %cond3A_320 {
        %add3A_414 = arith.addi %add3A_12, %add3A_306 : i32
        %add3A_415 = arith.constant 3 : i32
        %add3A_416 = arith.addi %add3A_414, %add3A_415 : i32
        %dma_start3A_417 = arith.constant 0 : i32
        %dma_start3A_418 = tpu.memref_slice %arg3[%add3A_416, %dma_start3A_417] : memref<7680x128xi32, #tpu.memory_space<hbm>> -> memref<1x128xi32, #tpu.memory_space<hbm>>
        %dma_start3A_419 = tpu.memref_squeeze %dma_start3A_418 : memref<1x128xi32, #tpu.memory_space<hbm>> -> memref<128xi32, #tpu.memory_space<hbm>>
        %dma_start3A_420 = arith.constant 0 : i32
        %dma_start3A_421 = tpu.memref_slice %arg3[%add3A_416, %dma_start3A_420] : memref<7680x128xi32, #tpu.memory_space<hbm>> -> memref<1x128xi32, #tpu.memory_space<hbm>>
        %dma_start3A_422 = tpu.memref_squeeze %dma_start3A_421 : memref<1x128xi32, #tpu.memory_space<hbm>> -> memref<128xi32, #tpu.memory_space<hbm>>
        tpu.enqueue_dma source(%dma_start3A_422 : memref<128xi32, #tpu.memory_space<hbm>>) target(%arg11 : memref<128xi32, #tpu.memory_space<vmem>>) target_semaphore(%arg21 : memref<!tpu.dma_semaphore, #tpu.memory_space<semaphore_mem>>)
        %dma_start3A_423 = arith.constant 0 : i32
        %dma_start3A_424 = tpu.memref_slice %arg4[%add3A_416, %dma_start3A_423] : memref<7680x128xi32, #tpu.memory_space<hbm>> -> memref<1x128xi32, #tpu.memory_space<hbm>>
        %dma_start3A_425 = tpu.memref_squeeze %dma_start3A_424 : memref<1x128xi32, #tpu.memory_space<hbm>> -> memref<128xi32, #tpu.memory_space<hbm>>
        %dma_start3A_426 = arith.constant 0 : i32
        %dma_start3A_427 = tpu.memref_slice %arg4[%add3A_416, %dma_start3A_426] : memref<7680x128xi32, #tpu.memory_space<hbm>> -> memref<1x128xi32, #tpu.memory_space<hbm>>
        %dma_start3A_428 = tpu.memref_squeeze %dma_start3A_427 : memref<1x128xi32, #tpu.memory_space<hbm>> -> memref<128xi32, #tpu.memory_space<hbm>>
        tpu.enqueue_dma source(%dma_start3A_428 : memref<128xi32, #tpu.memory_space<hbm>>) target(%arg15 : memref<128xi32, #tpu.memory_space<vmem>>) target_semaphore(%arg21 : memref<!tpu.dma_semaphore, #tpu.memory_space<semaphore_mem>>)
      } else {
      }
      %dma_wait3A_321 = arith.constant 0 : i32
      %dma_wait3A_322 = arith.constant 0 : i32
      %dma_wait3A_323 = tpu.memref_slice %arg2[%dma_wait3A_321, %dma_wait3A_322] : memref<30000x128xf32, #tpu.memory_space<hbm>> -> memref<128x128xf32, #tpu.memory_space<hbm>>
      %dma_wait3A_324 = arith.constant 0 : i32
      %dma_wait3A_325 = arith.constant 0 : i32
      %dma_wait3A_326 = tpu.memref_slice %arg2[%dma_wait3A_324, %dma_wait3A_325] : memref<30000x128xf32, #tpu.memory_space<hbm>> -> memref<128x128xf32, #tpu.memory_space<hbm>>
      tpu.wait_dma2 semaphore(%arg22 : memref<!tpu.dma_semaphore, #tpu.memory_space<semaphore_mem>>) src(%dma_wait3A_326 : memref<128x128xf32, #tpu.memory_space<hbm>>) dst(%arg16 : memref<128x128xf32, #tpu.memory_space<vmem>>)
      %dma_start3A_327 = arith.constant 0 : i32
      %dma_start3A_328 = arith.constant 0 : i32
      %dma_start3A_329 = tpu.memref_slice %arg7[%dma_start3A_327, %dma_start3A_328] : memref<10240x128xf32, #tpu.memory_space<vmem_shared>> -> memref<10240x128xf32, #tpu.memory_space<vmem_shared>>
      tpu.enqueue_indirect_dma source(%arg16 : memref<128x128xf32, #tpu.memory_space<vmem>>) target(%dma_start3A_329 : memref<10240x128xf32, #tpu.memory_space<vmem_shared>>) offsets(%arg12 : memref<128xi32, #tpu.memory_space<vmem>>) semaphore(%arg24 : memref<!tpu.dma_semaphore, #tpu.memory_space<semaphore_mem>>) {add = true}
      %mul3A_330 = arith.constant 4 : i32
      %mul3A_331 = arith.muli %scan3A_302, %mul3A_330 : i32
      %add3A_332 = arith.constant 1 : i32
      %add3A_333 = arith.addi %mul3A_331, %add3A_332 : i32
      %gt3A_334 = arith.constant 0 : i32
      %gt3A_335 = arith.cmpi sgt, %add3A_333, %gt3A_334 : i32
      %convert_element_type3A_336 = arith.extui %gt3A_335 : i1 to i32
      %cond3A_337 = arith.constant 0 : i32
      %cond3A_338 = arith.cmpi ne, %convert_element_type3A_336, %cond3A_337 : i32
      scf.if %cond3A_338 {
        %dma_wait3A_414 = arith.constant 0 : i32
        %dma_wait3A_415 = arith.constant 0 : i32
        %dma_wait3A_416 = tpu.memref_slice %arg2[%dma_wait3A_414, %dma_wait3A_415] : memref<30000x128xf32, #tpu.memory_space<hbm>> -> memref<128x128xf32, #tpu.memory_space<hbm>>
        %dma_wait3A_417 = arith.constant 0 : i32
        %dma_wait3A_418 = arith.constant 0 : i32
        %dma_wait3A_419 = tpu.memref_slice %arg2[%dma_wait3A_417, %dma_wait3A_418] : memref<30000x128xf32, #tpu.memory_space<hbm>> -> memref<128x128xf32, #tpu.memory_space<hbm>>
        tpu.wait_dma2 semaphore(%arg24 : memref<!tpu.dma_semaphore, #tpu.memory_space<semaphore_mem>>) src(%dma_wait3A_419 : memref<128x128xf32, #tpu.memory_space<hbm>>) dst(%arg16 : memref<128x128xf32, #tpu.memory_space<vmem>>)
      } else {
      }
      %lt3A_339 = arith.constant 79 : i32
      %lt3A_340 = arith.cmpi slt, %add3A_333, %lt3A_339 : i32
      %convert_element_type3A_341 = arith.extui %lt3A_340 : i1 to i32
      %cond3A_342 = arith.constant 0 : i32
      %cond3A_343 = arith.cmpi ne, %convert_element_type3A_341, %cond3A_342 : i32
      scf.if %cond3A_343 {
        %dma_wait3A_414 = arith.constant 0 : i32
        %dma_wait3A_415 = arith.constant 0 : i32
        %dma_wait3A_416 = tpu.memref_slice %arg3[%dma_wait3A_414, %dma_wait3A_415] : memref<7680x128xi32, #tpu.memory_space<hbm>> -> memref<1x128xi32, #tpu.memory_space<hbm>>
        %dma_wait3A_417 = tpu.memref_squeeze %dma_wait3A_416 : memref<1x128xi32, #tpu.memory_space<hbm>> -> memref<128xi32, #tpu.memory_space<hbm>>
        %dma_wait3A_418 = arith.constant 0 : i32
        %dma_wait3A_419 = tpu.memref_slice %arg3[%dma_wait3A_414, %dma_wait3A_418] : memref<7680x128xi32, #tpu.memory_space<hbm>> -> memref<1x128xi32, #tpu.memory_space<hbm>>
        %dma_wait3A_420 = tpu.memref_squeeze %dma_wait3A_419 : memref<1x128xi32, #tpu.memory_space<hbm>> -> memref<128xi32, #tpu.memory_space<hbm>>
        tpu.wait_dma2 semaphore(%arg20 : memref<!tpu.dma_semaphore, #tpu.memory_space<semaphore_mem>>) src(%dma_wait3A_420 : memref<128xi32, #tpu.memory_space<hbm>>) dst(%arg10 : memref<128xi32, #tpu.memory_space<vmem>>)
        %dma_wait3A_421 = arith.constant 0 : i32
        %dma_wait3A_422 = arith.constant 0 : i32
        %dma_wait3A_423 = tpu.memref_slice %arg3[%dma_wait3A_421, %dma_wait3A_422] : memref<7680x128xi32, #tpu.memory_space<hbm>> -> memref<1x128xi32, #tpu.memory_space<hbm>>
        %dma_wait3A_424 = tpu.memref_squeeze %dma_wait3A_423 : memref<1x128xi32, #tpu.memory_space<hbm>> -> memref<128xi32, #tpu.memory_space<hbm>>
        %dma_wait3A_425 = arith.constant 0 : i32
        %dma_wait3A_426 = tpu.memref_slice %arg3[%dma_wait3A_421, %dma_wait3A_425] : memref<7680x128xi32, #tpu.memory_space<hbm>> -> memref<1x128xi32, #tpu.memory_space<hbm>>
        %dma_wait3A_427 = tpu.memref_squeeze %dma_wait3A_426 : memref<1x128xi32, #tpu.memory_space<hbm>> -> memref<128xi32, #tpu.memory_space<hbm>>
        tpu.wait_dma2 semaphore(%arg20 : memref<!tpu.dma_semaphore, #tpu.memory_space<semaphore_mem>>) src(%dma_wait3A_427 : memref<128xi32, #tpu.memory_space<hbm>>) dst(%arg14 : memref<128xi32, #tpu.memory_space<vmem>>)
        %dma_start3A_428 = arith.constant 0 : i32
        %dma_start3A_429 = arith.constant 0 : i32
        %dma_start3A_430 = tpu.memref_slice %arg2[%dma_start3A_428, %dma_start3A_429] : memref<30000x128xf32, #tpu.memory_space<hbm>> -> memref<30000x128xf32, #tpu.memory_space<hbm>>
        tpu.enqueue_indirect_dma source(%dma_start3A_430 : memref<30000x128xf32, #tpu.memory_space<hbm>>) target(%arg16 : memref<128x128xf32, #tpu.memory_space<vmem>>) offsets(%arg10 : memref<128xi32, #tpu.memory_space<vmem>>) semaphore(%arg22 : memref<!tpu.dma_semaphore, #tpu.memory_space<semaphore_mem>>)
      } else {
      }
      %lt3A_344 = arith.constant 77 : i32
      %lt3A_345 = arith.cmpi slt, %add3A_333, %lt3A_344 : i32
      %convert_element_type3A_346 = arith.extui %lt3A_345 : i1 to i32
      %cond3A_347 = arith.constant 0 : i32
      %cond3A_348 = arith.cmpi ne, %convert_element_type3A_346, %cond3A_347 : i32
      scf.if %cond3A_348 {
        %add3A_414 = arith.addi %add3A_12, %add3A_333 : i32
        %add3A_415 = arith.constant 3 : i32
        %add3A_416 = arith.addi %add3A_414, %add3A_415 : i32
        %dma_start3A_417 = arith.constant 0 : i32
        %dma_start3A_418 = tpu.memref_slice %arg3[%add3A_416, %dma_start3A_417] : memref<7680x128xi32, #tpu.memory_space<hbm>> -> memref<1x128xi32, #tpu.memory_space<hbm>>
        %dma_start3A_419 = tpu.memref_squeeze %dma_start3A_418 : memref<1x128xi32, #tpu.memory_space<hbm>> -> memref<128xi32, #tpu.memory_space<hbm>>
        %dma_start3A_420 = arith.constant 0 : i32
        %dma_start3A_421 = tpu.memref_slice %arg3[%add3A_416, %dma_start3A_420] : memref<7680x128xi32, #tpu.memory_space<hbm>> -> memref<1x128xi32, #tpu.memory_space<hbm>>
        %dma_start3A_422 = tpu.memref_squeeze %dma_start3A_421 : memref<1x128xi32, #tpu.memory_space<hbm>> -> memref<128xi32, #tpu.memory_space<hbm>>
        tpu.enqueue_dma source(%dma_start3A_422 : memref<128xi32, #tpu.memory_space<hbm>>) target(%arg8 : memref<128xi32, #tpu.memory_space<vmem>>) target_semaphore(%arg18 : memref<!tpu.dma_semaphore, #tpu.memory_space<semaphore_mem>>)
        %dma_start3A_423 = arith.constant 0 : i32
        %dma_start3A_424 = tpu.memref_slice %arg4[%add3A_416, %dma_start3A_423] : memref<7680x128xi32, #tpu.memory_space<hbm>> -> memref<1x128xi32, #tpu.memory_space<hbm>>
        %dma_start3A_425 = tpu.memref_squeeze %dma_start3A_424 : memref<1x128xi32, #tpu.memory_space<hbm>> -> memref<128xi32, #tpu.memory_space<hbm>>
        %dma_start3A_426 = arith.constant 0 : i32
        %dma_start3A_427 = tpu.memref_slice %arg4[%add3A_416, %dma_start3A_426] : memref<7680x128xi32, #tpu.memory_space<hbm>> -> memref<1x128xi32, #tpu.memory_space<hbm>>
        %dma_start3A_428 = tpu.memref_squeeze %dma_start3A_427 : memref<1x128xi32, #tpu.memory_space<hbm>> -> memref<128xi32, #tpu.memory_space<hbm>>
        tpu.enqueue_dma source(%dma_start3A_428 : memref<128xi32, #tpu.memory_space<hbm>>) target(%arg12 : memref<128xi32, #tpu.memory_space<vmem>>) target_semaphore(%arg18 : memref<!tpu.dma_semaphore, #tpu.memory_space<semaphore_mem>>)
      } else {
      }
      %dma_wait3A_349 = arith.constant 0 : i32
      %dma_wait3A_350 = arith.constant 0 : i32
      %dma_wait3A_351 = tpu.memref_slice %arg2[%dma_wait3A_349, %dma_wait3A_350] : memref<30000x128xf32, #tpu.memory_space<hbm>> -> memref<128x128xf32, #tpu.memory_space<hbm>>
      %dma_wait3A_352 = arith.constant 0 : i32
      %dma_wait3A_353 = arith.constant 0 : i32
      %dma_wait3A_354 = tpu.memref_slice %arg2[%dma_wait3A_352, %dma_wait3A_353] : memref<30000x128xf32, #tpu.memory_space<hbm>> -> memref<128x128xf32, #tpu.memory_space<hbm>>
      tpu.wait_dma2 semaphore(%arg23 : memref<!tpu.dma_semaphore, #tpu.memory_space<semaphore_mem>>) src(%dma_wait3A_354 : memref<128x128xf32, #tpu.memory_space<hbm>>) dst(%arg17 : memref<128x128xf32, #tpu.memory_space<vmem>>)
      %dma_start3A_355 = arith.constant 0 : i32
      %dma_start3A_356 = arith.constant 0 : i32
      %dma_start3A_357 = tpu.memref_slice %arg7[%dma_start3A_355, %dma_start3A_356] : memref<10240x128xf32, #tpu.memory_space<vmem_shared>> -> memref<10240x128xf32, #tpu.memory_space<vmem_shared>>
      tpu.enqueue_indirect_dma source(%arg17 : memref<128x128xf32, #tpu.memory_space<vmem>>) target(%dma_start3A_357 : memref<10240x128xf32, #tpu.memory_space<vmem_shared>>) offsets(%arg13 : memref<128xi32, #tpu.memory_space<vmem>>) semaphore(%arg25 : memref<!tpu.dma_semaphore, #tpu.memory_space<semaphore_mem>>) {add = true}
      %mul3A_358 = arith.constant 4 : i32
      %mul3A_359 = arith.muli %scan3A_302, %mul3A_358 : i32
      %add3A_360 = arith.constant 2 : i32
      %add3A_361 = arith.addi %mul3A_359, %add3A_360 : i32
      %gt3A_362 = arith.constant 0 : i32
      %gt3A_363 = arith.cmpi sgt, %add3A_361, %gt3A_362 : i32
      %convert_element_type3A_364 = arith.extui %gt3A_363 : i1 to i32
      %cond3A_365 = arith.constant 0 : i32
      %cond3A_366 = arith.cmpi ne, %convert_element_type3A_364, %cond3A_365 : i32
      scf.if %cond3A_366 {
        %dma_wait3A_414 = arith.constant 0 : i32
        %dma_wait3A_415 = arith.constant 0 : i32
        %dma_wait3A_416 = tpu.memref_slice %arg2[%dma_wait3A_414, %dma_wait3A_415] : memref<30000x128xf32, #tpu.memory_space<hbm>> -> memref<128x128xf32, #tpu.memory_space<hbm>>
        %dma_wait3A_417 = arith.constant 0 : i32
        %dma_wait3A_418 = arith.constant 0 : i32
        %dma_wait3A_419 = tpu.memref_slice %arg2[%dma_wait3A_417, %dma_wait3A_418] : memref<30000x128xf32, #tpu.memory_space<hbm>> -> memref<128x128xf32, #tpu.memory_space<hbm>>
        tpu.wait_dma2 semaphore(%arg25 : memref<!tpu.dma_semaphore, #tpu.memory_space<semaphore_mem>>) src(%dma_wait3A_419 : memref<128x128xf32, #tpu.memory_space<hbm>>) dst(%arg17 : memref<128x128xf32, #tpu.memory_space<vmem>>)
      } else {
      }
      %lt3A_367 = arith.constant 79 : i32
      %lt3A_368 = arith.cmpi slt, %add3A_361, %lt3A_367 : i32
      %convert_element_type3A_369 = arith.extui %lt3A_368 : i1 to i32
      %cond3A_370 = arith.constant 0 : i32
      %cond3A_371 = arith.cmpi ne, %convert_element_type3A_369, %cond3A_370 : i32
      scf.if %cond3A_371 {
        %dma_wait3A_414 = arith.constant 0 : i32
        %dma_wait3A_415 = arith.constant 0 : i32
        %dma_wait3A_416 = tpu.memref_slice %arg3[%dma_wait3A_414, %dma_wait3A_415] : memref<7680x128xi32, #tpu.memory_space<hbm>> -> memref<1x128xi32, #tpu.memory_space<hbm>>
        %dma_wait3A_417 = tpu.memref_squeeze %dma_wait3A_416 : memref<1x128xi32, #tpu.memory_space<hbm>> -> memref<128xi32, #tpu.memory_space<hbm>>
        %dma_wait3A_418 = arith.constant 0 : i32
        %dma_wait3A_419 = tpu.memref_slice %arg3[%dma_wait3A_414, %dma_wait3A_418] : memref<7680x128xi32, #tpu.memory_space<hbm>> -> memref<1x128xi32, #tpu.memory_space<hbm>>
        %dma_wait3A_420 = tpu.memref_squeeze %dma_wait3A_419 : memref<1x128xi32, #tpu.memory_space<hbm>> -> memref<128xi32, #tpu.memory_space<hbm>>
        tpu.wait_dma2 semaphore(%arg21 : memref<!tpu.dma_semaphore, #tpu.memory_space<semaphore_mem>>) src(%dma_wait3A_420 : memref<128xi32, #tpu.memory_space<hbm>>) dst(%arg11 : memref<128xi32, #tpu.memory_space<vmem>>)
        %dma_wait3A_421 = arith.constant 0 : i32
        %dma_wait3A_422 = arith.constant 0 : i32
        %dma_wait3A_423 = tpu.memref_slice %arg3[%dma_wait3A_421, %dma_wait3A_422] : memref<7680x128xi32, #tpu.memory_space<hbm>> -> memref<1x128xi32, #tpu.memory_space<hbm>>
        %dma_wait3A_424 = tpu.memref_squeeze %dma_wait3A_423 : memref<1x128xi32, #tpu.memory_space<hbm>> -> memref<128xi32, #tpu.memory_space<hbm>>
        %dma_wait3A_425 = arith.constant 0 : i32
        %dma_wait3A_426 = tpu.memref_slice %arg3[%dma_wait3A_421, %dma_wait3A_425] : memref<7680x128xi32, #tpu.memory_space<hbm>> -> memref<1x128xi32, #tpu.memory_space<hbm>>
        %dma_wait3A_427 = tpu.memref_squeeze %dma_wait3A_426 : memref<1x128xi32, #tpu.memory_space<hbm>> -> memref<128xi32, #tpu.memory_space<hbm>>
        tpu.wait_dma2 semaphore(%arg21 : memref<!tpu.dma_semaphore, #tpu.memory_space<semaphore_mem>>) src(%dma_wait3A_427 : memref<128xi32, #tpu.memory_space<hbm>>) dst(%arg15 : memref<128xi32, #tpu.memory_space<vmem>>)
        %dma_start3A_428 = arith.constant 0 : i32
        %dma_start3A_429 = arith.constant 0 : i32
        %dma_start3A_430 = tpu.memref_slice %arg2[%dma_start3A_428, %dma_start3A_429] : memref<30000x128xf32, #tpu.memory_space<hbm>> -> memref<30000x128xf32, #tpu.memory_space<hbm>>
        tpu.enqueue_indirect_dma source(%dma_start3A_430 : memref<30000x128xf32, #tpu.memory_space<hbm>>) target(%arg17 : memref<128x128xf32, #tpu.memory_space<vmem>>) offsets(%arg11 : memref<128xi32, #tpu.memory_space<vmem>>) semaphore(%arg23 : memref<!tpu.dma_semaphore, #tpu.memory_space<semaphore_mem>>)
      } else {
      }
      %lt3A_372 = arith.constant 77 : i32
      %lt3A_373 = arith.cmpi slt, %add3A_361, %lt3A_372 : i32
      %convert_element_type3A_374 = arith.extui %lt3A_373 : i1 to i32
      %cond3A_375 = arith.constant 0 : i32
      %cond3A_376 = arith.cmpi ne, %convert_element_type3A_374, %cond3A_375 : i32
      scf.if %cond3A_376 {
        %add3A_414 = arith.addi %add3A_12, %add3A_361 : i32
        %add3A_415 = arith.constant 3 : i32
        %add3A_416 = arith.addi %add3A_414, %add3A_415 : i32
        %dma_start3A_417 = arith.constant 0 : i32
        %dma_start3A_418 = tpu.memref_slice %arg3[%add3A_416, %dma_start3A_417] : memref<7680x128xi32, #tpu.memory_space<hbm>> -> memref<1x128xi32, #tpu.memory_space<hbm>>
        %dma_start3A_419 = tpu.memref_squeeze %dma_start3A_418 : memref<1x128xi32, #tpu.memory_space<hbm>> -> memref<128xi32, #tpu.memory_space<hbm>>
        %dma_start3A_420 = arith.constant 0 : i32
        %dma_start3A_421 = tpu.memref_slice %arg3[%add3A_416, %dma_start3A_420] : memref<7680x128xi32, #tpu.memory_space<hbm>> -> memref<1x128xi32, #tpu.memory_space<hbm>>
        %dma_start3A_422 = tpu.memref_squeeze %dma_start3A_421 : memref<1x128xi32, #tpu.memory_space<hbm>> -> memref<128xi32, #tpu.memory_space<hbm>>
        tpu.enqueue_dma source(%dma_start3A_422 : memref<128xi32, #tpu.memory_space<hbm>>) target(%arg9 : memref<128xi32, #tpu.memory_space<vmem>>) target_semaphore(%arg19 : memref<!tpu.dma_semaphore, #tpu.memory_space<semaphore_mem>>)
        %dma_start3A_423 = arith.constant 0 : i32
        %dma_start3A_424 = tpu.memref_slice %arg4[%add3A_416, %dma_start3A_423] : memref<7680x128xi32, #tpu.memory_space<hbm>> -> memref<1x128xi32, #tpu.memory_space<hbm>>
        %dma_start3A_425 = tpu.memref_squeeze %dma_start3A_424 : memref<1x128xi32, #tpu.memory_space<hbm>> -> memref<128xi32, #tpu.memory_space<hbm>>
        %dma_start3A_426 = arith.constant 0 : i32
        %dma_start3A_427 = tpu.memref_slice %arg4[%add3A_416, %dma_start3A_426] : memref<7680x128xi32, #tpu.memory_space<hbm>> -> memref<1x128xi32, #tpu.memory_space<hbm>>
        %dma_start3A_428 = tpu.memref_squeeze %dma_start3A_427 : memref<1x128xi32, #tpu.memory_space<hbm>> -> memref<128xi32, #tpu.memory_space<hbm>>
        tpu.enqueue_dma source(%dma_start3A_428 : memref<128xi32, #tpu.memory_space<hbm>>) target(%arg13 : memref<128xi32, #tpu.memory_space<vmem>>) target_semaphore(%arg19 : memref<!tpu.dma_semaphore, #tpu.memory_space<semaphore_mem>>)
      } else {
      }
      %dma_wait3A_377 = arith.constant 0 : i32
      %dma_wait3A_378 = arith.constant 0 : i32
      %dma_wait3A_379 = tpu.memref_slice %arg2[%dma_wait3A_377, %dma_wait3A_378] : memref<30000x128xf32, #tpu.memory_space<hbm>> -> memref<128x128xf32, #tpu.memory_space<hbm>>
      %dma_wait3A_380 = arith.constant 0 : i32
      %dma_wait3A_381 = arith.constant 0 : i32
      %dma_wait3A_382 = tpu.memref_slice %arg2[%dma_wait3A_380, %dma_wait3A_381] : memref<30000x128xf32, #tpu.memory_space<hbm>> -> memref<128x128xf32, #tpu.memory_space<hbm>>
      tpu.wait_dma2 semaphore(%arg22 : memref<!tpu.dma_semaphore, #tpu.memory_space<semaphore_mem>>) src(%dma_wait3A_382 : memref<128x128xf32, #tpu.memory_space<hbm>>) dst(%arg16 : memref<128x128xf32, #tpu.memory_space<vmem>>)
      %dma_start3A_383 = arith.constant 0 : i32
      %dma_start3A_384 = arith.constant 0 : i32
      %dma_start3A_385 = tpu.memref_slice %arg7[%dma_start3A_383, %dma_start3A_384] : memref<10240x128xf32, #tpu.memory_space<vmem_shared>> -> memref<10240x128xf32, #tpu.memory_space<vmem_shared>>
      tpu.enqueue_indirect_dma source(%arg16 : memref<128x128xf32, #tpu.memory_space<vmem>>) target(%dma_start3A_385 : memref<10240x128xf32, #tpu.memory_space<vmem_shared>>) offsets(%arg14 : memref<128xi32, #tpu.memory_space<vmem>>) semaphore(%arg24 : memref<!tpu.dma_semaphore, #tpu.memory_space<semaphore_mem>>) {add = true}
      %mul3A_386 = arith.constant 4 : i32
      %mul3A_387 = arith.muli %scan3A_302, %mul3A_386 : i32
      %add3A_388 = arith.constant 3 : i32
      %add3A_389 = arith.addi %mul3A_387, %add3A_388 : i32
      %gt3A_390 = arith.constant 0 : i32
      %gt3A_391 = arith.cmpi sgt, %add3A_389, %gt3A_390 : i32
      %convert_element_type3A_392 = arith.extui %gt3A_391 : i1 to i32
      %cond3A_393 = arith.constant 0 : i32
      %cond3A_394 = arith.cmpi ne, %convert_element_type3A_392, %cond3A_393 : i32
      scf.if %cond3A_394 {
        %dma_wait3A_414 = arith.constant 0 : i32
        %dma_wait3A_415 = arith.constant 0 : i32
        %dma_wait3A_416 = tpu.memref_slice %arg2[%dma_wait3A_414, %dma_wait3A_415] : memref<30000x128xf32, #tpu.memory_space<hbm>> -> memref<128x128xf32, #tpu.memory_space<hbm>>
        %dma_wait3A_417 = arith.constant 0 : i32
        %dma_wait3A_418 = arith.constant 0 : i32
        %dma_wait3A_419 = tpu.memref_slice %arg2[%dma_wait3A_417, %dma_wait3A_418] : memref<30000x128xf32, #tpu.memory_space<hbm>> -> memref<128x128xf32, #tpu.memory_space<hbm>>
        tpu.wait_dma2 semaphore(%arg24 : memref<!tpu.dma_semaphore, #tpu.memory_space<semaphore_mem>>) src(%dma_wait3A_419 : memref<128x128xf32, #tpu.memory_space<hbm>>) dst(%arg16 : memref<128x128xf32, #tpu.memory_space<vmem>>)
      } else {
      }
      %lt3A_395 = arith.constant 79 : i32
      %lt3A_396 = arith.cmpi slt, %add3A_389, %lt3A_395 : i32
      %convert_element_type3A_397 = arith.extui %lt3A_396 : i1 to i32
      %cond3A_398 = arith.constant 0 : i32
      %cond3A_399 = arith.cmpi ne, %convert_element_type3A_397, %cond3A_398 : i32
      scf.if %cond3A_399 {
        %dma_wait3A_414 = arith.constant 0 : i32
        %dma_wait3A_415 = arith.constant 0 : i32
        %dma_wait3A_416 = tpu.memref_slice %arg3[%dma_wait3A_414, %dma_wait3A_415] : memref<7680x128xi32, #tpu.memory_space<hbm>> -> memref<1x128xi32, #tpu.memory_space<hbm>>
        %dma_wait3A_417 = tpu.memref_squeeze %dma_wait3A_416 : memref<1x128xi32, #tpu.memory_space<hbm>> -> memref<128xi32, #tpu.memory_space<hbm>>
        %dma_wait3A_418 = arith.constant 0 : i32
        %dma_wait3A_419 = tpu.memref_slice %arg3[%dma_wait3A_414, %dma_wait3A_418] : memref<7680x128xi32, #tpu.memory_space<hbm>> -> memref<1x128xi32, #tpu.memory_space<hbm>>
        %dma_wait3A_420 = tpu.memref_squeeze %dma_wait3A_419 : memref<1x128xi32, #tpu.memory_space<hbm>> -> memref<128xi32, #tpu.memory_space<hbm>>
        tpu.wait_dma2 semaphore(%arg18 : memref<!tpu.dma_semaphore, #tpu.memory_space<semaphore_mem>>) src(%dma_wait3A_420 : memref<128xi32, #tpu.memory_space<hbm>>) dst(%arg8 : memref<128xi32, #tpu.memory_space<vmem>>)
        %dma_wait3A_421 = arith.constant 0 : i32
        %dma_wait3A_422 = arith.constant 0 : i32
        %dma_wait3A_423 = tpu.memref_slice %arg3[%dma_wait3A_421, %dma_wait3A_422] : memref<7680x128xi32, #tpu.memory_space<hbm>> -> memref<1x128xi32, #tpu.memory_space<hbm>>
        %dma_wait3A_424 = tpu.memref_squeeze %dma_wait3A_423 : memref<1x128xi32, #tpu.memory_space<hbm>> -> memref<128xi32, #tpu.memory_space<hbm>>
        %dma_wait3A_425 = arith.constant 0 : i32
        %dma_wait3A_426 = tpu.memref_slice %arg3[%dma_wait3A_421, %dma_wait3A_425] : memref<7680x128xi32, #tpu.memory_space<hbm>> -> memref<1x128xi32, #tpu.memory_space<hbm>>
        %dma_wait3A_427 = tpu.memref_squeeze %dma_wait3A_426 : memref<1x128xi32, #tpu.memory_space<hbm>> -> memref<128xi32, #tpu.memory_space<hbm>>
        tpu.wait_dma2 semaphore(%arg18 : memref<!tpu.dma_semaphore, #tpu.memory_space<semaphore_mem>>) src(%dma_wait3A_427 : memref<128xi32, #tpu.memory_space<hbm>>) dst(%arg12 : memref<128xi32, #tpu.memory_space<vmem>>)
        %dma_start3A_428 = arith.constant 0 : i32
        %dma_start3A_429 = arith.constant 0 : i32
        %dma_start3A_430 = tpu.memref_slice %arg2[%dma_start3A_428, %dma_start3A_429] : memref<30000x128xf32, #tpu.memory_space<hbm>> -> memref<30000x128xf32, #tpu.memory_space<hbm>>
        tpu.enqueue_indirect_dma source(%dma_start3A_430 : memref<30000x128xf32, #tpu.memory_space<hbm>>) target(%arg16 : memref<128x128xf32, #tpu.memory_space<vmem>>) offsets(%arg8 : memref<128xi32, #tpu.memory_space<vmem>>) semaphore(%arg22 : memref<!tpu.dma_semaphore, #tpu.memory_space<semaphore_mem>>)
      } else {
      }
      %lt3A_400 = arith.constant 77 : i32
      %lt3A_401 = arith.cmpi slt, %add3A_389, %lt3A_400 : i32
      %convert_element_type3A_402 = arith.extui %lt3A_401 : i1 to i32
      %cond3A_403 = arith.constant 0 : i32
      %cond3A_404 = arith.cmpi ne, %convert_element_type3A_402, %cond3A_403 : i32
      scf.if %cond3A_404 {
        %add3A_414 = arith.addi %add3A_12, %add3A_389 : i32
        %add3A_415 = arith.constant 3 : i32
        %add3A_416 = arith.addi %add3A_414, %add3A_415 : i32
        %dma_start3A_417 = arith.constant 0 : i32
        %dma_start3A_418 = tpu.memref_slice %arg3[%add3A_416, %dma_start3A_417] : memref<7680x128xi32, #tpu.memory_space<hbm>> -> memref<1x128xi32, #tpu.memory_space<hbm>>
        %dma_start3A_419 = tpu.memref_squeeze %dma_start3A_418 : memref<1x128xi32, #tpu.memory_space<hbm>> -> memref<128xi32, #tpu.memory_space<hbm>>
        %dma_start3A_420 = arith.constant 0 : i32
        %dma_start3A_421 = tpu.memref_slice %arg3[%add3A_416, %dma_start3A_420] : memref<7680x128xi32, #tpu.memory_space<hbm>> -> memref<1x128xi32, #tpu.memory_space<hbm>>
        %dma_start3A_422 = tpu.memref_squeeze %dma_start3A_421 : memref<1x128xi32, #tpu.memory_space<hbm>> -> memref<128xi32, #tpu.memory_space<hbm>>
        tpu.enqueue_dma source(%dma_start3A_422 : memref<128xi32, #tpu.memory_space<hbm>>) target(%arg10 : memref<128xi32, #tpu.memory_space<vmem>>) target_semaphore(%arg20 : memref<!tpu.dma_semaphore, #tpu.memory_space<semaphore_mem>>)
        %dma_start3A_423 = arith.constant 0 : i32
        %dma_start3A_424 = tpu.memref_slice %arg4[%add3A_416, %dma_start3A_423] : memref<7680x128xi32, #tpu.memory_space<hbm>> -> memref<1x128xi32, #tpu.memory_space<hbm>>
        %dma_start3A_425 = tpu.memref_squeeze %dma_start3A_424 : memref<1x128xi32, #tpu.memory_space<hbm>> -> memref<128xi32, #tpu.memory_space<hbm>>
        %dma_start3A_426 = arith.constant 0 : i32
        %dma_start3A_427 = tpu.memref_slice %arg4[%add3A_416, %dma_start3A_426] : memref<7680x128xi32, #tpu.memory_space<hbm>> -> memref<1x128xi32, #tpu.memory_space<hbm>>
        %dma_start3A_428 = tpu.memref_squeeze %dma_start3A_427 : memref<1x128xi32, #tpu.memory_space<hbm>> -> memref<128xi32, #tpu.memory_space<hbm>>
        tpu.enqueue_dma source(%dma_start3A_428 : memref<128xi32, #tpu.memory_space<hbm>>) target(%arg14 : memref<128xi32, #tpu.memory_space<vmem>>) target_semaphore(%arg20 : memref<!tpu.dma_semaphore, #tpu.memory_space<semaphore_mem>>)
      } else {
      }
      %dma_wait3A_405 = arith.constant 0 : i32
      %dma_wait3A_406 = arith.constant 0 : i32
      %dma_wait3A_407 = tpu.memref_slice %arg2[%dma_wait3A_405, %dma_wait3A_406] : memref<30000x128xf32, #tpu.memory_space<hbm>> -> memref<128x128xf32, #tpu.memory_space<hbm>>
      %dma_wait3A_408 = arith.constant 0 : i32
      %dma_wait3A_409 = arith.constant 0 : i32
      %dma_wait3A_410 = tpu.memref_slice %arg2[%dma_wait3A_408, %dma_wait3A_409] : memref<30000x128xf32, #tpu.memory_space<hbm>> -> memref<128x128xf32, #tpu.memory_space<hbm>>
      tpu.wait_dma2 semaphore(%arg23 : memref<!tpu.dma_semaphore, #tpu.memory_space<semaphore_mem>>) src(%dma_wait3A_410 : memref<128x128xf32, #tpu.memory_space<hbm>>) dst(%arg17 : memref<128x128xf32, #tpu.memory_space<vmem>>)
      %dma_start3A_411 = arith.constant 0 : i32
      %dma_start3A_412 = arith.constant 0 : i32
      %dma_start3A_413 = tpu.memref_slice %arg7[%dma_start3A_411, %dma_start3A_412] : memref<10240x128xf32, #tpu.memory_space<vmem_shared>> -> memref<10240x128xf32, #tpu.memory_space<vmem_shared>>
      tpu.enqueue_indirect_dma source(%arg17 : memref<128x128xf32, #tpu.memory_space<vmem>>) target(%dma_start3A_413 : memref<10240x128xf32, #tpu.memory_space<vmem_shared>>) offsets(%arg15 : memref<128xi32, #tpu.memory_space<vmem>>) semaphore(%arg25 : memref<!tpu.dma_semaphore, #tpu.memory_space<semaphore_mem>>) {add = true}
    }
    %scan3A_72 = arith.constant 20 : i32
    %dma_wait3A_73 = arith.constant 0 : i32
    %dma_wait3A_74 = arith.constant 0 : i32
    %dma_wait3A_75 = tpu.memref_slice %arg2[%dma_wait3A_73, %dma_wait3A_74] : memref<30000x128xf32, #tpu.memory_space<hbm>> -> memref<128x128xf32, #tpu.memory_space<hbm>>
    %dma_wait3A_76 = arith.constant 0 : i32
    %dma_wait3A_77 = arith.constant 0 : i32
    %dma_wait3A_78 = tpu.memref_slice %arg2[%dma_wait3A_76, %dma_wait3A_77] : memref<30000x128xf32, #tpu.memory_space<hbm>> -> memref<128x128xf32, #tpu.memory_space<hbm>>
    tpu.wait_dma2 semaphore(%arg25 : memref<!tpu.dma_semaphore, #tpu.memory_space<semaphore_mem>>) src(%dma_wait3A_78 : memref<128x128xf32, #tpu.memory_space<hbm>>) dst(%arg17 : memref<128x128xf32, #tpu.memory_space<vmem>>)
    %barrier3A_79 = arith.constant 0 : index
    tpu.barrier barrier_id(%barrier3A_79)
    %mul3A_80 = arith.constant 3 : i32
    %mul3A_81 = arith.muli %arg0, %mul3A_80 : i32
    %add3A_82 = arith.constant 0 : i32
    %add3A_83 = arith.addi %mul3A_81, %add3A_82 : i32
    %mul3A_84 = arith.constant 10000 : i32
    %mul3A_85 = arith.muli %add3A_83, %mul3A_84 : i32
    %add3A_86 = arith.addi %mul3A_85, %mul3A_2 : i32
    %lt3A_87 = arith.constant 15 : i32
    %lt3A_88 = arith.cmpi slt, %arg1, %lt3A_87 : i32
    %convert_element_type3A_89 = arith.extui %lt3A_88 : i1 to i32
    %cond3A_90 = arith.constant 0 : i32
    %cond3A_91 = arith.cmpi ne, %convert_element_type3A_89, %cond3A_90 : i32
    scf.if %cond3A_91 {
      "tpu.region"() ({
        %run_scoped3A = tpu.sem_alloc : memref<!tpu.dma_semaphore, #tpu.memory_space<semaphore_mem>>
        %dma_start3A_302 = arith.constant 0 : i32
        %dma_start3A_303 = tpu.memref_slice %arg6[%add3A_86, %dma_start3A_302] : memref<60000x128xf32, #tpu.memory_space<hbm>> -> memref<632x128xf32, #tpu.memory_space<hbm>>
        %dma_start3A_304 = arith.constant 0 : i32
        %dma_start3A_305 = tpu.memref_slice %arg7[%mul3A_2, %dma_start3A_304] : memref<10240x128xf32, #tpu.memory_space<vmem_shared>> -> memref<632x128xf32, #tpu.memory_space<vmem_shared>>
        tpu.enqueue_dma source(%dma_start3A_305 : memref<632x128xf32, #tpu.memory_space<vmem_shared>>) target(%dma_start3A_303 : memref<632x128xf32, #tpu.memory_space<hbm>>) target_semaphore(%run_scoped3A : memref<!tpu.dma_semaphore, #tpu.memory_space<semaphore_mem>>)
        %dma_wait3A_306 = arith.constant 0 : i32
        %dma_wait3A_307 = tpu.memref_slice %arg6[%add3A_86, %dma_wait3A_306] : memref<60000x128xf32, #tpu.memory_space<hbm>> -> memref<632x128xf32, #tpu.memory_space<hbm>>
        %dma_wait3A_308 = arith.constant 0 : i32
        %dma_wait3A_309 = tpu.memref_slice %arg7[%mul3A_2, %dma_wait3A_308] : memref<10240x128xf32, #tpu.memory_space<vmem_shared>> -> memref<632x128xf32, #tpu.memory_space<vmem_shared>>
        tpu.wait_dma2 semaphore(%run_scoped3A : memref<!tpu.dma_semaphore, #tpu.memory_space<semaphore_mem>>) src(%dma_wait3A_309 : memref<632x128xf32, #tpu.memory_space<vmem_shared>>) dst(%dma_wait3A_307 : memref<632x128xf32, #tpu.memory_space<hbm>>)
        tpu.yield
      }) : () -> ()
    } else {
    }
    %eq3A_92 = arith.constant 15 : i32
    %eq3A_93 = arith.cmpi eq, %arg1, %eq3A_92 : i32
    %convert_element_type3A_94 = arith.extui %eq3A_93 : i1 to i32
    %cond3A_95 = arith.constant 0 : i32
    %cond3A_96 = arith.cmpi ne, %convert_element_type3A_94, %cond3A_95 : i32
    scf.if %cond3A_96 {
      "tpu.region"() ({
        %run_scoped3A = tpu.sem_alloc : memref<!tpu.dma_semaphore, #tpu.memory_space<semaphore_mem>>
        %dma_start3A_302 = arith.constant 0 : i32
        %dma_start3A_303 = tpu.memref_slice %arg6[%add3A_86, %dma_start3A_302] : memref<60000x128xf32, #tpu.memory_space<hbm>> -> memref<520x128xf32, #tpu.memory_space<hbm>>
        %dma_start3A_304 = arith.constant 0 : i32
        %dma_start3A_305 = tpu.memref_slice %arg7[%mul3A_2, %dma_start3A_304] : memref<10240x128xf32, #tpu.memory_space<vmem_shared>> -> memref<520x128xf32, #tpu.memory_space<vmem_shared>>
        tpu.enqueue_dma source(%dma_start3A_305 : memref<520x128xf32, #tpu.memory_space<vmem_shared>>) target(%dma_start3A_303 : memref<520x128xf32, #tpu.memory_space<hbm>>) target_semaphore(%run_scoped3A : memref<!tpu.dma_semaphore, #tpu.memory_space<semaphore_mem>>)
        %dma_wait3A_306 = arith.constant 0 : i32
        %dma_wait3A_307 = tpu.memref_slice %arg6[%add3A_86, %dma_wait3A_306] : memref<60000x128xf32, #tpu.memory_space<hbm>> -> memref<520x128xf32, #tpu.memory_space<hbm>>
        %dma_wait3A_308 = arith.constant 0 : i32
        %dma_wait3A_309 = tpu.memref_slice %arg7[%mul3A_2, %dma_wait3A_308] : memref<10240x128xf32, #tpu.memory_space<vmem_shared>> -> memref<520x128xf32, #tpu.memory_space<vmem_shared>>
        tpu.wait_dma2 semaphore(%run_scoped3A : memref<!tpu.dma_semaphore, #tpu.memory_space<semaphore_mem>>) src(%dma_wait3A_309 : memref<520x128xf32, #tpu.memory_space<vmem_shared>>) dst(%dma_wait3A_307 : memref<520x128xf32, #tpu.memory_space<hbm>>)
        tpu.yield
      }) : () -> ()
    } else {
    }
    %lt3A_97 = arith.constant 15 : i32
    %lt3A_98 = arith.cmpi slt, %arg1, %lt3A_97 : i32
    %convert_element_type3A_99 = arith.extui %lt3A_98 : i1 to i32
    %cond3A_100 = arith.constant 0 : i32
    %cond3A_101 = arith.cmpi ne, %convert_element_type3A_99, %cond3A_100 : i32
    scf.if %cond3A_101 {
      "tpu.region"() ({
        %run_scoped3A = tpu.sem_alloc : memref<!tpu.dma_semaphore, #tpu.memory_space<semaphore_mem>>
        %dma_start3A_302 = arith.constant 0 : i32
        %dma_start3A_303 = tpu.memref_slice %arg7[%mul3A_2, %dma_start3A_302] : memref<10240x128xf32, #tpu.memory_space<vmem_shared>> -> memref<632x128xf32, #tpu.memory_space<vmem_shared>>
        tpu.enqueue_dma source(%arg5 : memref<632x128xf32, #tpu.memory_space<hbm>>) target(%dma_start3A_303 : memref<632x128xf32, #tpu.memory_space<vmem_shared>>) target_semaphore(%run_scoped3A : memref<!tpu.dma_semaphore, #tpu.memory_space<semaphore_mem>>)
        %dma_wait3A_304 = arith.constant 0 : i32
        %dma_wait3A_305 = tpu.memref_slice %arg7[%mul3A_2, %dma_wait3A_304] : memref<10240x128xf32, #tpu.memory_space<vmem_shared>> -> memref<632x128xf32, #tpu.memory_space<vmem_shared>>
        tpu.wait_dma2 semaphore(%run_scoped3A : memref<!tpu.dma_semaphore, #tpu.memory_space<semaphore_mem>>) src(%arg5 : memref<632x128xf32, #tpu.memory_space<hbm>>) dst(%dma_wait3A_305 : memref<632x128xf32, #tpu.memory_space<vmem_shared>>)
        tpu.yield
      }) : () -> ()
    } else {
    }
    %eq3A_102 = arith.constant 15 : i32
    %eq3A_103 = arith.cmpi eq, %arg1, %eq3A_102 : i32
    %convert_element_type3A_104 = arith.extui %eq3A_103 : i1 to i32
    %cond3A_105 = arith.constant 0 : i32
    %cond3A_106 = arith.cmpi ne, %convert_element_type3A_104, %cond3A_105 : i32
    scf.if %cond3A_106 {
      "tpu.region"() ({
        %run_scoped3A = tpu.sem_alloc : memref<!tpu.dma_semaphore, #tpu.memory_space<semaphore_mem>>
        %dma_start3A_302 = arith.constant 0 : i32
        %dma_start3A_303 = tpu.memref_slice %arg7[%mul3A_2, %dma_start3A_302] : memref<10240x128xf32, #tpu.memory_space<vmem_shared>> -> memref<520x128xf32, #tpu.memory_space<vmem_shared>>
        %dma_start3A_304 = arith.constant 0 : i32
        %dma_start3A_305 = arith.constant 0 : i32
        %dma_start3A_306 = tpu.memref_slice %arg5[%dma_start3A_304, %dma_start3A_305] : memref<632x128xf32, #tpu.memory_space<hbm>> -> memref<520x128xf32, #tpu.memory_space<hbm>>
        tpu.enqueue_dma source(%dma_start3A_306 : memref<520x128xf32, #tpu.memory_space<hbm>>) target(%dma_start3A_303 : memref<520x128xf32, #tpu.memory_space<vmem_shared>>) target_semaphore(%run_scoped3A : memref<!tpu.dma_semaphore, #tpu.memory_space<semaphore_mem>>)
        %dma_wait3A_307 = arith.constant 0 : i32
        %dma_wait3A_308 = tpu.memref_slice %arg7[%mul3A_2, %dma_wait3A_307] : memref<10240x128xf32, #tpu.memory_space<vmem_shared>> -> memref<520x128xf32, #tpu.memory_space<vmem_shared>>
        %dma_wait3A_309 = arith.constant 0 : i32
        %dma_wait3A_310 = arith.constant 0 : i32
        %dma_wait3A_311 = tpu.memref_slice %arg5[%dma_wait3A_309, %dma_wait3A_310] : memref<632x128xf32, #tpu.memory_space<hbm>> -> memref<520x128xf32, #tpu.memory_space<hbm>>
        tpu.wait_dma2 semaphore(%run_scoped3A : memref<!tpu.dma_semaphore, #tpu.memory_space<semaphore_mem>>) src(%dma_wait3A_311 : memref<520x128xf32, #tpu.memory_space<hbm>>) dst(%dma_wait3A_308 : memref<520x128xf32, #tpu.memory_space<vmem_shared>>)
        tpu.yield
      }) : () -> ()
    } else {
    }
    %barrier3A_107 = arith.constant 0 : index
    tpu.barrier barrier_id(%barrier3A_107)
    %mul3A_108 = arith.constant 80 : i32
    %mul3A_109 = arith.muli %add3A, %mul3A_108 : i32
    %add3A_110 = arith.constant 2560 : i32
    %add3A_111 = arith.addi %add3A_110, %mul3A_109 : i32
    %dma_start3A_112 = arith.constant 0 : i32
    %dma_start3A_113 = tpu.memref_slice %arg3[%add3A_111, %dma_start3A_112] : memref<7680x128xi32, #tpu.memory_space<hbm>> -> memref<1x128xi32, #tpu.memory_space<hbm>>
    %dma_start3A_114 = tpu.memref_squeeze %dma_start3A_113 : memref<1x128xi32, #tpu.memory_space<hbm>> -> memref<128xi32, #tpu.memory_space<hbm>>
    %dma_start3A_115 = arith.constant 0 : i32
    %dma_start3A_116 = tpu.memref_slice %arg3[%add3A_111, %dma_start3A_115] : memref<7680x128xi32, #tpu.memory_space<hbm>> -> memref<1x128xi32, #tpu.memory_space<hbm>>
    %dma_start3A_117 = tpu.memref_squeeze %dma_start3A_116 : memref<1x128xi32, #tpu.memory_space<hbm>> -> memref<128xi32, #tpu.memory_space<hbm>>
    tpu.enqueue_dma source(%dma_start3A_117 : memref<128xi32, #tpu.memory_space<hbm>>) target(%arg8 : memref<128xi32, #tpu.memory_space<vmem>>) target_semaphore(%arg18 : memref<!tpu.dma_semaphore, #tpu.memory_space<semaphore_mem>>)
    %dma_start3A_118 = arith.constant 0 : i32
    %dma_start3A_119 = tpu.memref_slice %arg4[%add3A_111, %dma_start3A_118] : memref<7680x128xi32, #tpu.memory_space<hbm>> -> memref<1x128xi32, #tpu.memory_space<hbm>>
    %dma_start3A_120 = tpu.memref_squeeze %dma_start3A_119 : memref<1x128xi32, #tpu.memory_space<hbm>> -> memref<128xi32, #tpu.memory_space<hbm>>
    %dma_start3A_121 = arith.constant 0 : i32
    %dma_start3A_122 = tpu.memref_slice %arg4[%add3A_111, %dma_start3A_121] : memref<7680x128xi32, #tpu.memory_space<hbm>> -> memref<1x128xi32, #tpu.memory_space<hbm>>
    %dma_start3A_123 = tpu.memref_squeeze %dma_start3A_122 : memref<1x128xi32, #tpu.memory_space<hbm>> -> memref<128xi32, #tpu.memory_space<hbm>>
    tpu.enqueue_dma source(%dma_start3A_123 : memref<128xi32, #tpu.memory_space<hbm>>) target(%arg12 : memref<128xi32, #tpu.memory_space<vmem>>) target_semaphore(%arg18 : memref<!tpu.dma_semaphore, #tpu.memory_space<semaphore_mem>>)
    %add3A_124 = arith.constant 1 : i32
    %add3A_125 = arith.addi %add3A_111, %add3A_124 : i32
    %dma_start3A_126 = arith.constant 0 : i32
    %dma_start3A_127 = tpu.memref_slice %arg3[%add3A_125, %dma_start3A_126] : memref<7680x128xi32, #tpu.memory_space<hbm>> -> memref<1x128xi32, #tpu.memory_space<hbm>>
    %dma_start3A_128 = tpu.memref_squeeze %dma_start3A_127 : memref<1x128xi32, #tpu.memory_space<hbm>> -> memref<128xi32, #tpu.memory_space<hbm>>
    %dma_start3A_129 = arith.constant 0 : i32
    %dma_start3A_130 = tpu.memref_slice %arg3[%add3A_125, %dma_start3A_129] : memref<7680x128xi32, #tpu.memory_space<hbm>> -> memref<1x128xi32, #tpu.memory_space<hbm>>
    %dma_start3A_131 = tpu.memref_squeeze %dma_start3A_130 : memref<1x128xi32, #tpu.memory_space<hbm>> -> memref<128xi32, #tpu.memory_space<hbm>>
    tpu.enqueue_dma source(%dma_start3A_131 : memref<128xi32, #tpu.memory_space<hbm>>) target(%arg9 : memref<128xi32, #tpu.memory_space<vmem>>) target_semaphore(%arg19 : memref<!tpu.dma_semaphore, #tpu.memory_space<semaphore_mem>>)
    %dma_start3A_132 = arith.constant 0 : i32
    %dma_start3A_133 = tpu.memref_slice %arg4[%add3A_125, %dma_start3A_132] : memref<7680x128xi32, #tpu.memory_space<hbm>> -> memref<1x128xi32, #tpu.memory_space<hbm>>
    %dma_start3A_134 = tpu.memref_squeeze %dma_start3A_133 : memref<1x128xi32, #tpu.memory_space<hbm>> -> memref<128xi32, #tpu.memory_space<hbm>>
    %dma_start3A_135 = arith.constant 0 : i32
    %dma_start3A_136 = tpu.memref_slice %arg4[%add3A_125, %dma_start3A_135] : memref<7680x128xi32, #tpu.memory_space<hbm>> -> memref<1x128xi32, #tpu.memory_space<hbm>>
    %dma_start3A_137 = tpu.memref_squeeze %dma_start3A_136 : memref<1x128xi32, #tpu.memory_space<hbm>> -> memref<128xi32, #tpu.memory_space<hbm>>
    tpu.enqueue_dma source(%dma_start3A_137 : memref<128xi32, #tpu.memory_space<hbm>>) target(%arg13 : memref<128xi32, #tpu.memory_space<vmem>>) target_semaphore(%arg19 : memref<!tpu.dma_semaphore, #tpu.memory_space<semaphore_mem>>)
    %add3A_138 = arith.constant 2 : i32
    %add3A_139 = arith.addi %add3A_111, %add3A_138 : i32
    %dma_start3A_140 = arith.constant 0 : i32
    %dma_start3A_141 = tpu.memref_slice %arg3[%add3A_139, %dma_start3A_140] : memref<7680x128xi32, #tpu.memory_space<hbm>> -> memref<1x128xi32, #tpu.memory_space<hbm>>
    %dma_start3A_142 = tpu.memref_squeeze %dma_start3A_141 : memref<1x128xi32, #tpu.memory_space<hbm>> -> memref<128xi32, #tpu.memory_space<hbm>>
    %dma_start3A_143 = arith.constant 0 : i32
    %dma_start3A_144 = tpu.memref_slice %arg3[%add3A_139, %dma_start3A_143] : memref<7680x128xi32, #tpu.memory_space<hbm>> -> memref<1x128xi32, #tpu.memory_space<hbm>>
    %dma_start3A_145 = tpu.memref_squeeze %dma_start3A_144 : memref<1x128xi32, #tpu.memory_space<hbm>> -> memref<128xi32, #tpu.memory_space<hbm>>
    tpu.enqueue_dma source(%dma_start3A_145 : memref<128xi32, #tpu.memory_space<hbm>>) target(%arg10 : memref<128xi32, #tpu.memory_space<vmem>>) target_semaphore(%arg20 : memref<!tpu.dma_semaphore, #tpu.memory_space<semaphore_mem>>)
    %dma_start3A_146 = arith.constant 0 : i32
    %dma_start3A_147 = tpu.memref_slice %arg4[%add3A_139, %dma_start3A_146] : memref<7680x128xi32, #tpu.memory_space<hbm>> -> memref<1x128xi32, #tpu.memory_space<hbm>>
    %dma_start3A_148 = tpu.memref_squeeze %dma_start3A_147 : memref<1x128xi32, #tpu.memory_space<hbm>> -> memref<128xi32, #tpu.memory_space<hbm>>
    %dma_start3A_149 = arith.constant 0 : i32
    %dma_start3A_150 = tpu.memref_slice %arg4[%add3A_139, %dma_start3A_149] : memref<7680x128xi32, #tpu.memory_space<hbm>> -> memref<1x128xi32, #tpu.memory_space<hbm>>
    %dma_start3A_151 = tpu.memref_squeeze %dma_start3A_150 : memref<1x128xi32, #tpu.memory_space<hbm>> -> memref<128xi32, #tpu.memory_space<hbm>>
    tpu.enqueue_dma source(%dma_start3A_151 : memref<128xi32, #tpu.memory_space<hbm>>) target(%arg14 : memref<128xi32, #tpu.memory_space<vmem>>) target_semaphore(%arg20 : memref<!tpu.dma_semaphore, #tpu.memory_space<semaphore_mem>>)
    %dma_wait3A_152 = arith.constant 0 : i32
    %dma_wait3A_153 = arith.constant 0 : i32
    %dma_wait3A_154 = tpu.memref_slice %arg3[%dma_wait3A_152, %dma_wait3A_153] : memref<7680x128xi32, #tpu.memory_space<hbm>> -> memref<1x128xi32, #tpu.memory_space<hbm>>
    %dma_wait3A_155 = tpu.memref_squeeze %dma_wait3A_154 : memref<1x128xi32, #tpu.memory_space<hbm>> -> memref<128xi32, #tpu.memory_space<hbm>>
    %dma_wait3A_156 = arith.constant 0 : i32
    %dma_wait3A_157 = tpu.memref_slice %arg3[%dma_wait3A_152, %dma_wait3A_156] : memref<7680x128xi32, #tpu.memory_space<hbm>> -> memref<1x128xi32, #tpu.memory_space<hbm>>
    %dma_wait3A_158 = tpu.memref_squeeze %dma_wait3A_157 : memref<1x128xi32, #tpu.memory_space<hbm>> -> memref<128xi32, #tpu.memory_space<hbm>>
    tpu.wait_dma2 semaphore(%arg18 : memref<!tpu.dma_semaphore, #tpu.memory_space<semaphore_mem>>) src(%dma_wait3A_158 : memref<128xi32, #tpu.memory_space<hbm>>) dst(%arg8 : memref<128xi32, #tpu.memory_space<vmem>>)
    %dma_wait3A_159 = arith.constant 0 : i32
    %dma_wait3A_160 = arith.constant 0 : i32
    %dma_wait3A_161 = tpu.memref_slice %arg3[%dma_wait3A_159, %dma_wait3A_160] : memref<7680x128xi32, #tpu.memory_space<hbm>> -> memref<1x128xi32, #tpu.memory_space<hbm>>
    %dma_wait3A_162 = tpu.memref_squeeze %dma_wait3A_161 : memref<1x128xi32, #tpu.memory_space<hbm>> -> memref<128xi32, #tpu.memory_space<hbm>>
    %dma_wait3A_163 = arith.constant 0 : i32
    %dma_wait3A_164 = tpu.memref_slice %arg3[%dma_wait3A_159, %dma_wait3A_163] : memref<7680x128xi32, #tpu.memory_space<hbm>> -> memref<1x128xi32, #tpu.memory_space<hbm>>
    %dma_wait3A_165 = tpu.memref_squeeze %dma_wait3A_164 : memref<1x128xi32, #tpu.memory_space<hbm>> -> memref<128xi32, #tpu.memory_space<hbm>>
    tpu.wait_dma2 semaphore(%arg18 : memref<!tpu.dma_semaphore, #tpu.memory_space<semaphore_mem>>) src(%dma_wait3A_165 : memref<128xi32, #tpu.memory_space<hbm>>) dst(%arg12 : memref<128xi32, #tpu.memory_space<vmem>>)
    %dma_start3A_166 = arith.constant 0 : i32
    %dma_start3A_167 = arith.constant 0 : i32
    %dma_start3A_168 = tpu.memref_slice %arg2[%dma_start3A_166, %dma_start3A_167] : memref<30000x128xf32, #tpu.memory_space<hbm>> -> memref<30000x128xf32, #tpu.memory_space<hbm>>
    tpu.enqueue_indirect_dma source(%dma_start3A_168 : memref<30000x128xf32, #tpu.memory_space<hbm>>) target(%arg16 : memref<128x128xf32, #tpu.memory_space<vmem>>) offsets(%arg8 : memref<128xi32, #tpu.memory_space<vmem>>) semaphore(%arg22 : memref<!tpu.dma_semaphore, #tpu.memory_space<semaphore_mem>>)
    %scan3A_169 = arith.constant 0 : i32
    %scan3A_170 = arith.constant 0 : i32
    %scan3A_171 = arith.constant 20 : i32
    %scan3A_172 = arith.addi %scan3A_170, %scan3A_171 : i32
    %scan3A_173 = arith.constant 1 : i32
    scf.for %scan3A_302 = %scan3A_170 to %scan3A_172 step %scan3A_173  : i32 {
      %mul3A_303 = arith.constant 4 : i32
      %mul3A_304 = arith.muli %scan3A_302, %mul3A_303 : i32
      %add3A_305 = arith.constant 0 : i32
      %add3A_306 = arith.addi %mul3A_304, %add3A_305 : i32
      %gt3A = arith.constant 0 : i32
      %gt3A_307 = arith.cmpi sgt, %add3A_306, %gt3A : i32
      %convert_element_type3A_308 = arith.extui %gt3A_307 : i1 to i32
      %cond3A_309 = arith.constant 0 : i32
      %cond3A_310 = arith.cmpi ne, %convert_element_type3A_308, %cond3A_309 : i32
      scf.if %cond3A_310 {
        %dma_wait3A_414 = arith.constant 0 : i32
        %dma_wait3A_415 = arith.constant 0 : i32
        %dma_wait3A_416 = tpu.memref_slice %arg2[%dma_wait3A_414, %dma_wait3A_415] : memref<30000x128xf32, #tpu.memory_space<hbm>> -> memref<128x128xf32, #tpu.memory_space<hbm>>
        %dma_wait3A_417 = arith.constant 0 : i32
        %dma_wait3A_418 = arith.constant 0 : i32
        %dma_wait3A_419 = tpu.memref_slice %arg2[%dma_wait3A_417, %dma_wait3A_418] : memref<30000x128xf32, #tpu.memory_space<hbm>> -> memref<128x128xf32, #tpu.memory_space<hbm>>
        tpu.wait_dma2 semaphore(%arg25 : memref<!tpu.dma_semaphore, #tpu.memory_space<semaphore_mem>>) src(%dma_wait3A_419 : memref<128x128xf32, #tpu.memory_space<hbm>>) dst(%arg17 : memref<128x128xf32, #tpu.memory_space<vmem>>)
      } else {
      }
      %lt3A_311 = arith.constant 79 : i32
      %lt3A_312 = arith.cmpi slt, %add3A_306, %lt3A_311 : i32
      %convert_element_type3A_313 = arith.extui %lt3A_312 : i1 to i32
      %cond3A_314 = arith.constant 0 : i32
      %cond3A_315 = arith.cmpi ne, %convert_element_type3A_313, %cond3A_314 : i32
      scf.if %cond3A_315 {
        %dma_wait3A_414 = arith.constant 0 : i32
        %dma_wait3A_415 = arith.constant 0 : i32
        %dma_wait3A_416 = tpu.memref_slice %arg3[%dma_wait3A_414, %dma_wait3A_415] : memref<7680x128xi32, #tpu.memory_space<hbm>> -> memref<1x128xi32, #tpu.memory_space<hbm>>
        %dma_wait3A_417 = tpu.memref_squeeze %dma_wait3A_416 : memref<1x128xi32, #tpu.memory_space<hbm>> -> memref<128xi32, #tpu.memory_space<hbm>>
        %dma_wait3A_418 = arith.constant 0 : i32
        %dma_wait3A_419 = tpu.memref_slice %arg3[%dma_wait3A_414, %dma_wait3A_418] : memref<7680x128xi32, #tpu.memory_space<hbm>> -> memref<1x128xi32, #tpu.memory_space<hbm>>
        %dma_wait3A_420 = tpu.memref_squeeze %dma_wait3A_419 : memref<1x128xi32, #tpu.memory_space<hbm>> -> memref<128xi32, #tpu.memory_space<hbm>>
        tpu.wait_dma2 semaphore(%arg19 : memref<!tpu.dma_semaphore, #tpu.memory_space<semaphore_mem>>) src(%dma_wait3A_420 : memref<128xi32, #tpu.memory_space<hbm>>) dst(%arg9 : memref<128xi32, #tpu.memory_space<vmem>>)
        %dma_wait3A_421 = arith.constant 0 : i32
        %dma_wait3A_422 = arith.constant 0 : i32
        %dma_wait3A_423 = tpu.memref_slice %arg3[%dma_wait3A_421, %dma_wait3A_422] : memref<7680x128xi32, #tpu.memory_space<hbm>> -> memref<1x128xi32, #tpu.memory_space<hbm>>
        %dma_wait3A_424 = tpu.memref_squeeze %dma_wait3A_423 : memref<1x128xi32, #tpu.memory_space<hbm>> -> memref<128xi32, #tpu.memory_space<hbm>>
        %dma_wait3A_425 = arith.constant 0 : i32
        %dma_wait3A_426 = tpu.memref_slice %arg3[%dma_wait3A_421, %dma_wait3A_425] : memref<7680x128xi32, #tpu.memory_space<hbm>> -> memref<1x128xi32, #tpu.memory_space<hbm>>
        %dma_wait3A_427 = tpu.memref_squeeze %dma_wait3A_426 : memref<1x128xi32, #tpu.memory_space<hbm>> -> memref<128xi32, #tpu.memory_space<hbm>>
        tpu.wait_dma2 semaphore(%arg19 : memref<!tpu.dma_semaphore, #tpu.memory_space<semaphore_mem>>) src(%dma_wait3A_427 : memref<128xi32, #tpu.memory_space<hbm>>) dst(%arg13 : memref<128xi32, #tpu.memory_space<vmem>>)
        %dma_start3A_428 = arith.constant 0 : i32
        %dma_start3A_429 = arith.constant 0 : i32
        %dma_start3A_430 = tpu.memref_slice %arg2[%dma_start3A_428, %dma_start3A_429] : memref<30000x128xf32, #tpu.memory_space<hbm>> -> memref<30000x128xf32, #tpu.memory_space<hbm>>
        tpu.enqueue_indirect_dma source(%dma_start3A_430 : memref<30000x128xf32, #tpu.memory_space<hbm>>) target(%arg17 : memref<128x128xf32, #tpu.memory_space<vmem>>) offsets(%arg9 : memref<128xi32, #tpu.memory_space<vmem>>) semaphore(%arg23 : memref<!tpu.dma_semaphore, #tpu.memory_space<semaphore_mem>>)
      } else {
      }
      %lt3A_316 = arith.constant 77 : i32
      %lt3A_317 = arith.cmpi slt, %add3A_306, %lt3A_316 : i32
      %convert_element_type3A_318 = arith.extui %lt3A_317 : i1 to i32
      %cond3A_319 = arith.constant 0 : i32
      %cond3A_320 = arith.cmpi ne, %convert_element_type3A_318, %cond3A_319 : i32
      scf.if %cond3A_320 {
        %add3A_414 = arith.addi %add3A_111, %add3A_306 : i32
        %add3A_415 = arith.constant 3 : i32
        %add3A_416 = arith.addi %add3A_414, %add3A_415 : i32
        %dma_start3A_417 = arith.constant 0 : i32
        %dma_start3A_418 = tpu.memref_slice %arg3[%add3A_416, %dma_start3A_417] : memref<7680x128xi32, #tpu.memory_space<hbm>> -> memref<1x128xi32, #tpu.memory_space<hbm>>
        %dma_start3A_419 = tpu.memref_squeeze %dma_start3A_418 : memref<1x128xi32, #tpu.memory_space<hbm>> -> memref<128xi32, #tpu.memory_space<hbm>>
        %dma_start3A_420 = arith.constant 0 : i32
        %dma_start3A_421 = tpu.memref_slice %arg3[%add3A_416, %dma_start3A_420] : memref<7680x128xi32, #tpu.memory_space<hbm>> -> memref<1x128xi32, #tpu.memory_space<hbm>>
        %dma_start3A_422 = tpu.memref_squeeze %dma_start3A_421 : memref<1x128xi32, #tpu.memory_space<hbm>> -> memref<128xi32, #tpu.memory_space<hbm>>
        tpu.enqueue_dma source(%dma_start3A_422 : memref<128xi32, #tpu.memory_space<hbm>>) target(%arg11 : memref<128xi32, #tpu.memory_space<vmem>>) target_semaphore(%arg21 : memref<!tpu.dma_semaphore, #tpu.memory_space<semaphore_mem>>)
        %dma_start3A_423 = arith.constant 0 : i32
        %dma_start3A_424 = tpu.memref_slice %arg4[%add3A_416, %dma_start3A_423] : memref<7680x128xi32, #tpu.memory_space<hbm>> -> memref<1x128xi32, #tpu.memory_space<hbm>>
        %dma_start3A_425 = tpu.memref_squeeze %dma_start3A_424 : memref<1x128xi32, #tpu.memory_space<hbm>> -> memref<128xi32, #tpu.memory_space<hbm>>
        %dma_start3A_426 = arith.constant 0 : i32
        %dma_start3A_427 = tpu.memref_slice %arg4[%add3A_416, %dma_start3A_426] : memref<7680x128xi32, #tpu.memory_space<hbm>> -> memref<1x128xi32, #tpu.memory_space<hbm>>
        %dma_start3A_428 = tpu.memref_squeeze %dma_start3A_427 : memref<1x128xi32, #tpu.memory_space<hbm>> -> memref<128xi32, #tpu.memory_space<hbm>>
        tpu.enqueue_dma source(%dma_start3A_428 : memref<128xi32, #tpu.memory_space<hbm>>) target(%arg15 : memref<128xi32, #tpu.memory_space<vmem>>) target_semaphore(%arg21 : memref<!tpu.dma_semaphore, #tpu.memory_space<semaphore_mem>>)
      } else {
      }
      %dma_wait3A_321 = arith.constant 0 : i32
      %dma_wait3A_322 = arith.constant 0 : i32
      %dma_wait3A_323 = tpu.memref_slice %arg2[%dma_wait3A_321, %dma_wait3A_322] : memref<30000x128xf32, #tpu.memory_space<hbm>> -> memref<128x128xf32, #tpu.memory_space<hbm>>
      %dma_wait3A_324 = arith.constant 0 : i32
      %dma_wait3A_325 = arith.constant 0 : i32
      %dma_wait3A_326 = tpu.memref_slice %arg2[%dma_wait3A_324, %dma_wait3A_325] : memref<30000x128xf32, #tpu.memory_space<hbm>> -> memref<128x128xf32, #tpu.memory_space<hbm>>
      tpu.wait_dma2 semaphore(%arg22 : memref<!tpu.dma_semaphore, #tpu.memory_space<semaphore_mem>>) src(%dma_wait3A_326 : memref<128x128xf32, #tpu.memory_space<hbm>>) dst(%arg16 : memref<128x128xf32, #tpu.memory_space<vmem>>)
      %dma_start3A_327 = arith.constant 0 : i32
      %dma_start3A_328 = arith.constant 0 : i32
      %dma_start3A_329 = tpu.memref_slice %arg7[%dma_start3A_327, %dma_start3A_328] : memref<10240x128xf32, #tpu.memory_space<vmem_shared>> -> memref<10240x128xf32, #tpu.memory_space<vmem_shared>>
      tpu.enqueue_indirect_dma source(%arg16 : memref<128x128xf32, #tpu.memory_space<vmem>>) target(%dma_start3A_329 : memref<10240x128xf32, #tpu.memory_space<vmem_shared>>) offsets(%arg12 : memref<128xi32, #tpu.memory_space<vmem>>) semaphore(%arg24 : memref<!tpu.dma_semaphore, #tpu.memory_space<semaphore_mem>>) {add = true}
      %mul3A_330 = arith.constant 4 : i32
      %mul3A_331 = arith.muli %scan3A_302, %mul3A_330 : i32
      %add3A_332 = arith.constant 1 : i32
      %add3A_333 = arith.addi %mul3A_331, %add3A_332 : i32
      %gt3A_334 = arith.constant 0 : i32
      %gt3A_335 = arith.cmpi sgt, %add3A_333, %gt3A_334 : i32
      %convert_element_type3A_336 = arith.extui %gt3A_335 : i1 to i32
      %cond3A_337 = arith.constant 0 : i32
      %cond3A_338 = arith.cmpi ne, %convert_element_type3A_336, %cond3A_337 : i32
      scf.if %cond3A_338 {
        %dma_wait3A_414 = arith.constant 0 : i32
        %dma_wait3A_415 = arith.constant 0 : i32
        %dma_wait3A_416 = tpu.memref_slice %arg2[%dma_wait3A_414, %dma_wait3A_415] : memref<30000x128xf32, #tpu.memory_space<hbm>> -> memref<128x128xf32, #tpu.memory_space<hbm>>
        %dma_wait3A_417 = arith.constant 0 : i32
        %dma_wait3A_418 = arith.constant 0 : i32
        %dma_wait3A_419 = tpu.memref_slice %arg2[%dma_wait3A_417, %dma_wait3A_418] : memref<30000x128xf32, #tpu.memory_space<hbm>> -> memref<128x128xf32, #tpu.memory_space<hbm>>
        tpu.wait_dma2 semaphore(%arg24 : memref<!tpu.dma_semaphore, #tpu.memory_space<semaphore_mem>>) src(%dma_wait3A_419 : memref<128x128xf32, #tpu.memory_space<hbm>>) dst(%arg16 : memref<128x128xf32, #tpu.memory_space<vmem>>)
      } else {
      }
      %lt3A_339 = arith.constant 79 : i32
      %lt3A_340 = arith.cmpi slt, %add3A_333, %lt3A_339 : i32
      %convert_element_type3A_341 = arith.extui %lt3A_340 : i1 to i32
      %cond3A_342 = arith.constant 0 : i32
      %cond3A_343 = arith.cmpi ne, %convert_element_type3A_341, %cond3A_342 : i32
      scf.if %cond3A_343 {
        %dma_wait3A_414 = arith.constant 0 : i32
        %dma_wait3A_415 = arith.constant 0 : i32
        %dma_wait3A_416 = tpu.memref_slice %arg3[%dma_wait3A_414, %dma_wait3A_415] : memref<7680x128xi32, #tpu.memory_space<hbm>> -> memref<1x128xi32, #tpu.memory_space<hbm>>
        %dma_wait3A_417 = tpu.memref_squeeze %dma_wait3A_416 : memref<1x128xi32, #tpu.memory_space<hbm>> -> memref<128xi32, #tpu.memory_space<hbm>>
        %dma_wait3A_418 = arith.constant 0 : i32
        %dma_wait3A_419 = tpu.memref_slice %arg3[%dma_wait3A_414, %dma_wait3A_418] : memref<7680x128xi32, #tpu.memory_space<hbm>> -> memref<1x128xi32, #tpu.memory_space<hbm>>
        %dma_wait3A_420 = tpu.memref_squeeze %dma_wait3A_419 : memref<1x128xi32, #tpu.memory_space<hbm>> -> memref<128xi32, #tpu.memory_space<hbm>>
        tpu.wait_dma2 semaphore(%arg20 : memref<!tpu.dma_semaphore, #tpu.memory_space<semaphore_mem>>) src(%dma_wait3A_420 : memref<128xi32, #tpu.memory_space<hbm>>) dst(%arg10 : memref<128xi32, #tpu.memory_space<vmem>>)
        %dma_wait3A_421 = arith.constant 0 : i32
        %dma_wait3A_422 = arith.constant 0 : i32
        %dma_wait3A_423 = tpu.memref_slice %arg3[%dma_wait3A_421, %dma_wait3A_422] : memref<7680x128xi32, #tpu.memory_space<hbm>> -> memref<1x128xi32, #tpu.memory_space<hbm>>
        %dma_wait3A_424 = tpu.memref_squeeze %dma_wait3A_423 : memref<1x128xi32, #tpu.memory_space<hbm>> -> memref<128xi32, #tpu.memory_space<hbm>>
        %dma_wait3A_425 = arith.constant 0 : i32
        %dma_wait3A_426 = tpu.memref_slice %arg3[%dma_wait3A_421, %dma_wait3A_425] : memref<7680x128xi32, #tpu.memory_space<hbm>> -> memref<1x128xi32, #tpu.memory_space<hbm>>
        %dma_wait3A_427 = tpu.memref_squeeze %dma_wait3A_426 : memref<1x128xi32, #tpu.memory_space<hbm>> -> memref<128xi32, #tpu.memory_space<hbm>>
        tpu.wait_dma2 semaphore(%arg20 : memref<!tpu.dma_semaphore, #tpu.memory_space<semaphore_mem>>) src(%dma_wait3A_427 : memref<128xi32, #tpu.memory_space<hbm>>) dst(%arg14 : memref<128xi32, #tpu.memory_space<vmem>>)
        %dma_start3A_428 = arith.constant 0 : i32
        %dma_start3A_429 = arith.constant 0 : i32
        %dma_start3A_430 = tpu.memref_slice %arg2[%dma_start3A_428, %dma_start3A_429] : memref<30000x128xf32, #tpu.memory_space<hbm>> -> memref<30000x128xf32, #tpu.memory_space<hbm>>
        tpu.enqueue_indirect_dma source(%dma_start3A_430 : memref<30000x128xf32, #tpu.memory_space<hbm>>) target(%arg16 : memref<128x128xf32, #tpu.memory_space<vmem>>) offsets(%arg10 : memref<128xi32, #tpu.memory_space<vmem>>) semaphore(%arg22 : memref<!tpu.dma_semaphore, #tpu.memory_space<semaphore_mem>>)
      } else {
      }
      %lt3A_344 = arith.constant 77 : i32
      %lt3A_345 = arith.cmpi slt, %add3A_333, %lt3A_344 : i32
      %convert_element_type3A_346 = arith.extui %lt3A_345 : i1 to i32
      %cond3A_347 = arith.constant 0 : i32
      %cond3A_348 = arith.cmpi ne, %convert_element_type3A_346, %cond3A_347 : i32
      scf.if %cond3A_348 {
        %add3A_414 = arith.addi %add3A_111, %add3A_333 : i32
        %add3A_415 = arith.constant 3 : i32
        %add3A_416 = arith.addi %add3A_414, %add3A_415 : i32
        %dma_start3A_417 = arith.constant 0 : i32
        %dma_start3A_418 = tpu.memref_slice %arg3[%add3A_416, %dma_start3A_417] : memref<7680x128xi32, #tpu.memory_space<hbm>> -> memref<1x128xi32, #tpu.memory_space<hbm>>
        %dma_start3A_419 = tpu.memref_squeeze %dma_start3A_418 : memref<1x128xi32, #tpu.memory_space<hbm>> -> memref<128xi32, #tpu.memory_space<hbm>>
        %dma_start3A_420 = arith.constant 0 : i32
        %dma_start3A_421 = tpu.memref_slice %arg3[%add3A_416, %dma_start3A_420] : memref<7680x128xi32, #tpu.memory_space<hbm>> -> memref<1x128xi32, #tpu.memory_space<hbm>>
        %dma_start3A_422 = tpu.memref_squeeze %dma_start3A_421 : memref<1x128xi32, #tpu.memory_space<hbm>> -> memref<128xi32, #tpu.memory_space<hbm>>
        tpu.enqueue_dma source(%dma_start3A_422 : memref<128xi32, #tpu.memory_space<hbm>>) target(%arg8 : memref<128xi32, #tpu.memory_space<vmem>>) target_semaphore(%arg18 : memref<!tpu.dma_semaphore, #tpu.memory_space<semaphore_mem>>)
        %dma_start3A_423 = arith.constant 0 : i32
        %dma_start3A_424 = tpu.memref_slice %arg4[%add3A_416, %dma_start3A_423] : memref<7680x128xi32, #tpu.memory_space<hbm>> -> memref<1x128xi32, #tpu.memory_space<hbm>>
        %dma_start3A_425 = tpu.memref_squeeze %dma_start3A_424 : memref<1x128xi32, #tpu.memory_space<hbm>> -> memref<128xi32, #tpu.memory_space<hbm>>
        %dma_start3A_426 = arith.constant 0 : i32
        %dma_start3A_427 = tpu.memref_slice %arg4[%add3A_416, %dma_start3A_426] : memref<7680x128xi32, #tpu.memory_space<hbm>> -> memref<1x128xi32, #tpu.memory_space<hbm>>
        %dma_start3A_428 = tpu.memref_squeeze %dma_start3A_427 : memref<1x128xi32, #tpu.memory_space<hbm>> -> memref<128xi32, #tpu.memory_space<hbm>>
        tpu.enqueue_dma source(%dma_start3A_428 : memref<128xi32, #tpu.memory_space<hbm>>) target(%arg12 : memref<128xi32, #tpu.memory_space<vmem>>) target_semaphore(%arg18 : memref<!tpu.dma_semaphore, #tpu.memory_space<semaphore_mem>>)
      } else {
      }
      %dma_wait3A_349 = arith.constant 0 : i32
      %dma_wait3A_350 = arith.constant 0 : i32
      %dma_wait3A_351 = tpu.memref_slice %arg2[%dma_wait3A_349, %dma_wait3A_350] : memref<30000x128xf32, #tpu.memory_space<hbm>> -> memref<128x128xf32, #tpu.memory_space<hbm>>
      %dma_wait3A_352 = arith.constant 0 : i32
      %dma_wait3A_353 = arith.constant 0 : i32
      %dma_wait3A_354 = tpu.memref_slice %arg2[%dma_wait3A_352, %dma_wait3A_353] : memref<30000x128xf32, #tpu.memory_space<hbm>> -> memref<128x128xf32, #tpu.memory_space<hbm>>
      tpu.wait_dma2 semaphore(%arg23 : memref<!tpu.dma_semaphore, #tpu.memory_space<semaphore_mem>>) src(%dma_wait3A_354 : memref<128x128xf32, #tpu.memory_space<hbm>>) dst(%arg17 : memref<128x128xf32, #tpu.memory_space<vmem>>)
      %dma_start3A_355 = arith.constant 0 : i32
      %dma_start3A_356 = arith.constant 0 : i32
      %dma_start3A_357 = tpu.memref_slice %arg7[%dma_start3A_355, %dma_start3A_356] : memref<10240x128xf32, #tpu.memory_space<vmem_shared>> -> memref<10240x128xf32, #tpu.memory_space<vmem_shared>>
      tpu.enqueue_indirect_dma source(%arg17 : memref<128x128xf32, #tpu.memory_space<vmem>>) target(%dma_start3A_357 : memref<10240x128xf32, #tpu.memory_space<vmem_shared>>) offsets(%arg13 : memref<128xi32, #tpu.memory_space<vmem>>) semaphore(%arg25 : memref<!tpu.dma_semaphore, #tpu.memory_space<semaphore_mem>>) {add = true}
      %mul3A_358 = arith.constant 4 : i32
      %mul3A_359 = arith.muli %scan3A_302, %mul3A_358 : i32
      %add3A_360 = arith.constant 2 : i32
      %add3A_361 = arith.addi %mul3A_359, %add3A_360 : i32
      %gt3A_362 = arith.constant 0 : i32
      %gt3A_363 = arith.cmpi sgt, %add3A_361, %gt3A_362 : i32
      %convert_element_type3A_364 = arith.extui %gt3A_363 : i1 to i32
      %cond3A_365 = arith.constant 0 : i32
      %cond3A_366 = arith.cmpi ne, %convert_element_type3A_364, %cond3A_365 : i32
      scf.if %cond3A_366 {
        %dma_wait3A_414 = arith.constant 0 : i32
        %dma_wait3A_415 = arith.constant 0 : i32
        %dma_wait3A_416 = tpu.memref_slice %arg2[%dma_wait3A_414, %dma_wait3A_415] : memref<30000x128xf32, #tpu.memory_space<hbm>> -> memref<128x128xf32, #tpu.memory_space<hbm>>
        %dma_wait3A_417 = arith.constant 0 : i32
        %dma_wait3A_418 = arith.constant 0 : i32
        %dma_wait3A_419 = tpu.memref_slice %arg2[%dma_wait3A_417, %dma_wait3A_418] : memref<30000x128xf32, #tpu.memory_space<hbm>> -> memref<128x128xf32, #tpu.memory_space<hbm>>
        tpu.wait_dma2 semaphore(%arg25 : memref<!tpu.dma_semaphore, #tpu.memory_space<semaphore_mem>>) src(%dma_wait3A_419 : memref<128x128xf32, #tpu.memory_space<hbm>>) dst(%arg17 : memref<128x128xf32, #tpu.memory_space<vmem>>)
      } else {
      }
      %lt3A_367 = arith.constant 79 : i32
      %lt3A_368 = arith.cmpi slt, %add3A_361, %lt3A_367 : i32
      %convert_element_type3A_369 = arith.extui %lt3A_368 : i1 to i32
      %cond3A_370 = arith.constant 0 : i32
      %cond3A_371 = arith.cmpi ne, %convert_element_type3A_369, %cond3A_370 : i32
      scf.if %cond3A_371 {
        %dma_wait3A_414 = arith.constant 0 : i32
        %dma_wait3A_415 = arith.constant 0 : i32
        %dma_wait3A_416 = tpu.memref_slice %arg3[%dma_wait3A_414, %dma_wait3A_415] : memref<7680x128xi32, #tpu.memory_space<hbm>> -> memref<1x128xi32, #tpu.memory_space<hbm>>
        %dma_wait3A_417 = tpu.memref_squeeze %dma_wait3A_416 : memref<1x128xi32, #tpu.memory_space<hbm>> -> memref<128xi32, #tpu.memory_space<hbm>>
        %dma_wait3A_418 = arith.constant 0 : i32
        %dma_wait3A_419 = tpu.memref_slice %arg3[%dma_wait3A_414, %dma_wait3A_418] : memref<7680x128xi32, #tpu.memory_space<hbm>> -> memref<1x128xi32, #tpu.memory_space<hbm>>
        %dma_wait3A_420 = tpu.memref_squeeze %dma_wait3A_419 : memref<1x128xi32, #tpu.memory_space<hbm>> -> memref<128xi32, #tpu.memory_space<hbm>>
        tpu.wait_dma2 semaphore(%arg21 : memref<!tpu.dma_semaphore, #tpu.memory_space<semaphore_mem>>) src(%dma_wait3A_420 : memref<128xi32, #tpu.memory_space<hbm>>) dst(%arg11 : memref<128xi32, #tpu.memory_space<vmem>>)
        %dma_wait3A_421 = arith.constant 0 : i32
        %dma_wait3A_422 = arith.constant 0 : i32
        %dma_wait3A_423 = tpu.memref_slice %arg3[%dma_wait3A_421, %dma_wait3A_422] : memref<7680x128xi32, #tpu.memory_space<hbm>> -> memref<1x128xi32, #tpu.memory_space<hbm>>
        %dma_wait3A_424 = tpu.memref_squeeze %dma_wait3A_423 : memref<1x128xi32, #tpu.memory_space<hbm>> -> memref<128xi32, #tpu.memory_space<hbm>>
        %dma_wait3A_425 = arith.constant 0 : i32
        %dma_wait3A_426 = tpu.memref_slice %arg3[%dma_wait3A_421, %dma_wait3A_425] : memref<7680x128xi32, #tpu.memory_space<hbm>> -> memref<1x128xi32, #tpu.memory_space<hbm>>
        %dma_wait3A_427 = tpu.memref_squeeze %dma_wait3A_426 : memref<1x128xi32, #tpu.memory_space<hbm>> -> memref<128xi32, #tpu.memory_space<hbm>>
        tpu.wait_dma2 semaphore(%arg21 : memref<!tpu.dma_semaphore, #tpu.memory_space<semaphore_mem>>) src(%dma_wait3A_427 : memref<128xi32, #tpu.memory_space<hbm>>) dst(%arg15 : memref<128xi32, #tpu.memory_space<vmem>>)
        %dma_start3A_428 = arith.constant 0 : i32
        %dma_start3A_429 = arith.constant 0 : i32
        %dma_start3A_430 = tpu.memref_slice %arg2[%dma_start3A_428, %dma_start3A_429] : memref<30000x128xf32, #tpu.memory_space<hbm>> -> memref<30000x128xf32, #tpu.memory_space<hbm>>
        tpu.enqueue_indirect_dma source(%dma_start3A_430 : memref<30000x128xf32, #tpu.memory_space<hbm>>) target(%arg17 : memref<128x128xf32, #tpu.memory_space<vmem>>) offsets(%arg11 : memref<128xi32, #tpu.memory_space<vmem>>) semaphore(%arg23 : memref<!tpu.dma_semaphore, #tpu.memory_space<semaphore_mem>>)
      } else {
      }
      %lt3A_372 = arith.constant 77 : i32
      %lt3A_373 = arith.cmpi slt, %add3A_361, %lt3A_372 : i32
      %convert_element_type3A_374 = arith.extui %lt3A_373 : i1 to i32
      %cond3A_375 = arith.constant 0 : i32
      %cond3A_376 = arith.cmpi ne, %convert_element_type3A_374, %cond3A_375 : i32
      scf.if %cond3A_376 {
        %add3A_414 = arith.addi %add3A_111, %add3A_361 : i32
        %add3A_415 = arith.constant 3 : i32
        %add3A_416 = arith.addi %add3A_414, %add3A_415 : i32
        %dma_start3A_417 = arith.constant 0 : i32
        %dma_start3A_418 = tpu.memref_slice %arg3[%add3A_416, %dma_start3A_417] : memref<7680x128xi32, #tpu.memory_space<hbm>> -> memref<1x128xi32, #tpu.memory_space<hbm>>
        %dma_start3A_419 = tpu.memref_squeeze %dma_start3A_418 : memref<1x128xi32, #tpu.memory_space<hbm>> -> memref<128xi32, #tpu.memory_space<hbm>>
        %dma_start3A_420 = arith.constant 0 : i32
        %dma_start3A_421 = tpu.memref_slice %arg3[%add3A_416, %dma_start3A_420] : memref<7680x128xi32, #tpu.memory_space<hbm>> -> memref<1x128xi32, #tpu.memory_space<hbm>>
        %dma_start3A_422 = tpu.memref_squeeze %dma_start3A_421 : memref<1x128xi32, #tpu.memory_space<hbm>> -> memref<128xi32, #tpu.memory_space<hbm>>
        tpu.enqueue_dma source(%dma_start3A_422 : memref<128xi32, #tpu.memory_space<hbm>>) target(%arg9 : memref<128xi32, #tpu.memory_space<vmem>>) target_semaphore(%arg19 : memref<!tpu.dma_semaphore, #tpu.memory_space<semaphore_mem>>)
        %dma_start3A_423 = arith.constant 0 : i32
        %dma_start3A_424 = tpu.memref_slice %arg4[%add3A_416, %dma_start3A_423] : memref<7680x128xi32, #tpu.memory_space<hbm>> -> memref<1x128xi32, #tpu.memory_space<hbm>>
        %dma_start3A_425 = tpu.memref_squeeze %dma_start3A_424 : memref<1x128xi32, #tpu.memory_space<hbm>> -> memref<128xi32, #tpu.memory_space<hbm>>
        %dma_start3A_426 = arith.constant 0 : i32
        %dma_start3A_427 = tpu.memref_slice %arg4[%add3A_416, %dma_start3A_426] : memref<7680x128xi32, #tpu.memory_space<hbm>> -> memref<1x128xi32, #tpu.memory_space<hbm>>
        %dma_start3A_428 = tpu.memref_squeeze %dma_start3A_427 : memref<1x128xi32, #tpu.memory_space<hbm>> -> memref<128xi32, #tpu.memory_space<hbm>>
        tpu.enqueue_dma source(%dma_start3A_428 : memref<128xi32, #tpu.memory_space<hbm>>) target(%arg13 : memref<128xi32, #tpu.memory_space<vmem>>) target_semaphore(%arg19 : memref<!tpu.dma_semaphore, #tpu.memory_space<semaphore_mem>>)
      } else {
      }
      %dma_wait3A_377 = arith.constant 0 : i32
      %dma_wait3A_378 = arith.constant 0 : i32
      %dma_wait3A_379 = tpu.memref_slice %arg2[%dma_wait3A_377, %dma_wait3A_378] : memref<30000x128xf32, #tpu.memory_space<hbm>> -> memref<128x128xf32, #tpu.memory_space<hbm>>
      %dma_wait3A_380 = arith.constant 0 : i32
      %dma_wait3A_381 = arith.constant 0 : i32
      %dma_wait3A_382 = tpu.memref_slice %arg2[%dma_wait3A_380, %dma_wait3A_381] : memref<30000x128xf32, #tpu.memory_space<hbm>> -> memref<128x128xf32, #tpu.memory_space<hbm>>
      tpu.wait_dma2 semaphore(%arg22 : memref<!tpu.dma_semaphore, #tpu.memory_space<semaphore_mem>>) src(%dma_wait3A_382 : memref<128x128xf32, #tpu.memory_space<hbm>>) dst(%arg16 : memref<128x128xf32, #tpu.memory_space<vmem>>)
      %dma_start3A_383 = arith.constant 0 : i32
      %dma_start3A_384 = arith.constant 0 : i32
      %dma_start3A_385 = tpu.memref_slice %arg7[%dma_start3A_383, %dma_start3A_384] : memref<10240x128xf32, #tpu.memory_space<vmem_shared>> -> memref<10240x128xf32, #tpu.memory_space<vmem_shared>>
      tpu.enqueue_indirect_dma source(%arg16 : memref<128x128xf32, #tpu.memory_space<vmem>>) target(%dma_start3A_385 : memref<10240x128xf32, #tpu.memory_space<vmem_shared>>) offsets(%arg14 : memref<128xi32, #tpu.memory_space<vmem>>) semaphore(%arg24 : memref<!tpu.dma_semaphore, #tpu.memory_space<semaphore_mem>>) {add = true}
      %mul3A_386 = arith.constant 4 : i32
      %mul3A_387 = arith.muli %scan3A_302, %mul3A_386 : i32
      %add3A_388 = arith.constant 3 : i32
      %add3A_389 = arith.addi %mul3A_387, %add3A_388 : i32
      %gt3A_390 = arith.constant 0 : i32
      %gt3A_391 = arith.cmpi sgt, %add3A_389, %gt3A_390 : i32
      %convert_element_type3A_392 = arith.extui %gt3A_391 : i1 to i32
      %cond3A_393 = arith.constant 0 : i32
      %cond3A_394 = arith.cmpi ne, %convert_element_type3A_392, %cond3A_393 : i32
      scf.if %cond3A_394 {
        %dma_wait3A_414 = arith.constant 0 : i32
        %dma_wait3A_415 = arith.constant 0 : i32
        %dma_wait3A_416 = tpu.memref_slice %arg2[%dma_wait3A_414, %dma_wait3A_415] : memref<30000x128xf32, #tpu.memory_space<hbm>> -> memref<128x128xf32, #tpu.memory_space<hbm>>
        %dma_wait3A_417 = arith.constant 0 : i32
        %dma_wait3A_418 = arith.constant 0 : i32
        %dma_wait3A_419 = tpu.memref_slice %arg2[%dma_wait3A_417, %dma_wait3A_418] : memref<30000x128xf32, #tpu.memory_space<hbm>> -> memref<128x128xf32, #tpu.memory_space<hbm>>
        tpu.wait_dma2 semaphore(%arg24 : memref<!tpu.dma_semaphore, #tpu.memory_space<semaphore_mem>>) src(%dma_wait3A_419 : memref<128x128xf32, #tpu.memory_space<hbm>>) dst(%arg16 : memref<128x128xf32, #tpu.memory_space<vmem>>)
      } else {
      }
      %lt3A_395 = arith.constant 79 : i32
      %lt3A_396 = arith.cmpi slt, %add3A_389, %lt3A_395 : i32
      %convert_element_type3A_397 = arith.extui %lt3A_396 : i1 to i32
      %cond3A_398 = arith.constant 0 : i32
      %cond3A_399 = arith.cmpi ne, %convert_element_type3A_397, %cond3A_398 : i32
      scf.if %cond3A_399 {
        %dma_wait3A_414 = arith.constant 0 : i32
        %dma_wait3A_415 = arith.constant 0 : i32
        %dma_wait3A_416 = tpu.memref_slice %arg3[%dma_wait3A_414, %dma_wait3A_415] : memref<7680x128xi32, #tpu.memory_space<hbm>> -> memref<1x128xi32, #tpu.memory_space<hbm>>
        %dma_wait3A_417 = tpu.memref_squeeze %dma_wait3A_416 : memref<1x128xi32, #tpu.memory_space<hbm>> -> memref<128xi32, #tpu.memory_space<hbm>>
        %dma_wait3A_418 = arith.constant 0 : i32
        %dma_wait3A_419 = tpu.memref_slice %arg3[%dma_wait3A_414, %dma_wait3A_418] : memref<7680x128xi32, #tpu.memory_space<hbm>> -> memref<1x128xi32, #tpu.memory_space<hbm>>
        %dma_wait3A_420 = tpu.memref_squeeze %dma_wait3A_419 : memref<1x128xi32, #tpu.memory_space<hbm>> -> memref<128xi32, #tpu.memory_space<hbm>>
        tpu.wait_dma2 semaphore(%arg18 : memref<!tpu.dma_semaphore, #tpu.memory_space<semaphore_mem>>) src(%dma_wait3A_420 : memref<128xi32, #tpu.memory_space<hbm>>) dst(%arg8 : memref<128xi32, #tpu.memory_space<vmem>>)
        %dma_wait3A_421 = arith.constant 0 : i32
        %dma_wait3A_422 = arith.constant 0 : i32
        %dma_wait3A_423 = tpu.memref_slice %arg3[%dma_wait3A_421, %dma_wait3A_422] : memref<7680x128xi32, #tpu.memory_space<hbm>> -> memref<1x128xi32, #tpu.memory_space<hbm>>
        %dma_wait3A_424 = tpu.memref_squeeze %dma_wait3A_423 : memref<1x128xi32, #tpu.memory_space<hbm>> -> memref<128xi32, #tpu.memory_space<hbm>>
        %dma_wait3A_425 = arith.constant 0 : i32
        %dma_wait3A_426 = tpu.memref_slice %arg3[%dma_wait3A_421, %dma_wait3A_425] : memref<7680x128xi32, #tpu.memory_space<hbm>> -> memref<1x128xi32, #tpu.memory_space<hbm>>
        %dma_wait3A_427 = tpu.memref_squeeze %dma_wait3A_426 : memref<1x128xi32, #tpu.memory_space<hbm>> -> memref<128xi32, #tpu.memory_space<hbm>>
        tpu.wait_dma2 semaphore(%arg18 : memref<!tpu.dma_semaphore, #tpu.memory_space<semaphore_mem>>) src(%dma_wait3A_427 : memref<128xi32, #tpu.memory_space<hbm>>) dst(%arg12 : memref<128xi32, #tpu.memory_space<vmem>>)
        %dma_start3A_428 = arith.constant 0 : i32
        %dma_start3A_429 = arith.constant 0 : i32
        %dma_start3A_430 = tpu.memref_slice %arg2[%dma_start3A_428, %dma_start3A_429] : memref<30000x128xf32, #tpu.memory_space<hbm>> -> memref<30000x128xf32, #tpu.memory_space<hbm>>
        tpu.enqueue_indirect_dma source(%dma_start3A_430 : memref<30000x128xf32, #tpu.memory_space<hbm>>) target(%arg16 : memref<128x128xf32, #tpu.memory_space<vmem>>) offsets(%arg8 : memref<128xi32, #tpu.memory_space<vmem>>) semaphore(%arg22 : memref<!tpu.dma_semaphore, #tpu.memory_space<semaphore_mem>>)
      } else {
      }
      %lt3A_400 = arith.constant 77 : i32
      %lt3A_401 = arith.cmpi slt, %add3A_389, %lt3A_400 : i32
      %convert_element_type3A_402 = arith.extui %lt3A_401 : i1 to i32
      %cond3A_403 = arith.constant 0 : i32
      %cond3A_404 = arith.cmpi ne, %convert_element_type3A_402, %cond3A_403 : i32
      scf.if %cond3A_404 {
        %add3A_414 = arith.addi %add3A_111, %add3A_389 : i32
        %add3A_415 = arith.constant 3 : i32
        %add3A_416 = arith.addi %add3A_414, %add3A_415 : i32
        %dma_start3A_417 = arith.constant 0 : i32
        %dma_start3A_418 = tpu.memref_slice %arg3[%add3A_416, %dma_start3A_417] : memref<7680x128xi32, #tpu.memory_space<hbm>> -> memref<1x128xi32, #tpu.memory_space<hbm>>
        %dma_start3A_419 = tpu.memref_squeeze %dma_start3A_418 : memref<1x128xi32, #tpu.memory_space<hbm>> -> memref<128xi32, #tpu.memory_space<hbm>>
        %dma_start3A_420 = arith.constant 0 : i32
        %dma_start3A_421 = tpu.memref_slice %arg3[%add3A_416, %dma_start3A_420] : memref<7680x128xi32, #tpu.memory_space<hbm>> -> memref<1x128xi32, #tpu.memory_space<hbm>>
        %dma_start3A_422 = tpu.memref_squeeze %dma_start3A_421 : memref<1x128xi32, #tpu.memory_space<hbm>> -> memref<128xi32, #tpu.memory_space<hbm>>
        tpu.enqueue_dma source(%dma_start3A_422 : memref<128xi32, #tpu.memory_space<hbm>>) target(%arg10 : memref<128xi32, #tpu.memory_space<vmem>>) target_semaphore(%arg20 : memref<!tpu.dma_semaphore, #tpu.memory_space<semaphore_mem>>)
        %dma_start3A_423 = arith.constant 0 : i32
        %dma_start3A_424 = tpu.memref_slice %arg4[%add3A_416, %dma_start3A_423] : memref<7680x128xi32, #tpu.memory_space<hbm>> -> memref<1x128xi32, #tpu.memory_space<hbm>>
        %dma_start3A_425 = tpu.memref_squeeze %dma_start3A_424 : memref<1x128xi32, #tpu.memory_space<hbm>> -> memref<128xi32, #tpu.memory_space<hbm>>
        %dma_start3A_426 = arith.constant 0 : i32
        %dma_start3A_427 = tpu.memref_slice %arg4[%add3A_416, %dma_start3A_426] : memref<7680x128xi32, #tpu.memory_space<hbm>> -> memref<1x128xi32, #tpu.memory_space<hbm>>
        %dma_start3A_428 = tpu.memref_squeeze %dma_start3A_427 : memref<1x128xi32, #tpu.memory_space<hbm>> -> memref<128xi32, #tpu.memory_space<hbm>>
        tpu.enqueue_dma source(%dma_start3A_428 : memref<128xi32, #tpu.memory_space<hbm>>) target(%arg14 : memref<128xi32, #tpu.memory_space<vmem>>) target_semaphore(%arg20 : memref<!tpu.dma_semaphore, #tpu.memory_space<semaphore_mem>>)
      } else {
      }
      %dma_wait3A_405 = arith.constant 0 : i32
      %dma_wait3A_406 = arith.constant 0 : i32
      %dma_wait3A_407 = tpu.memref_slice %arg2[%dma_wait3A_405, %dma_wait3A_406] : memref<30000x128xf32, #tpu.memory_space<hbm>> -> memref<128x128xf32, #tpu.memory_space<hbm>>
      %dma_wait3A_408 = arith.constant 0 : i32
      %dma_wait3A_409 = arith.constant 0 : i32
      %dma_wait3A_410 = tpu.memref_slice %arg2[%dma_wait3A_408, %dma_wait3A_409] : memref<30000x128xf32, #tpu.memory_space<hbm>> -> memref<128x128xf32, #tpu.memory_space<hbm>>
      tpu.wait_dma2 semaphore(%arg23 : memref<!tpu.dma_semaphore, #tpu.memory_space<semaphore_mem>>) src(%dma_wait3A_410 : memref<128x128xf32, #tpu.memory_space<hbm>>) dst(%arg17 : memref<128x128xf32, #tpu.memory_space<vmem>>)
      %dma_start3A_411 = arith.constant 0 : i32
      %dma_start3A_412 = arith.constant 0 : i32
      %dma_start3A_413 = tpu.memref_slice %arg7[%dma_start3A_411, %dma_start3A_412] : memref<10240x128xf32, #tpu.memory_space<vmem_shared>> -> memref<10240x128xf32, #tpu.memory_space<vmem_shared>>
      tpu.enqueue_indirect_dma source(%arg17 : memref<128x128xf32, #tpu.memory_space<vmem>>) target(%dma_start3A_413 : memref<10240x128xf32, #tpu.memory_space<vmem_shared>>) offsets(%arg15 : memref<128xi32, #tpu.memory_space<vmem>>) semaphore(%arg25 : memref<!tpu.dma_semaphore, #tpu.memory_space<semaphore_mem>>) {add = true}
    }
    %scan3A_174 = arith.constant 20 : i32
    %dma_wait3A_175 = arith.constant 0 : i32
    %dma_wait3A_176 = arith.constant 0 : i32
    %dma_wait3A_177 = tpu.memref_slice %arg2[%dma_wait3A_175, %dma_wait3A_176] : memref<30000x128xf32, #tpu.memory_space<hbm>> -> memref<128x128xf32, #tpu.memory_space<hbm>>
    %dma_wait3A_178 = arith.constant 0 : i32
    %dma_wait3A_179 = arith.constant 0 : i32
    %dma_wait3A_180 = tpu.memref_slice %arg2[%dma_wait3A_178, %dma_wait3A_179] : memref<30000x128xf32, #tpu.memory_space<hbm>> -> memref<128x128xf32, #tpu.memory_space<hbm>>
    tpu.wait_dma2 semaphore(%arg25 : memref<!tpu.dma_semaphore, #tpu.memory_space<semaphore_mem>>) src(%dma_wait3A_180 : memref<128x128xf32, #tpu.memory_space<hbm>>) dst(%arg17 : memref<128x128xf32, #tpu.memory_space<vmem>>)
    %barrier3A_181 = arith.constant 0 : index
    tpu.barrier barrier_id(%barrier3A_181)
    %mul3A_182 = arith.constant 3 : i32
    %mul3A_183 = arith.muli %arg0, %mul3A_182 : i32
    %add3A_184 = arith.constant 1 : i32
    %add3A_185 = arith.addi %mul3A_183, %add3A_184 : i32
    %mul3A_186 = arith.constant 10000 : i32
    %mul3A_187 = arith.muli %add3A_185, %mul3A_186 : i32
    %add3A_188 = arith.addi %mul3A_187, %mul3A_2 : i32
    %lt3A_189 = arith.constant 15 : i32
    %lt3A_190 = arith.cmpi slt, %arg1, %lt3A_189 : i32
    %convert_element_type3A_191 = arith.extui %lt3A_190 : i1 to i32
    %cond3A_192 = arith.constant 0 : i32
    %cond3A_193 = arith.cmpi ne, %convert_element_type3A_191, %cond3A_192 : i32
    scf.if %cond3A_193 {
      "tpu.region"() ({
        %run_scoped3A = tpu.sem_alloc : memref<!tpu.dma_semaphore, #tpu.memory_space<semaphore_mem>>
        %dma_start3A_302 = arith.constant 0 : i32
        %dma_start3A_303 = tpu.memref_slice %arg6[%add3A_188, %dma_start3A_302] : memref<60000x128xf32, #tpu.memory_space<hbm>> -> memref<632x128xf32, #tpu.memory_space<hbm>>
        %dma_start3A_304 = arith.constant 0 : i32
        %dma_start3A_305 = tpu.memref_slice %arg7[%mul3A_2, %dma_start3A_304] : memref<10240x128xf32, #tpu.memory_space<vmem_shared>> -> memref<632x128xf32, #tpu.memory_space<vmem_shared>>
        tpu.enqueue_dma source(%dma_start3A_305 : memref<632x128xf32, #tpu.memory_space<vmem_shared>>) target(%dma_start3A_303 : memref<632x128xf32, #tpu.memory_space<hbm>>) target_semaphore(%run_scoped3A : memref<!tpu.dma_semaphore, #tpu.memory_space<semaphore_mem>>)
        %dma_wait3A_306 = arith.constant 0 : i32
        %dma_wait3A_307 = tpu.memref_slice %arg6[%add3A_188, %dma_wait3A_306] : memref<60000x128xf32, #tpu.memory_space<hbm>> -> memref<632x128xf32, #tpu.memory_space<hbm>>
        %dma_wait3A_308 = arith.constant 0 : i32
        %dma_wait3A_309 = tpu.memref_slice %arg7[%mul3A_2, %dma_wait3A_308] : memref<10240x128xf32, #tpu.memory_space<vmem_shared>> -> memref<632x128xf32, #tpu.memory_space<vmem_shared>>
        tpu.wait_dma2 semaphore(%run_scoped3A : memref<!tpu.dma_semaphore, #tpu.memory_space<semaphore_mem>>) src(%dma_wait3A_309 : memref<632x128xf32, #tpu.memory_space<vmem_shared>>) dst(%dma_wait3A_307 : memref<632x128xf32, #tpu.memory_space<hbm>>)
        tpu.yield
      }) : () -> ()
    } else {
    }
    %eq3A_194 = arith.constant 15 : i32
    %eq3A_195 = arith.cmpi eq, %arg1, %eq3A_194 : i32
    %convert_element_type3A_196 = arith.extui %eq3A_195 : i1 to i32
    %cond3A_197 = arith.constant 0 : i32
    %cond3A_198 = arith.cmpi ne, %convert_element_type3A_196, %cond3A_197 : i32
    scf.if %cond3A_198 {
      "tpu.region"() ({
        %run_scoped3A = tpu.sem_alloc : memref<!tpu.dma_semaphore, #tpu.memory_space<semaphore_mem>>
        %dma_start3A_302 = arith.constant 0 : i32
        %dma_start3A_303 = tpu.memref_slice %arg6[%add3A_188, %dma_start3A_302] : memref<60000x128xf32, #tpu.memory_space<hbm>> -> memref<520x128xf32, #tpu.memory_space<hbm>>
        %dma_start3A_304 = arith.constant 0 : i32
        %dma_start3A_305 = tpu.memref_slice %arg7[%mul3A_2, %dma_start3A_304] : memref<10240x128xf32, #tpu.memory_space<vmem_shared>> -> memref<520x128xf32, #tpu.memory_space<vmem_shared>>
        tpu.enqueue_dma source(%dma_start3A_305 : memref<520x128xf32, #tpu.memory_space<vmem_shared>>) target(%dma_start3A_303 : memref<520x128xf32, #tpu.memory_space<hbm>>) target_semaphore(%run_scoped3A : memref<!tpu.dma_semaphore, #tpu.memory_space<semaphore_mem>>)
        %dma_wait3A_306 = arith.constant 0 : i32
        %dma_wait3A_307 = tpu.memref_slice %arg6[%add3A_188, %dma_wait3A_306] : memref<60000x128xf32, #tpu.memory_space<hbm>> -> memref<520x128xf32, #tpu.memory_space<hbm>>
        %dma_wait3A_308 = arith.constant 0 : i32
        %dma_wait3A_309 = tpu.memref_slice %arg7[%mul3A_2, %dma_wait3A_308] : memref<10240x128xf32, #tpu.memory_space<vmem_shared>> -> memref<520x128xf32, #tpu.memory_space<vmem_shared>>
        tpu.wait_dma2 semaphore(%run_scoped3A : memref<!tpu.dma_semaphore, #tpu.memory_space<semaphore_mem>>) src(%dma_wait3A_309 : memref<520x128xf32, #tpu.memory_space<vmem_shared>>) dst(%dma_wait3A_307 : memref<520x128xf32, #tpu.memory_space<hbm>>)
        tpu.yield
      }) : () -> ()
    } else {
    }
    %lt3A_199 = arith.constant 15 : i32
    %lt3A_200 = arith.cmpi slt, %arg1, %lt3A_199 : i32
    %convert_element_type3A_201 = arith.extui %lt3A_200 : i1 to i32
    %cond3A_202 = arith.constant 0 : i32
    %cond3A_203 = arith.cmpi ne, %convert_element_type3A_201, %cond3A_202 : i32
    scf.if %cond3A_203 {
      "tpu.region"() ({
        %run_scoped3A = tpu.sem_alloc : memref<!tpu.dma_semaphore, #tpu.memory_space<semaphore_mem>>
        %dma_start3A_302 = arith.constant 0 : i32
        %dma_start3A_303 = tpu.memref_slice %arg7[%mul3A_2, %dma_start3A_302] : memref<10240x128xf32, #tpu.memory_space<vmem_shared>> -> memref<632x128xf32, #tpu.memory_space<vmem_shared>>
        tpu.enqueue_dma source(%arg5 : memref<632x128xf32, #tpu.memory_space<hbm>>) target(%dma_start3A_303 : memref<632x128xf32, #tpu.memory_space<vmem_shared>>) target_semaphore(%run_scoped3A : memref<!tpu.dma_semaphore, #tpu.memory_space<semaphore_mem>>)
        %dma_wait3A_304 = arith.constant 0 : i32
        %dma_wait3A_305 = tpu.memref_slice %arg7[%mul3A_2, %dma_wait3A_304] : memref<10240x128xf32, #tpu.memory_space<vmem_shared>> -> memref<632x128xf32, #tpu.memory_space<vmem_shared>>
        tpu.wait_dma2 semaphore(%run_scoped3A : memref<!tpu.dma_semaphore, #tpu.memory_space<semaphore_mem>>) src(%arg5 : memref<632x128xf32, #tpu.memory_space<hbm>>) dst(%dma_wait3A_305 : memref<632x128xf32, #tpu.memory_space<vmem_shared>>)
        tpu.yield
      }) : () -> ()
    } else {
    }
    %eq3A_204 = arith.constant 15 : i32
    %eq3A_205 = arith.cmpi eq, %arg1, %eq3A_204 : i32
    %convert_element_type3A_206 = arith.extui %eq3A_205 : i1 to i32
    %cond3A_207 = arith.constant 0 : i32
    %cond3A_208 = arith.cmpi ne, %convert_element_type3A_206, %cond3A_207 : i32
    scf.if %cond3A_208 {
      "tpu.region"() ({
        %run_scoped3A = tpu.sem_alloc : memref<!tpu.dma_semaphore, #tpu.memory_space<semaphore_mem>>
        %dma_start3A_302 = arith.constant 0 : i32
        %dma_start3A_303 = tpu.memref_slice %arg7[%mul3A_2, %dma_start3A_302] : memref<10240x128xf32, #tpu.memory_space<vmem_shared>> -> memref<520x128xf32, #tpu.memory_space<vmem_shared>>
        %dma_start3A_304 = arith.constant 0 : i32
        %dma_start3A_305 = arith.constant 0 : i32
        %dma_start3A_306 = tpu.memref_slice %arg5[%dma_start3A_304, %dma_start3A_305] : memref<632x128xf32, #tpu.memory_space<hbm>> -> memref<520x128xf32, #tpu.memory_space<hbm>>
        tpu.enqueue_dma source(%dma_start3A_306 : memref<520x128xf32, #tpu.memory_space<hbm>>) target(%dma_start3A_303 : memref<520x128xf32, #tpu.memory_space<vmem_shared>>) target_semaphore(%run_scoped3A : memref<!tpu.dma_semaphore, #tpu.memory_space<semaphore_mem>>)
        %dma_wait3A_307 = arith.constant 0 : i32
        %dma_wait3A_308 = tpu.memref_slice %arg7[%mul3A_2, %dma_wait3A_307] : memref<10240x128xf32, #tpu.memory_space<vmem_shared>> -> memref<520x128xf32, #tpu.memory_space<vmem_shared>>
        %dma_wait3A_309 = arith.constant 0 : i32
        %dma_wait3A_310 = arith.constant 0 : i32
        %dma_wait3A_311 = tpu.memref_slice %arg5[%dma_wait3A_309, %dma_wait3A_310] : memref<632x128xf32, #tpu.memory_space<hbm>> -> memref<520x128xf32, #tpu.memory_space<hbm>>
        tpu.wait_dma2 semaphore(%run_scoped3A : memref<!tpu.dma_semaphore, #tpu.memory_space<semaphore_mem>>) src(%dma_wait3A_311 : memref<520x128xf32, #tpu.memory_space<hbm>>) dst(%dma_wait3A_308 : memref<520x128xf32, #tpu.memory_space<vmem_shared>>)
        tpu.yield
      }) : () -> ()
    } else {
    }
    %barrier3A_209 = arith.constant 0 : index
    tpu.barrier barrier_id(%barrier3A_209)
    %mul3A_210 = arith.constant 80 : i32
    %mul3A_211 = arith.muli %add3A, %mul3A_210 : i32
    %add3A_212 = arith.constant 5120 : i32
    %add3A_213 = arith.addi %add3A_212, %mul3A_211 : i32
    %dma_start3A_214 = arith.constant 0 : i32
    %dma_start3A_215 = tpu.memref_slice %arg3[%add3A_213, %dma_start3A_214] : memref<7680x128xi32, #tpu.memory_space<hbm>> -> memref<1x128xi32, #tpu.memory_space<hbm>>
    %dma_start3A_216 = tpu.memref_squeeze %dma_start3A_215 : memref<1x128xi32, #tpu.memory_space<hbm>> -> memref<128xi32, #tpu.memory_space<hbm>>
    %dma_start3A_217 = arith.constant 0 : i32
    %dma_start3A_218 = tpu.memref_slice %arg3[%add3A_213, %dma_start3A_217] : memref<7680x128xi32, #tpu.memory_space<hbm>> -> memref<1x128xi32, #tpu.memory_space<hbm>>
    %dma_start3A_219 = tpu.memref_squeeze %dma_start3A_218 : memref<1x128xi32, #tpu.memory_space<hbm>> -> memref<128xi32, #tpu.memory_space<hbm>>
    tpu.enqueue_dma source(%dma_start3A_219 : memref<128xi32, #tpu.memory_space<hbm>>) target(%arg8 : memref<128xi32, #tpu.memory_space<vmem>>) target_semaphore(%arg18 : memref<!tpu.dma_semaphore, #tpu.memory_space<semaphore_mem>>)
    %dma_start3A_220 = arith.constant 0 : i32
    %dma_start3A_221 = tpu.memref_slice %arg4[%add3A_213, %dma_start3A_220] : memref<7680x128xi32, #tpu.memory_space<hbm>> -> memref<1x128xi32, #tpu.memory_space<hbm>>
    %dma_start3A_222 = tpu.memref_squeeze %dma_start3A_221 : memref<1x128xi32, #tpu.memory_space<hbm>> -> memref<128xi32, #tpu.memory_space<hbm>>
    %dma_start3A_223 = arith.constant 0 : i32
    %dma_start3A_224 = tpu.memref_slice %arg4[%add3A_213, %dma_start3A_223] : memref<7680x128xi32, #tpu.memory_space<hbm>> -> memref<1x128xi32, #tpu.memory_space<hbm>>
    %dma_start3A_225 = tpu.memref_squeeze %dma_start3A_224 : memref<1x128xi32, #tpu.memory_space<hbm>> -> memref<128xi32, #tpu.memory_space<hbm>>
    tpu.enqueue_dma source(%dma_start3A_225 : memref<128xi32, #tpu.memory_space<hbm>>) target(%arg12 : memref<128xi32, #tpu.memory_space<vmem>>) target_semaphore(%arg18 : memref<!tpu.dma_semaphore, #tpu.memory_space<semaphore_mem>>)
    %add3A_226 = arith.constant 1 : i32
    %add3A_227 = arith.addi %add3A_213, %add3A_226 : i32
    %dma_start3A_228 = arith.constant 0 : i32
    %dma_start3A_229 = tpu.memref_slice %arg3[%add3A_227, %dma_start3A_228] : memref<7680x128xi32, #tpu.memory_space<hbm>> -> memref<1x128xi32, #tpu.memory_space<hbm>>
    %dma_start3A_230 = tpu.memref_squeeze %dma_start3A_229 : memref<1x128xi32, #tpu.memory_space<hbm>> -> memref<128xi32, #tpu.memory_space<hbm>>
    %dma_start3A_231 = arith.constant 0 : i32
    %dma_start3A_232 = tpu.memref_slice %arg3[%add3A_227, %dma_start3A_231] : memref<7680x128xi32, #tpu.memory_space<hbm>> -> memref<1x128xi32, #tpu.memory_space<hbm>>
    %dma_start3A_233 = tpu.memref_squeeze %dma_start3A_232 : memref<1x128xi32, #tpu.memory_space<hbm>> -> memref<128xi32, #tpu.memory_space<hbm>>
    tpu.enqueue_dma source(%dma_start3A_233 : memref<128xi32, #tpu.memory_space<hbm>>) target(%arg9 : memref<128xi32, #tpu.memory_space<vmem>>) target_semaphore(%arg19 : memref<!tpu.dma_semaphore, #tpu.memory_space<semaphore_mem>>)
    %dma_start3A_234 = arith.constant 0 : i32
    %dma_start3A_235 = tpu.memref_slice %arg4[%add3A_227, %dma_start3A_234] : memref<7680x128xi32, #tpu.memory_space<hbm>> -> memref<1x128xi32, #tpu.memory_space<hbm>>
    %dma_start3A_236 = tpu.memref_squeeze %dma_start3A_235 : memref<1x128xi32, #tpu.memory_space<hbm>> -> memref<128xi32, #tpu.memory_space<hbm>>
    %dma_start3A_237 = arith.constant 0 : i32
    %dma_start3A_238 = tpu.memref_slice %arg4[%add3A_227, %dma_start3A_237] : memref<7680x128xi32, #tpu.memory_space<hbm>> -> memref<1x128xi32, #tpu.memory_space<hbm>>
    %dma_start3A_239 = tpu.memref_squeeze %dma_start3A_238 : memref<1x128xi32, #tpu.memory_space<hbm>> -> memref<128xi32, #tpu.memory_space<hbm>>
    tpu.enqueue_dma source(%dma_start3A_239 : memref<128xi32, #tpu.memory_space<hbm>>) target(%arg13 : memref<128xi32, #tpu.memory_space<vmem>>) target_semaphore(%arg19 : memref<!tpu.dma_semaphore, #tpu.memory_space<semaphore_mem>>)
    %add3A_240 = arith.constant 2 : i32
    %add3A_241 = arith.addi %add3A_213, %add3A_240 : i32
    %dma_start3A_242 = arith.constant 0 : i32
    %dma_start3A_243 = tpu.memref_slice %arg3[%add3A_241, %dma_start3A_242] : memref<7680x128xi32, #tpu.memory_space<hbm>> -> memref<1x128xi32, #tpu.memory_space<hbm>>
    %dma_start3A_244 = tpu.memref_squeeze %dma_start3A_243 : memref<1x128xi32, #tpu.memory_space<hbm>> -> memref<128xi32, #tpu.memory_space<hbm>>
    %dma_start3A_245 = arith.constant 0 : i32
    %dma_start3A_246 = tpu.memref_slice %arg3[%add3A_241, %dma_start3A_245] : memref<7680x128xi32, #tpu.memory_space<hbm>> -> memref<1x128xi32, #tpu.memory_space<hbm>>
    %dma_start3A_247 = tpu.memref_squeeze %dma_start3A_246 : memref<1x128xi32, #tpu.memory_space<hbm>> -> memref<128xi32, #tpu.memory_space<hbm>>
    tpu.enqueue_dma source(%dma_start3A_247 : memref<128xi32, #tpu.memory_space<hbm>>) target(%arg10 : memref<128xi32, #tpu.memory_space<vmem>>) target_semaphore(%arg20 : memref<!tpu.dma_semaphore, #tpu.memory_space<semaphore_mem>>)
    %dma_start3A_248 = arith.constant 0 : i32
    %dma_start3A_249 = tpu.memref_slice %arg4[%add3A_241, %dma_start3A_248] : memref<7680x128xi32, #tpu.memory_space<hbm>> -> memref<1x128xi32, #tpu.memory_space<hbm>>
    %dma_start3A_250 = tpu.memref_squeeze %dma_start3A_249 : memref<1x128xi32, #tpu.memory_space<hbm>> -> memref<128xi32, #tpu.memory_space<hbm>>
    %dma_start3A_251 = arith.constant 0 : i32
    %dma_start3A_252 = tpu.memref_slice %arg4[%add3A_241, %dma_start3A_251] : memref<7680x128xi32, #tpu.memory_space<hbm>> -> memref<1x128xi32, #tpu.memory_space<hbm>>
    %dma_start3A_253 = tpu.memref_squeeze %dma_start3A_252 : memref<1x128xi32, #tpu.memory_space<hbm>> -> memref<128xi32, #tpu.memory_space<hbm>>
    tpu.enqueue_dma source(%dma_start3A_253 : memref<128xi32, #tpu.memory_space<hbm>>) target(%arg14 : memref<128xi32, #tpu.memory_space<vmem>>) target_semaphore(%arg20 : memref<!tpu.dma_semaphore, #tpu.memory_space<semaphore_mem>>)
    %dma_wait3A_254 = arith.constant 0 : i32
    %dma_wait3A_255 = arith.constant 0 : i32
    %dma_wait3A_256 = tpu.memref_slice %arg3[%dma_wait3A_254, %dma_wait3A_255] : memref<7680x128xi32, #tpu.memory_space<hbm>> -> memref<1x128xi32, #tpu.memory_space<hbm>>
    %dma_wait3A_257 = tpu.memref_squeeze %dma_wait3A_256 : memref<1x128xi32, #tpu.memory_space<hbm>> -> memref<128xi32, #tpu.memory_space<hbm>>
    %dma_wait3A_258 = arith.constant 0 : i32
    %dma_wait3A_259 = tpu.memref_slice %arg3[%dma_wait3A_254, %dma_wait3A_258] : memref<7680x128xi32, #tpu.memory_space<hbm>> -> memref<1x128xi32, #tpu.memory_space<hbm>>
    %dma_wait3A_260 = tpu.memref_squeeze %dma_wait3A_259 : memref<1x128xi32, #tpu.memory_space<hbm>> -> memref<128xi32, #tpu.memory_space<hbm>>
    tpu.wait_dma2 semaphore(%arg18 : memref<!tpu.dma_semaphore, #tpu.memory_space<semaphore_mem>>) src(%dma_wait3A_260 : memref<128xi32, #tpu.memory_space<hbm>>) dst(%arg8 : memref<128xi32, #tpu.memory_space<vmem>>)
    %dma_wait3A_261 = arith.constant 0 : i32
    %dma_wait3A_262 = arith.constant 0 : i32
    %dma_wait3A_263 = tpu.memref_slice %arg3[%dma_wait3A_261, %dma_wait3A_262] : memref<7680x128xi32, #tpu.memory_space<hbm>> -> memref<1x128xi32, #tpu.memory_space<hbm>>
    %dma_wait3A_264 = tpu.memref_squeeze %dma_wait3A_263 : memref<1x128xi32, #tpu.memory_space<hbm>> -> memref<128xi32, #tpu.memory_space<hbm>>
    %dma_wait3A_265 = arith.constant 0 : i32
    %dma_wait3A_266 = tpu.memref_slice %arg3[%dma_wait3A_261, %dma_wait3A_265] : memref<7680x128xi32, #tpu.memory_space<hbm>> -> memref<1x128xi32, #tpu.memory_space<hbm>>
    %dma_wait3A_267 = tpu.memref_squeeze %dma_wait3A_266 : memref<1x128xi32, #tpu.memory_space<hbm>> -> memref<128xi32, #tpu.memory_space<hbm>>
    tpu.wait_dma2 semaphore(%arg18 : memref<!tpu.dma_semaphore, #tpu.memory_space<semaphore_mem>>) src(%dma_wait3A_267 : memref<128xi32, #tpu.memory_space<hbm>>) dst(%arg12 : memref<128xi32, #tpu.memory_space<vmem>>)
    %dma_start3A_268 = arith.constant 0 : i32
    %dma_start3A_269 = arith.constant 0 : i32
    %dma_start3A_270 = tpu.memref_slice %arg2[%dma_start3A_268, %dma_start3A_269] : memref<30000x128xf32, #tpu.memory_space<hbm>> -> memref<30000x128xf32, #tpu.memory_space<hbm>>
    tpu.enqueue_indirect_dma source(%dma_start3A_270 : memref<30000x128xf32, #tpu.memory_space<hbm>>) target(%arg16 : memref<128x128xf32, #tpu.memory_space<vmem>>) offsets(%arg8 : memref<128xi32, #tpu.memory_space<vmem>>) semaphore(%arg22 : memref<!tpu.dma_semaphore, #tpu.memory_space<semaphore_mem>>)
    %scan3A_271 = arith.constant 0 : i32
    %scan3A_272 = arith.constant 0 : i32
    %scan3A_273 = arith.constant 20 : i32
    %scan3A_274 = arith.addi %scan3A_272, %scan3A_273 : i32
    %scan3A_275 = arith.constant 1 : i32
    scf.for %scan3A_302 = %scan3A_272 to %scan3A_274 step %scan3A_275  : i32 {
      %mul3A_303 = arith.constant 4 : i32
      %mul3A_304 = arith.muli %scan3A_302, %mul3A_303 : i32
      %add3A_305 = arith.constant 0 : i32
      %add3A_306 = arith.addi %mul3A_304, %add3A_305 : i32
      %gt3A = arith.constant 0 : i32
      %gt3A_307 = arith.cmpi sgt, %add3A_306, %gt3A : i32
      %convert_element_type3A_308 = arith.extui %gt3A_307 : i1 to i32
      %cond3A_309 = arith.constant 0 : i32
      %cond3A_310 = arith.cmpi ne, %convert_element_type3A_308, %cond3A_309 : i32
      scf.if %cond3A_310 {
        %dma_wait3A_414 = arith.constant 0 : i32
        %dma_wait3A_415 = arith.constant 0 : i32
        %dma_wait3A_416 = tpu.memref_slice %arg2[%dma_wait3A_414, %dma_wait3A_415] : memref<30000x128xf32, #tpu.memory_space<hbm>> -> memref<128x128xf32, #tpu.memory_space<hbm>>
        %dma_wait3A_417 = arith.constant 0 : i32
        %dma_wait3A_418 = arith.constant 0 : i32
        %dma_wait3A_419 = tpu.memref_slice %arg2[%dma_wait3A_417, %dma_wait3A_418] : memref<30000x128xf32, #tpu.memory_space<hbm>> -> memref<128x128xf32, #tpu.memory_space<hbm>>
        tpu.wait_dma2 semaphore(%arg25 : memref<!tpu.dma_semaphore, #tpu.memory_space<semaphore_mem>>) src(%dma_wait3A_419 : memref<128x128xf32, #tpu.memory_space<hbm>>) dst(%arg17 : memref<128x128xf32, #tpu.memory_space<vmem>>)
      } else {
      }
      %lt3A_311 = arith.constant 79 : i32
      %lt3A_312 = arith.cmpi slt, %add3A_306, %lt3A_311 : i32
      %convert_element_type3A_313 = arith.extui %lt3A_312 : i1 to i32
      %cond3A_314 = arith.constant 0 : i32
      %cond3A_315 = arith.cmpi ne, %convert_element_type3A_313, %cond3A_314 : i32
      scf.if %cond3A_315 {
        %dma_wait3A_414 = arith.constant 0 : i32
        %dma_wait3A_415 = arith.constant 0 : i32
        %dma_wait3A_416 = tpu.memref_slice %arg3[%dma_wait3A_414, %dma_wait3A_415] : memref<7680x128xi32, #tpu.memory_space<hbm>> -> memref<1x128xi32, #tpu.memory_space<hbm>>
        %dma_wait3A_417 = tpu.memref_squeeze %dma_wait3A_416 : memref<1x128xi32, #tpu.memory_space<hbm>> -> memref<128xi32, #tpu.memory_space<hbm>>
        %dma_wait3A_418 = arith.constant 0 : i32
        %dma_wait3A_419 = tpu.memref_slice %arg3[%dma_wait3A_414, %dma_wait3A_418] : memref<7680x128xi32, #tpu.memory_space<hbm>> -> memref<1x128xi32, #tpu.memory_space<hbm>>
        %dma_wait3A_420 = tpu.memref_squeeze %dma_wait3A_419 : memref<1x128xi32, #tpu.memory_space<hbm>> -> memref<128xi32, #tpu.memory_space<hbm>>
        tpu.wait_dma2 semaphore(%arg19 : memref<!tpu.dma_semaphore, #tpu.memory_space<semaphore_mem>>) src(%dma_wait3A_420 : memref<128xi32, #tpu.memory_space<hbm>>) dst(%arg9 : memref<128xi32, #tpu.memory_space<vmem>>)
        %dma_wait3A_421 = arith.constant 0 : i32
        %dma_wait3A_422 = arith.constant 0 : i32
        %dma_wait3A_423 = tpu.memref_slice %arg3[%dma_wait3A_421, %dma_wait3A_422] : memref<7680x128xi32, #tpu.memory_space<hbm>> -> memref<1x128xi32, #tpu.memory_space<hbm>>
        %dma_wait3A_424 = tpu.memref_squeeze %dma_wait3A_423 : memref<1x128xi32, #tpu.memory_space<hbm>> -> memref<128xi32, #tpu.memory_space<hbm>>
        %dma_wait3A_425 = arith.constant 0 : i32
        %dma_wait3A_426 = tpu.memref_slice %arg3[%dma_wait3A_421, %dma_wait3A_425] : memref<7680x128xi32, #tpu.memory_space<hbm>> -> memref<1x128xi32, #tpu.memory_space<hbm>>
        %dma_wait3A_427 = tpu.memref_squeeze %dma_wait3A_426 : memref<1x128xi32, #tpu.memory_space<hbm>> -> memref<128xi32, #tpu.memory_space<hbm>>
        tpu.wait_dma2 semaphore(%arg19 : memref<!tpu.dma_semaphore, #tpu.memory_space<semaphore_mem>>) src(%dma_wait3A_427 : memref<128xi32, #tpu.memory_space<hbm>>) dst(%arg13 : memref<128xi32, #tpu.memory_space<vmem>>)
        %dma_start3A_428 = arith.constant 0 : i32
        %dma_start3A_429 = arith.constant 0 : i32
        %dma_start3A_430 = tpu.memref_slice %arg2[%dma_start3A_428, %dma_start3A_429] : memref<30000x128xf32, #tpu.memory_space<hbm>> -> memref<30000x128xf32, #tpu.memory_space<hbm>>
        tpu.enqueue_indirect_dma source(%dma_start3A_430 : memref<30000x128xf32, #tpu.memory_space<hbm>>) target(%arg17 : memref<128x128xf32, #tpu.memory_space<vmem>>) offsets(%arg9 : memref<128xi32, #tpu.memory_space<vmem>>) semaphore(%arg23 : memref<!tpu.dma_semaphore, #tpu.memory_space<semaphore_mem>>)
      } else {
      }
      %lt3A_316 = arith.constant 77 : i32
      %lt3A_317 = arith.cmpi slt, %add3A_306, %lt3A_316 : i32
      %convert_element_type3A_318 = arith.extui %lt3A_317 : i1 to i32
      %cond3A_319 = arith.constant 0 : i32
      %cond3A_320 = arith.cmpi ne, %convert_element_type3A_318, %cond3A_319 : i32
      scf.if %cond3A_320 {
        %add3A_414 = arith.addi %add3A_213, %add3A_306 : i32
        %add3A_415 = arith.constant 3 : i32
        %add3A_416 = arith.addi %add3A_414, %add3A_415 : i32
        %dma_start3A_417 = arith.constant 0 : i32
        %dma_start3A_418 = tpu.memref_slice %arg3[%add3A_416, %dma_start3A_417] : memref<7680x128xi32, #tpu.memory_space<hbm>> -> memref<1x128xi32, #tpu.memory_space<hbm>>
        %dma_start3A_419 = tpu.memref_squeeze %dma_start3A_418 : memref<1x128xi32, #tpu.memory_space<hbm>> -> memref<128xi32, #tpu.memory_space<hbm>>
        %dma_start3A_420 = arith.constant 0 : i32
        %dma_start3A_421 = tpu.memref_slice %arg3[%add3A_416, %dma_start3A_420] : memref<7680x128xi32, #tpu.memory_space<hbm>> -> memref<1x128xi32, #tpu.memory_space<hbm>>
        %dma_start3A_422 = tpu.memref_squeeze %dma_start3A_421 : memref<1x128xi32, #tpu.memory_space<hbm>> -> memref<128xi32, #tpu.memory_space<hbm>>
        tpu.enqueue_dma source(%dma_start3A_422 : memref<128xi32, #tpu.memory_space<hbm>>) target(%arg11 : memref<128xi32, #tpu.memory_space<vmem>>) target_semaphore(%arg21 : memref<!tpu.dma_semaphore, #tpu.memory_space<semaphore_mem>>)
        %dma_start3A_423 = arith.constant 0 : i32
        %dma_start3A_424 = tpu.memref_slice %arg4[%add3A_416, %dma_start3A_423] : memref<7680x128xi32, #tpu.memory_space<hbm>> -> memref<1x128xi32, #tpu.memory_space<hbm>>
        %dma_start3A_425 = tpu.memref_squeeze %dma_start3A_424 : memref<1x128xi32, #tpu.memory_space<hbm>> -> memref<128xi32, #tpu.memory_space<hbm>>
        %dma_start3A_426 = arith.constant 0 : i32
        %dma_start3A_427 = tpu.memref_slice %arg4[%add3A_416, %dma_start3A_426] : memref<7680x128xi32, #tpu.memory_space<hbm>> -> memref<1x128xi32, #tpu.memory_space<hbm>>
        %dma_start3A_428 = tpu.memref_squeeze %dma_start3A_427 : memref<1x128xi32, #tpu.memory_space<hbm>> -> memref<128xi32, #tpu.memory_space<hbm>>
        tpu.enqueue_dma source(%dma_start3A_428 : memref<128xi32, #tpu.memory_space<hbm>>) target(%arg15 : memref<128xi32, #tpu.memory_space<vmem>>) target_semaphore(%arg21 : memref<!tpu.dma_semaphore, #tpu.memory_space<semaphore_mem>>)
      } else {
      }
      %dma_wait3A_321 = arith.constant 0 : i32
      %dma_wait3A_322 = arith.constant 0 : i32
      %dma_wait3A_323 = tpu.memref_slice %arg2[%dma_wait3A_321, %dma_wait3A_322] : memref<30000x128xf32, #tpu.memory_space<hbm>> -> memref<128x128xf32, #tpu.memory_space<hbm>>
      %dma_wait3A_324 = arith.constant 0 : i32
      %dma_wait3A_325 = arith.constant 0 : i32
      %dma_wait3A_326 = tpu.memref_slice %arg2[%dma_wait3A_324, %dma_wait3A_325] : memref<30000x128xf32, #tpu.memory_space<hbm>> -> memref<128x128xf32, #tpu.memory_space<hbm>>
      tpu.wait_dma2 semaphore(%arg22 : memref<!tpu.dma_semaphore, #tpu.memory_space<semaphore_mem>>) src(%dma_wait3A_326 : memref<128x128xf32, #tpu.memory_space<hbm>>) dst(%arg16 : memref<128x128xf32, #tpu.memory_space<vmem>>)
      %dma_start3A_327 = arith.constant 0 : i32
      %dma_start3A_328 = arith.constant 0 : i32
      %dma_start3A_329 = tpu.memref_slice %arg7[%dma_start3A_327, %dma_start3A_328] : memref<10240x128xf32, #tpu.memory_space<vmem_shared>> -> memref<10240x128xf32, #tpu.memory_space<vmem_shared>>
      tpu.enqueue_indirect_dma source(%arg16 : memref<128x128xf32, #tpu.memory_space<vmem>>) target(%dma_start3A_329 : memref<10240x128xf32, #tpu.memory_space<vmem_shared>>) offsets(%arg12 : memref<128xi32, #tpu.memory_space<vmem>>) semaphore(%arg24 : memref<!tpu.dma_semaphore, #tpu.memory_space<semaphore_mem>>) {add = true}
      %mul3A_330 = arith.constant 4 : i32
      %mul3A_331 = arith.muli %scan3A_302, %mul3A_330 : i32
      %add3A_332 = arith.constant 1 : i32
      %add3A_333 = arith.addi %mul3A_331, %add3A_332 : i32
      %gt3A_334 = arith.constant 0 : i32
      %gt3A_335 = arith.cmpi sgt, %add3A_333, %gt3A_334 : i32
      %convert_element_type3A_336 = arith.extui %gt3A_335 : i1 to i32
      %cond3A_337 = arith.constant 0 : i32
      %cond3A_338 = arith.cmpi ne, %convert_element_type3A_336, %cond3A_337 : i32
      scf.if %cond3A_338 {
        %dma_wait3A_414 = arith.constant 0 : i32
        %dma_wait3A_415 = arith.constant 0 : i32
        %dma_wait3A_416 = tpu.memref_slice %arg2[%dma_wait3A_414, %dma_wait3A_415] : memref<30000x128xf32, #tpu.memory_space<hbm>> -> memref<128x128xf32, #tpu.memory_space<hbm>>
        %dma_wait3A_417 = arith.constant 0 : i32
        %dma_wait3A_418 = arith.constant 0 : i32
        %dma_wait3A_419 = tpu.memref_slice %arg2[%dma_wait3A_417, %dma_wait3A_418] : memref<30000x128xf32, #tpu.memory_space<hbm>> -> memref<128x128xf32, #tpu.memory_space<hbm>>
        tpu.wait_dma2 semaphore(%arg24 : memref<!tpu.dma_semaphore, #tpu.memory_space<semaphore_mem>>) src(%dma_wait3A_419 : memref<128x128xf32, #tpu.memory_space<hbm>>) dst(%arg16 : memref<128x128xf32, #tpu.memory_space<vmem>>)
      } else {
      }
      %lt3A_339 = arith.constant 79 : i32
      %lt3A_340 = arith.cmpi slt, %add3A_333, %lt3A_339 : i32
      %convert_element_type3A_341 = arith.extui %lt3A_340 : i1 to i32
      %cond3A_342 = arith.constant 0 : i32
      %cond3A_343 = arith.cmpi ne, %convert_element_type3A_341, %cond3A_342 : i32
      scf.if %cond3A_343 {
        %dma_wait3A_414 = arith.constant 0 : i32
        %dma_wait3A_415 = arith.constant 0 : i32
        %dma_wait3A_416 = tpu.memref_slice %arg3[%dma_wait3A_414, %dma_wait3A_415] : memref<7680x128xi32, #tpu.memory_space<hbm>> -> memref<1x128xi32, #tpu.memory_space<hbm>>
        %dma_wait3A_417 = tpu.memref_squeeze %dma_wait3A_416 : memref<1x128xi32, #tpu.memory_space<hbm>> -> memref<128xi32, #tpu.memory_space<hbm>>
        %dma_wait3A_418 = arith.constant 0 : i32
        %dma_wait3A_419 = tpu.memref_slice %arg3[%dma_wait3A_414, %dma_wait3A_418] : memref<7680x128xi32, #tpu.memory_space<hbm>> -> memref<1x128xi32, #tpu.memory_space<hbm>>
        %dma_wait3A_420 = tpu.memref_squeeze %dma_wait3A_419 : memref<1x128xi32, #tpu.memory_space<hbm>> -> memref<128xi32, #tpu.memory_space<hbm>>
        tpu.wait_dma2 semaphore(%arg20 : memref<!tpu.dma_semaphore, #tpu.memory_space<semaphore_mem>>) src(%dma_wait3A_420 : memref<128xi32, #tpu.memory_space<hbm>>) dst(%arg10 : memref<128xi32, #tpu.memory_space<vmem>>)
        %dma_wait3A_421 = arith.constant 0 : i32
        %dma_wait3A_422 = arith.constant 0 : i32
        %dma_wait3A_423 = tpu.memref_slice %arg3[%dma_wait3A_421, %dma_wait3A_422] : memref<7680x128xi32, #tpu.memory_space<hbm>> -> memref<1x128xi32, #tpu.memory_space<hbm>>
        %dma_wait3A_424 = tpu.memref_squeeze %dma_wait3A_423 : memref<1x128xi32, #tpu.memory_space<hbm>> -> memref<128xi32, #tpu.memory_space<hbm>>
        %dma_wait3A_425 = arith.constant 0 : i32
        %dma_wait3A_426 = tpu.memref_slice %arg3[%dma_wait3A_421, %dma_wait3A_425] : memref<7680x128xi32, #tpu.memory_space<hbm>> -> memref<1x128xi32, #tpu.memory_space<hbm>>
        %dma_wait3A_427 = tpu.memref_squeeze %dma_wait3A_426 : memref<1x128xi32, #tpu.memory_space<hbm>> -> memref<128xi32, #tpu.memory_space<hbm>>
        tpu.wait_dma2 semaphore(%arg20 : memref<!tpu.dma_semaphore, #tpu.memory_space<semaphore_mem>>) src(%dma_wait3A_427 : memref<128xi32, #tpu.memory_space<hbm>>) dst(%arg14 : memref<128xi32, #tpu.memory_space<vmem>>)
        %dma_start3A_428 = arith.constant 0 : i32
        %dma_start3A_429 = arith.constant 0 : i32
        %dma_start3A_430 = tpu.memref_slice %arg2[%dma_start3A_428, %dma_start3A_429] : memref<30000x128xf32, #tpu.memory_space<hbm>> -> memref<30000x128xf32, #tpu.memory_space<hbm>>
        tpu.enqueue_indirect_dma source(%dma_start3A_430 : memref<30000x128xf32, #tpu.memory_space<hbm>>) target(%arg16 : memref<128x128xf32, #tpu.memory_space<vmem>>) offsets(%arg10 : memref<128xi32, #tpu.memory_space<vmem>>) semaphore(%arg22 : memref<!tpu.dma_semaphore, #tpu.memory_space<semaphore_mem>>)
      } else {
      }
      %lt3A_344 = arith.constant 77 : i32
      %lt3A_345 = arith.cmpi slt, %add3A_333, %lt3A_344 : i32
      %convert_element_type3A_346 = arith.extui %lt3A_345 : i1 to i32
      %cond3A_347 = arith.constant 0 : i32
      %cond3A_348 = arith.cmpi ne, %convert_element_type3A_346, %cond3A_347 : i32
      scf.if %cond3A_348 {
        %add3A_414 = arith.addi %add3A_213, %add3A_333 : i32
        %add3A_415 = arith.constant 3 : i32
        %add3A_416 = arith.addi %add3A_414, %add3A_415 : i32
        %dma_start3A_417 = arith.constant 0 : i32
        %dma_start3A_418 = tpu.memref_slice %arg3[%add3A_416, %dma_start3A_417] : memref<7680x128xi32, #tpu.memory_space<hbm>> -> memref<1x128xi32, #tpu.memory_space<hbm>>
        %dma_start3A_419 = tpu.memref_squeeze %dma_start3A_418 : memref<1x128xi32, #tpu.memory_space<hbm>> -> memref<128xi32, #tpu.memory_space<hbm>>
        %dma_start3A_420 = arith.constant 0 : i32
        %dma_start3A_421 = tpu.memref_slice %arg3[%add3A_416, %dma_start3A_420] : memref<7680x128xi32, #tpu.memory_space<hbm>> -> memref<1x128xi32, #tpu.memory_space<hbm>>
        %dma_start3A_422 = tpu.memref_squeeze %dma_start3A_421 : memref<1x128xi32, #tpu.memory_space<hbm>> -> memref<128xi32, #tpu.memory_space<hbm>>
        tpu.enqueue_dma source(%dma_start3A_422 : memref<128xi32, #tpu.memory_space<hbm>>) target(%arg8 : memref<128xi32, #tpu.memory_space<vmem>>) target_semaphore(%arg18 : memref<!tpu.dma_semaphore, #tpu.memory_space<semaphore_mem>>)
        %dma_start3A_423 = arith.constant 0 : i32
        %dma_start3A_424 = tpu.memref_slice %arg4[%add3A_416, %dma_start3A_423] : memref<7680x128xi32, #tpu.memory_space<hbm>> -> memref<1x128xi32, #tpu.memory_space<hbm>>
        %dma_start3A_425 = tpu.memref_squeeze %dma_start3A_424 : memref<1x128xi32, #tpu.memory_space<hbm>> -> memref<128xi32, #tpu.memory_space<hbm>>
        %dma_start3A_426 = arith.constant 0 : i32
        %dma_start3A_427 = tpu.memref_slice %arg4[%add3A_416, %dma_start3A_426] : memref<7680x128xi32, #tpu.memory_space<hbm>> -> memref<1x128xi32, #tpu.memory_space<hbm>>
        %dma_start3A_428 = tpu.memref_squeeze %dma_start3A_427 : memref<1x128xi32, #tpu.memory_space<hbm>> -> memref<128xi32, #tpu.memory_space<hbm>>
        tpu.enqueue_dma source(%dma_start3A_428 : memref<128xi32, #tpu.memory_space<hbm>>) target(%arg12 : memref<128xi32, #tpu.memory_space<vmem>>) target_semaphore(%arg18 : memref<!tpu.dma_semaphore, #tpu.memory_space<semaphore_mem>>)
      } else {
      }
      %dma_wait3A_349 = arith.constant 0 : i32
      %dma_wait3A_350 = arith.constant 0 : i32
      %dma_wait3A_351 = tpu.memref_slice %arg2[%dma_wait3A_349, %dma_wait3A_350] : memref<30000x128xf32, #tpu.memory_space<hbm>> -> memref<128x128xf32, #tpu.memory_space<hbm>>
      %dma_wait3A_352 = arith.constant 0 : i32
      %dma_wait3A_353 = arith.constant 0 : i32
      %dma_wait3A_354 = tpu.memref_slice %arg2[%dma_wait3A_352, %dma_wait3A_353] : memref<30000x128xf32, #tpu.memory_space<hbm>> -> memref<128x128xf32, #tpu.memory_space<hbm>>
      tpu.wait_dma2 semaphore(%arg23 : memref<!tpu.dma_semaphore, #tpu.memory_space<semaphore_mem>>) src(%dma_wait3A_354 : memref<128x128xf32, #tpu.memory_space<hbm>>) dst(%arg17 : memref<128x128xf32, #tpu.memory_space<vmem>>)
      %dma_start3A_355 = arith.constant 0 : i32
      %dma_start3A_356 = arith.constant 0 : i32
      %dma_start3A_357 = tpu.memref_slice %arg7[%dma_start3A_355, %dma_start3A_356] : memref<10240x128xf32, #tpu.memory_space<vmem_shared>> -> memref<10240x128xf32, #tpu.memory_space<vmem_shared>>
      tpu.enqueue_indirect_dma source(%arg17 : memref<128x128xf32, #tpu.memory_space<vmem>>) target(%dma_start3A_357 : memref<10240x128xf32, #tpu.memory_space<vmem_shared>>) offsets(%arg13 : memref<128xi32, #tpu.memory_space<vmem>>) semaphore(%arg25 : memref<!tpu.dma_semaphore, #tpu.memory_space<semaphore_mem>>) {add = true}
      %mul3A_358 = arith.constant 4 : i32
      %mul3A_359 = arith.muli %scan3A_302, %mul3A_358 : i32
      %add3A_360 = arith.constant 2 : i32
      %add3A_361 = arith.addi %mul3A_359, %add3A_360 : i32
      %gt3A_362 = arith.constant 0 : i32
      %gt3A_363 = arith.cmpi sgt, %add3A_361, %gt3A_362 : i32
      %convert_element_type3A_364 = arith.extui %gt3A_363 : i1 to i32
      %cond3A_365 = arith.constant 0 : i32
      %cond3A_366 = arith.cmpi ne, %convert_element_type3A_364, %cond3A_365 : i32
      scf.if %cond3A_366 {
        %dma_wait3A_414 = arith.constant 0 : i32
        %dma_wait3A_415 = arith.constant 0 : i32
        %dma_wait3A_416 = tpu.memref_slice %arg2[%dma_wait3A_414, %dma_wait3A_415] : memref<30000x128xf32, #tpu.memory_space<hbm>> -> memref<128x128xf32, #tpu.memory_space<hbm>>
        %dma_wait3A_417 = arith.constant 0 : i32
        %dma_wait3A_418 = arith.constant 0 : i32
        %dma_wait3A_419 = tpu.memref_slice %arg2[%dma_wait3A_417, %dma_wait3A_418] : memref<30000x128xf32, #tpu.memory_space<hbm>> -> memref<128x128xf32, #tpu.memory_space<hbm>>
        tpu.wait_dma2 semaphore(%arg25 : memref<!tpu.dma_semaphore, #tpu.memory_space<semaphore_mem>>) src(%dma_wait3A_419 : memref<128x128xf32, #tpu.memory_space<hbm>>) dst(%arg17 : memref<128x128xf32, #tpu.memory_space<vmem>>)
      } else {
      }
      %lt3A_367 = arith.constant 79 : i32
      %lt3A_368 = arith.cmpi slt, %add3A_361, %lt3A_367 : i32
      %convert_element_type3A_369 = arith.extui %lt3A_368 : i1 to i32
      %cond3A_370 = arith.constant 0 : i32
      %cond3A_371 = arith.cmpi ne, %convert_element_type3A_369, %cond3A_370 : i32
      scf.if %cond3A_371 {
        %dma_wait3A_414 = arith.constant 0 : i32
        %dma_wait3A_415 = arith.constant 0 : i32
        %dma_wait3A_416 = tpu.memref_slice %arg3[%dma_wait3A_414, %dma_wait3A_415] : memref<7680x128xi32, #tpu.memory_space<hbm>> -> memref<1x128xi32, #tpu.memory_space<hbm>>
        %dma_wait3A_417 = tpu.memref_squeeze %dma_wait3A_416 : memref<1x128xi32, #tpu.memory_space<hbm>> -> memref<128xi32, #tpu.memory_space<hbm>>
        %dma_wait3A_418 = arith.constant 0 : i32
        %dma_wait3A_419 = tpu.memref_slice %arg3[%dma_wait3A_414, %dma_wait3A_418] : memref<7680x128xi32, #tpu.memory_space<hbm>> -> memref<1x128xi32, #tpu.memory_space<hbm>>
        %dma_wait3A_420 = tpu.memref_squeeze %dma_wait3A_419 : memref<1x128xi32, #tpu.memory_space<hbm>> -> memref<128xi32, #tpu.memory_space<hbm>>
        tpu.wait_dma2 semaphore(%arg21 : memref<!tpu.dma_semaphore, #tpu.memory_space<semaphore_mem>>) src(%dma_wait3A_420 : memref<128xi32, #tpu.memory_space<hbm>>) dst(%arg11 : memref<128xi32, #tpu.memory_space<vmem>>)
        %dma_wait3A_421 = arith.constant 0 : i32
        %dma_wait3A_422 = arith.constant 0 : i32
        %dma_wait3A_423 = tpu.memref_slice %arg3[%dma_wait3A_421, %dma_wait3A_422] : memref<7680x128xi32, #tpu.memory_space<hbm>> -> memref<1x128xi32, #tpu.memory_space<hbm>>
        %dma_wait3A_424 = tpu.memref_squeeze %dma_wait3A_423 : memref<1x128xi32, #tpu.memory_space<hbm>> -> memref<128xi32, #tpu.memory_space<hbm>>
        %dma_wait3A_425 = arith.constant 0 : i32
        %dma_wait3A_426 = tpu.memref_slice %arg3[%dma_wait3A_421, %dma_wait3A_425] : memref<7680x128xi32, #tpu.memory_space<hbm>> -> memref<1x128xi32, #tpu.memory_space<hbm>>
        %dma_wait3A_427 = tpu.memref_squeeze %dma_wait3A_426 : memref<1x128xi32, #tpu.memory_space<hbm>> -> memref<128xi32, #tpu.memory_space<hbm>>
        tpu.wait_dma2 semaphore(%arg21 : memref<!tpu.dma_semaphore, #tpu.memory_space<semaphore_mem>>) src(%dma_wait3A_427 : memref<128xi32, #tpu.memory_space<hbm>>) dst(%arg15 : memref<128xi32, #tpu.memory_space<vmem>>)
        %dma_start3A_428 = arith.constant 0 : i32
        %dma_start3A_429 = arith.constant 0 : i32
        %dma_start3A_430 = tpu.memref_slice %arg2[%dma_start3A_428, %dma_start3A_429] : memref<30000x128xf32, #tpu.memory_space<hbm>> -> memref<30000x128xf32, #tpu.memory_space<hbm>>
        tpu.enqueue_indirect_dma source(%dma_start3A_430 : memref<30000x128xf32, #tpu.memory_space<hbm>>) target(%arg17 : memref<128x128xf32, #tpu.memory_space<vmem>>) offsets(%arg11 : memref<128xi32, #tpu.memory_space<vmem>>) semaphore(%arg23 : memref<!tpu.dma_semaphore, #tpu.memory_space<semaphore_mem>>)
      } else {
      }
      %lt3A_372 = arith.constant 77 : i32
      %lt3A_373 = arith.cmpi slt, %add3A_361, %lt3A_372 : i32
      %convert_element_type3A_374 = arith.extui %lt3A_373 : i1 to i32
      %cond3A_375 = arith.constant 0 : i32
      %cond3A_376 = arith.cmpi ne, %convert_element_type3A_374, %cond3A_375 : i32
      scf.if %cond3A_376 {
        %add3A_414 = arith.addi %add3A_213, %add3A_361 : i32
        %add3A_415 = arith.constant 3 : i32
        %add3A_416 = arith.addi %add3A_414, %add3A_415 : i32
        %dma_start3A_417 = arith.constant 0 : i32
        %dma_start3A_418 = tpu.memref_slice %arg3[%add3A_416, %dma_start3A_417] : memref<7680x128xi32, #tpu.memory_space<hbm>> -> memref<1x128xi32, #tpu.memory_space<hbm>>
        %dma_start3A_419 = tpu.memref_squeeze %dma_start3A_418 : memref<1x128xi32, #tpu.memory_space<hbm>> -> memref<128xi32, #tpu.memory_space<hbm>>
        %dma_start3A_420 = arith.constant 0 : i32
        %dma_start3A_421 = tpu.memref_slice %arg3[%add3A_416, %dma_start3A_420] : memref<7680x128xi32, #tpu.memory_space<hbm>> -> memref<1x128xi32, #tpu.memory_space<hbm>>
        %dma_start3A_422 = tpu.memref_squeeze %dma_start3A_421 : memref<1x128xi32, #tpu.memory_space<hbm>> -> memref<128xi32, #tpu.memory_space<hbm>>
        tpu.enqueue_dma source(%dma_start3A_422 : memref<128xi32, #tpu.memory_space<hbm>>) target(%arg9 : memref<128xi32, #tpu.memory_space<vmem>>) target_semaphore(%arg19 : memref<!tpu.dma_semaphore, #tpu.memory_space<semaphore_mem>>)
        %dma_start3A_423 = arith.constant 0 : i32
        %dma_start3A_424 = tpu.memref_slice %arg4[%add3A_416, %dma_start3A_423] : memref<7680x128xi32, #tpu.memory_space<hbm>> -> memref<1x128xi32, #tpu.memory_space<hbm>>
        %dma_start3A_425 = tpu.memref_squeeze %dma_start3A_424 : memref<1x128xi32, #tpu.memory_space<hbm>> -> memref<128xi32, #tpu.memory_space<hbm>>
        %dma_start3A_426 = arith.constant 0 : i32
        %dma_start3A_427 = tpu.memref_slice %arg4[%add3A_416, %dma_start3A_426] : memref<7680x128xi32, #tpu.memory_space<hbm>> -> memref<1x128xi32, #tpu.memory_space<hbm>>
        %dma_start3A_428 = tpu.memref_squeeze %dma_start3A_427 : memref<1x128xi32, #tpu.memory_space<hbm>> -> memref<128xi32, #tpu.memory_space<hbm>>
        tpu.enqueue_dma source(%dma_start3A_428 : memref<128xi32, #tpu.memory_space<hbm>>) target(%arg13 : memref<128xi32, #tpu.memory_space<vmem>>) target_semaphore(%arg19 : memref<!tpu.dma_semaphore, #tpu.memory_space<semaphore_mem>>)
      } else {
      }
      %dma_wait3A_377 = arith.constant 0 : i32
      %dma_wait3A_378 = arith.constant 0 : i32
      %dma_wait3A_379 = tpu.memref_slice %arg2[%dma_wait3A_377, %dma_wait3A_378] : memref<30000x128xf32, #tpu.memory_space<hbm>> -> memref<128x128xf32, #tpu.memory_space<hbm>>
      %dma_wait3A_380 = arith.constant 0 : i32
      %dma_wait3A_381 = arith.constant 0 : i32
      %dma_wait3A_382 = tpu.memref_slice %arg2[%dma_wait3A_380, %dma_wait3A_381] : memref<30000x128xf32, #tpu.memory_space<hbm>> -> memref<128x128xf32, #tpu.memory_space<hbm>>
      tpu.wait_dma2 semaphore(%arg22 : memref<!tpu.dma_semaphore, #tpu.memory_space<semaphore_mem>>) src(%dma_wait3A_382 : memref<128x128xf32, #tpu.memory_space<hbm>>) dst(%arg16 : memref<128x128xf32, #tpu.memory_space<vmem>>)
      %dma_start3A_383 = arith.constant 0 : i32
      %dma_start3A_384 = arith.constant 0 : i32
      %dma_start3A_385 = tpu.memref_slice %arg7[%dma_start3A_383, %dma_start3A_384] : memref<10240x128xf32, #tpu.memory_space<vmem_shared>> -> memref<10240x128xf32, #tpu.memory_space<vmem_shared>>
      tpu.enqueue_indirect_dma source(%arg16 : memref<128x128xf32, #tpu.memory_space<vmem>>) target(%dma_start3A_385 : memref<10240x128xf32, #tpu.memory_space<vmem_shared>>) offsets(%arg14 : memref<128xi32, #tpu.memory_space<vmem>>) semaphore(%arg24 : memref<!tpu.dma_semaphore, #tpu.memory_space<semaphore_mem>>) {add = true}
      %mul3A_386 = arith.constant 4 : i32
      %mul3A_387 = arith.muli %scan3A_302, %mul3A_386 : i32
      %add3A_388 = arith.constant 3 : i32
      %add3A_389 = arith.addi %mul3A_387, %add3A_388 : i32
      %gt3A_390 = arith.constant 0 : i32
      %gt3A_391 = arith.cmpi sgt, %add3A_389, %gt3A_390 : i32
      %convert_element_type3A_392 = arith.extui %gt3A_391 : i1 to i32
      %cond3A_393 = arith.constant 0 : i32
      %cond3A_394 = arith.cmpi ne, %convert_element_type3A_392, %cond3A_393 : i32
      scf.if %cond3A_394 {
        %dma_wait3A_414 = arith.constant 0 : i32
        %dma_wait3A_415 = arith.constant 0 : i32
        %dma_wait3A_416 = tpu.memref_slice %arg2[%dma_wait3A_414, %dma_wait3A_415] : memref<30000x128xf32, #tpu.memory_space<hbm>> -> memref<128x128xf32, #tpu.memory_space<hbm>>
        %dma_wait3A_417 = arith.constant 0 : i32
        %dma_wait3A_418 = arith.constant 0 : i32
        %dma_wait3A_419 = tpu.memref_slice %arg2[%dma_wait3A_417, %dma_wait3A_418] : memref<30000x128xf32, #tpu.memory_space<hbm>> -> memref<128x128xf32, #tpu.memory_space<hbm>>
        tpu.wait_dma2 semaphore(%arg24 : memref<!tpu.dma_semaphore, #tpu.memory_space<semaphore_mem>>) src(%dma_wait3A_419 : memref<128x128xf32, #tpu.memory_space<hbm>>) dst(%arg16 : memref<128x128xf32, #tpu.memory_space<vmem>>)
      } else {
      }
      %lt3A_395 = arith.constant 79 : i32
      %lt3A_396 = arith.cmpi slt, %add3A_389, %lt3A_395 : i32
      %convert_element_type3A_397 = arith.extui %lt3A_396 : i1 to i32
      %cond3A_398 = arith.constant 0 : i32
      %cond3A_399 = arith.cmpi ne, %convert_element_type3A_397, %cond3A_398 : i32
      scf.if %cond3A_399 {
        %dma_wait3A_414 = arith.constant 0 : i32
        %dma_wait3A_415 = arith.constant 0 : i32
        %dma_wait3A_416 = tpu.memref_slice %arg3[%dma_wait3A_414, %dma_wait3A_415] : memref<7680x128xi32, #tpu.memory_space<hbm>> -> memref<1x128xi32, #tpu.memory_space<hbm>>
        %dma_wait3A_417 = tpu.memref_squeeze %dma_wait3A_416 : memref<1x128xi32, #tpu.memory_space<hbm>> -> memref<128xi32, #tpu.memory_space<hbm>>
        %dma_wait3A_418 = arith.constant 0 : i32
        %dma_wait3A_419 = tpu.memref_slice %arg3[%dma_wait3A_414, %dma_wait3A_418] : memref<7680x128xi32, #tpu.memory_space<hbm>> -> memref<1x128xi32, #tpu.memory_space<hbm>>
        %dma_wait3A_420 = tpu.memref_squeeze %dma_wait3A_419 : memref<1x128xi32, #tpu.memory_space<hbm>> -> memref<128xi32, #tpu.memory_space<hbm>>
        tpu.wait_dma2 semaphore(%arg18 : memref<!tpu.dma_semaphore, #tpu.memory_space<semaphore_mem>>) src(%dma_wait3A_420 : memref<128xi32, #tpu.memory_space<hbm>>) dst(%arg8 : memref<128xi32, #tpu.memory_space<vmem>>)
        %dma_wait3A_421 = arith.constant 0 : i32
        %dma_wait3A_422 = arith.constant 0 : i32
        %dma_wait3A_423 = tpu.memref_slice %arg3[%dma_wait3A_421, %dma_wait3A_422] : memref<7680x128xi32, #tpu.memory_space<hbm>> -> memref<1x128xi32, #tpu.memory_space<hbm>>
        %dma_wait3A_424 = tpu.memref_squeeze %dma_wait3A_423 : memref<1x128xi32, #tpu.memory_space<hbm>> -> memref<128xi32, #tpu.memory_space<hbm>>
        %dma_wait3A_425 = arith.constant 0 : i32
        %dma_wait3A_426 = tpu.memref_slice %arg3[%dma_wait3A_421, %dma_wait3A_425] : memref<7680x128xi32, #tpu.memory_space<hbm>> -> memref<1x128xi32, #tpu.memory_space<hbm>>
        %dma_wait3A_427 = tpu.memref_squeeze %dma_wait3A_426 : memref<1x128xi32, #tpu.memory_space<hbm>> -> memref<128xi32, #tpu.memory_space<hbm>>
        tpu.wait_dma2 semaphore(%arg18 : memref<!tpu.dma_semaphore, #tpu.memory_space<semaphore_mem>>) src(%dma_wait3A_427 : memref<128xi32, #tpu.memory_space<hbm>>) dst(%arg12 : memref<128xi32, #tpu.memory_space<vmem>>)
        %dma_start3A_428 = arith.constant 0 : i32
        %dma_start3A_429 = arith.constant 0 : i32
        %dma_start3A_430 = tpu.memref_slice %arg2[%dma_start3A_428, %dma_start3A_429] : memref<30000x128xf32, #tpu.memory_space<hbm>> -> memref<30000x128xf32, #tpu.memory_space<hbm>>
        tpu.enqueue_indirect_dma source(%dma_start3A_430 : memref<30000x128xf32, #tpu.memory_space<hbm>>) target(%arg16 : memref<128x128xf32, #tpu.memory_space<vmem>>) offsets(%arg8 : memref<128xi32, #tpu.memory_space<vmem>>) semaphore(%arg22 : memref<!tpu.dma_semaphore, #tpu.memory_space<semaphore_mem>>)
      } else {
      }
      %lt3A_400 = arith.constant 77 : i32
      %lt3A_401 = arith.cmpi slt, %add3A_389, %lt3A_400 : i32
      %convert_element_type3A_402 = arith.extui %lt3A_401 : i1 to i32
      %cond3A_403 = arith.constant 0 : i32
      %cond3A_404 = arith.cmpi ne, %convert_element_type3A_402, %cond3A_403 : i32
      scf.if %cond3A_404 {
        %add3A_414 = arith.addi %add3A_213, %add3A_389 : i32
        %add3A_415 = arith.constant 3 : i32
        %add3A_416 = arith.addi %add3A_414, %add3A_415 : i32
        %dma_start3A_417 = arith.constant 0 : i32
        %dma_start3A_418 = tpu.memref_slice %arg3[%add3A_416, %dma_start3A_417] : memref<7680x128xi32, #tpu.memory_space<hbm>> -> memref<1x128xi32, #tpu.memory_space<hbm>>
        %dma_start3A_419 = tpu.memref_squeeze %dma_start3A_418 : memref<1x128xi32, #tpu.memory_space<hbm>> -> memref<128xi32, #tpu.memory_space<hbm>>
        %dma_start3A_420 = arith.constant 0 : i32
        %dma_start3A_421 = tpu.memref_slice %arg3[%add3A_416, %dma_start3A_420] : memref<7680x128xi32, #tpu.memory_space<hbm>> -> memref<1x128xi32, #tpu.memory_space<hbm>>
        %dma_start3A_422 = tpu.memref_squeeze %dma_start3A_421 : memref<1x128xi32, #tpu.memory_space<hbm>> -> memref<128xi32, #tpu.memory_space<hbm>>
        tpu.enqueue_dma source(%dma_start3A_422 : memref<128xi32, #tpu.memory_space<hbm>>) target(%arg10 : memref<128xi32, #tpu.memory_space<vmem>>) target_semaphore(%arg20 : memref<!tpu.dma_semaphore, #tpu.memory_space<semaphore_mem>>)
        %dma_start3A_423 = arith.constant 0 : i32
        %dma_start3A_424 = tpu.memref_slice %arg4[%add3A_416, %dma_start3A_423] : memref<7680x128xi32, #tpu.memory_space<hbm>> -> memref<1x128xi32, #tpu.memory_space<hbm>>
        %dma_start3A_425 = tpu.memref_squeeze %dma_start3A_424 : memref<1x128xi32, #tpu.memory_space<hbm>> -> memref<128xi32, #tpu.memory_space<hbm>>
        %dma_start3A_426 = arith.constant 0 : i32
        %dma_start3A_427 = tpu.memref_slice %arg4[%add3A_416, %dma_start3A_426] : memref<7680x128xi32, #tpu.memory_space<hbm>> -> memref<1x128xi32, #tpu.memory_space<hbm>>
        %dma_start3A_428 = tpu.memref_squeeze %dma_start3A_427 : memref<1x128xi32, #tpu.memory_space<hbm>> -> memref<128xi32, #tpu.memory_space<hbm>>
        tpu.enqueue_dma source(%dma_start3A_428 : memref<128xi32, #tpu.memory_space<hbm>>) target(%arg14 : memref<128xi32, #tpu.memory_space<vmem>>) target_semaphore(%arg20 : memref<!tpu.dma_semaphore, #tpu.memory_space<semaphore_mem>>)
      } else {
      }
      %dma_wait3A_405 = arith.constant 0 : i32
      %dma_wait3A_406 = arith.constant 0 : i32
      %dma_wait3A_407 = tpu.memref_slice %arg2[%dma_wait3A_405, %dma_wait3A_406] : memref<30000x128xf32, #tpu.memory_space<hbm>> -> memref<128x128xf32, #tpu.memory_space<hbm>>
      %dma_wait3A_408 = arith.constant 0 : i32
      %dma_wait3A_409 = arith.constant 0 : i32
      %dma_wait3A_410 = tpu.memref_slice %arg2[%dma_wait3A_408, %dma_wait3A_409] : memref<30000x128xf32, #tpu.memory_space<hbm>> -> memref<128x128xf32, #tpu.memory_space<hbm>>
      tpu.wait_dma2 semaphore(%arg23 : memref<!tpu.dma_semaphore, #tpu.memory_space<semaphore_mem>>) src(%dma_wait3A_410 : memref<128x128xf32, #tpu.memory_space<hbm>>) dst(%arg17 : memref<128x128xf32, #tpu.memory_space<vmem>>)
      %dma_start3A_411 = arith.constant 0 : i32
      %dma_start3A_412 = arith.constant 0 : i32
      %dma_start3A_413 = tpu.memref_slice %arg7[%dma_start3A_411, %dma_start3A_412] : memref<10240x128xf32, #tpu.memory_space<vmem_shared>> -> memref<10240x128xf32, #tpu.memory_space<vmem_shared>>
      tpu.enqueue_indirect_dma source(%arg17 : memref<128x128xf32, #tpu.memory_space<vmem>>) target(%dma_start3A_413 : memref<10240x128xf32, #tpu.memory_space<vmem_shared>>) offsets(%arg15 : memref<128xi32, #tpu.memory_space<vmem>>) semaphore(%arg25 : memref<!tpu.dma_semaphore, #tpu.memory_space<semaphore_mem>>) {add = true}
    }
    %scan3A_276 = arith.constant 20 : i32
    %dma_wait3A_277 = arith.constant 0 : i32
    %dma_wait3A_278 = arith.constant 0 : i32
    %dma_wait3A_279 = tpu.memref_slice %arg2[%dma_wait3A_277, %dma_wait3A_278] : memref<30000x128xf32, #tpu.memory_space<hbm>> -> memref<128x128xf32, #tpu.memory_space<hbm>>
    %dma_wait3A_280 = arith.constant 0 : i32
    %dma_wait3A_281 = arith.constant 0 : i32
    %dma_wait3A_282 = tpu.memref_slice %arg2[%dma_wait3A_280, %dma_wait3A_281] : memref<30000x128xf32, #tpu.memory_space<hbm>> -> memref<128x128xf32, #tpu.memory_space<hbm>>
    tpu.wait_dma2 semaphore(%arg25 : memref<!tpu.dma_semaphore, #tpu.memory_space<semaphore_mem>>) src(%dma_wait3A_282 : memref<128x128xf32, #tpu.memory_space<hbm>>) dst(%arg17 : memref<128x128xf32, #tpu.memory_space<vmem>>)
    %barrier3A_283 = arith.constant 0 : index
    tpu.barrier barrier_id(%barrier3A_283)
    %mul3A_284 = arith.constant 3 : i32
    %mul3A_285 = arith.muli %arg0, %mul3A_284 : i32
    %add3A_286 = arith.constant 2 : i32
    %add3A_287 = arith.addi %mul3A_285, %add3A_286 : i32
    %mul3A_288 = arith.constant 10000 : i32
    %mul3A_289 = arith.muli %add3A_287, %mul3A_288 : i32
    %add3A_290 = arith.addi %mul3A_289, %mul3A_2 : i32
    %lt3A_291 = arith.constant 15 : i32
    %lt3A_292 = arith.cmpi slt, %arg1, %lt3A_291 : i32
    %convert_element_type3A_293 = arith.extui %lt3A_292 : i1 to i32
    %cond3A_294 = arith.constant 0 : i32
    %cond3A_295 = arith.cmpi ne, %convert_element_type3A_293, %cond3A_294 : i32
    scf.if %cond3A_295 {
      "tpu.region"() ({
        %run_scoped3A = tpu.sem_alloc : memref<!tpu.dma_semaphore, #tpu.memory_space<semaphore_mem>>
        %dma_start3A_302 = arith.constant 0 : i32
        %dma_start3A_303 = tpu.memref_slice %arg6[%add3A_290, %dma_start3A_302] : memref<60000x128xf32, #tpu.memory_space<hbm>> -> memref<632x128xf32, #tpu.memory_space<hbm>>
        %dma_start3A_304 = arith.constant 0 : i32
        %dma_start3A_305 = tpu.memref_slice %arg7[%mul3A_2, %dma_start3A_304] : memref<10240x128xf32, #tpu.memory_space<vmem_shared>> -> memref<632x128xf32, #tpu.memory_space<vmem_shared>>
        tpu.enqueue_dma source(%dma_start3A_305 : memref<632x128xf32, #tpu.memory_space<vmem_shared>>) target(%dma_start3A_303 : memref<632x128xf32, #tpu.memory_space<hbm>>) target_semaphore(%run_scoped3A : memref<!tpu.dma_semaphore, #tpu.memory_space<semaphore_mem>>)
        %dma_wait3A_306 = arith.constant 0 : i32
        %dma_wait3A_307 = tpu.memref_slice %arg6[%add3A_290, %dma_wait3A_306] : memref<60000x128xf32, #tpu.memory_space<hbm>> -> memref<632x128xf32, #tpu.memory_space<hbm>>
        %dma_wait3A_308 = arith.constant 0 : i32
        %dma_wait3A_309 = tpu.memref_slice %arg7[%mul3A_2, %dma_wait3A_308] : memref<10240x128xf32, #tpu.memory_space<vmem_shared>> -> memref<632x128xf32, #tpu.memory_space<vmem_shared>>
        tpu.wait_dma2 semaphore(%run_scoped3A : memref<!tpu.dma_semaphore, #tpu.memory_space<semaphore_mem>>) src(%dma_wait3A_309 : memref<632x128xf32, #tpu.memory_space<vmem_shared>>) dst(%dma_wait3A_307 : memref<632x128xf32, #tpu.memory_space<hbm>>)
        tpu.yield
      }) : () -> ()
    } else {
    }
    %eq3A_296 = arith.constant 15 : i32
    %eq3A_297 = arith.cmpi eq, %arg1, %eq3A_296 : i32
    %convert_element_type3A_298 = arith.extui %eq3A_297 : i1 to i32
    %cond3A_299 = arith.constant 0 : i32
    %cond3A_300 = arith.cmpi ne, %convert_element_type3A_298, %cond3A_299 : i32
    scf.if %cond3A_300 {
      "tpu.region"() ({
        %run_scoped3A = tpu.sem_alloc : memref<!tpu.dma_semaphore, #tpu.memory_space<semaphore_mem>>
        %dma_start3A_302 = arith.constant 0 : i32
        %dma_start3A_303 = tpu.memref_slice %arg6[%add3A_290, %dma_start3A_302] : memref<60000x128xf32, #tpu.memory_space<hbm>> -> memref<520x128xf32, #tpu.memory_space<hbm>>
        %dma_start3A_304 = arith.constant 0 : i32
        %dma_start3A_305 = tpu.memref_slice %arg7[%mul3A_2, %dma_start3A_304] : memref<10240x128xf32, #tpu.memory_space<vmem_shared>> -> memref<520x128xf32, #tpu.memory_space<vmem_shared>>
        tpu.enqueue_dma source(%dma_start3A_305 : memref<520x128xf32, #tpu.memory_space<vmem_shared>>) target(%dma_start3A_303 : memref<520x128xf32, #tpu.memory_space<hbm>>) target_semaphore(%run_scoped3A : memref<!tpu.dma_semaphore, #tpu.memory_space<semaphore_mem>>)
        %dma_wait3A_306 = arith.constant 0 : i32
        %dma_wait3A_307 = tpu.memref_slice %arg6[%add3A_290, %dma_wait3A_306] : memref<60000x128xf32, #tpu.memory_space<hbm>> -> memref<520x128xf32, #tpu.memory_space<hbm>>
        %dma_wait3A_308 = arith.constant 0 : i32
        %dma_wait3A_309 = tpu.memref_slice %arg7[%mul3A_2, %dma_wait3A_308] : memref<10240x128xf32, #tpu.memory_space<vmem_shared>> -> memref<520x128xf32, #tpu.memory_space<vmem_shared>>
        tpu.wait_dma2 semaphore(%run_scoped3A : memref<!tpu.dma_semaphore, #tpu.memory_space<semaphore_mem>>) src(%dma_wait3A_309 : memref<520x128xf32, #tpu.memory_space<vmem_shared>>) dst(%dma_wait3A_307 : memref<520x128xf32, #tpu.memory_space<hbm>>)
        tpu.yield
      }) : () -> ()
    } else {
    }
    %barrier3A_301 = arith.constant 0 : index
    tpu.barrier barrier_id(%barrier3A_301)
    return
  }
}

module attributes {stable_mosaic.version = 14 : i64} {
  func.func @_dense_body(%arg0: i32, %arg1: memref<2000x128xbf16, #tpu.memory_space<vmem>>, %arg2: memref<3x4x128x128xbf16, #tpu.memory_space<vmem>>, %arg3: memref<3x8x128xf32, #tpu.memory_space<vmem>>, %arg4: memref<3x2000x128xf32, #tpu.memory_space<vmem>>) attributes {dimension_semantics = [#tpu.dimension_semantics<arbitrary>], iteration_bounds = array<i64: 5>, scalar_prefetch = 0 : i64, scratch_operands = 0 : i64, tpu.core_type = #tpu.core_type<tc>, window_params = [{transform_indices = @transform_0, window_bounds = array<i64: 2000, 128>}, {pipeline_mode = #tpu.pipeline_mode<synchronous>, transform_indices = @transform_1, window_bounds = array<i64: 3, 4, 128, 128>}, {pipeline_mode = #tpu.pipeline_mode<synchronous>, transform_indices = @transform_2, window_bounds = array<i64: 3, 8, 128>}, {transform_indices = @transform_3, window_bounds = array<i64: 3, 2000, 128>}]} {
    %get3A = arith.constant 0 : index
    %get3A_0 = arith.constant 0 : index
    %get3A_1 = vector.load %arg1[%get3A, %get3A_0] : memref<2000x128xbf16, #tpu.memory_space<vmem>>, vector<2000x128xbf16>
    %get3A_2 = arith.constant 0 : index
    %get3A_3 = arith.constant 0 : index
    %get3A_4 = arith.constant 0 : index
    %get3A_5 = vector.load %arg3[%get3A_2, %get3A_3, %get3A_4] : memref<3x8x128xf32, #tpu.memory_space<vmem>>, vector<1x8x128xf32>
    %get3A_6 = vector.shape_cast %get3A_5 : vector<1x8x128xf32> to vector<8x128xf32>
    %get3A_7 = arith.constant 0 : index
    %get3A_8 = arith.constant 0 : index
    %get3A_9 = arith.constant 0 : index
    %get3A_10 = arith.constant 0 : index
    %get3A_11 = vector.load %arg2[%get3A_7, %get3A_8, %get3A_9, %get3A_10] : memref<3x4x128x128xbf16, #tpu.memory_space<vmem>>, vector<1x1x128x128xbf16>
    %get3A_12 = vector.shape_cast %get3A_11 : vector<1x1x128x128xbf16> to vector<128x128xbf16>
    %dot_general3A = arith.constant dense<0.000000e+00> : vector<2000x128xf32>
    %dot_general3A_13 = tpu.matmul %get3A_1, %get3A_12, %dot_general3A {dimension_numbers = #tpu.dot_dimension_numbers<[1], [1], [0], [0], [0, 0, 1, 0], [], []>, transpose_lhs_hint = false} : vector<2000x128xbf16>, vector<128x128xbf16>, vector<2000x128xf32> -> vector<2000x128xf32>
    %slice3A = vector.extract_strided_slice %get3A_6 {offsets = [0, 0], sizes = [1, 128], strides = [1, 1]} : vector<8x128xf32> to vector<1x128xf32>
    %mul3A = vector.broadcast %slice3A : vector<1x128xf32> to vector<2000x128xf32>
    %mul3A_14 = arith.mulf %dot_general3A_13, %mul3A : vector<2000x128xf32>
    %reduce_sum3A = arith.constant dense<0.000000e+00> : vector<2000xf32>
    %reduce_sum3A_15 = vector.multi_reduction <add>, %mul3A_14, %reduce_sum3A [1] : vector<2000x128xf32> to vector<2000xf32>
    %broadcast_in_dim3A = vector.shape_cast %reduce_sum3A_15 : vector<2000xf32> to vector<2000x1xf32>
    %logistic3A = arith.negf %broadcast_in_dim3A : vector<2000x1xf32>
    %logistic3A_16 = math.exp %logistic3A : vector<2000x1xf32>
    %logistic3A_17 = arith.constant 1.000000e+00 : f32
    %logistic3A_18 = vector.broadcast %logistic3A_17 : f32 to vector<2000x1xf32>
    %logistic3A_19 = arith.addf %logistic3A_18, %logistic3A_16 : vector<2000x1xf32>
    %logistic3A_20 = arith.divf %logistic3A_18, %logistic3A_19 : vector<2000x1xf32>
    %mul3A_21 = vector.broadcast %logistic3A_20 : vector<2000x1xf32> to vector<2000x128xf32>
    %mul3A_22 = arith.mulf %dot_general3A_13, %mul3A_21 : vector<2000x128xf32>
    %get3A_23 = arith.constant 0 : index
    %get3A_24 = arith.constant 1 : index
    %get3A_25 = arith.constant 0 : index
    %get3A_26 = arith.constant 0 : index
    %get3A_27 = vector.load %arg2[%get3A_23, %get3A_24, %get3A_25, %get3A_26] : memref<3x4x128x128xbf16, #tpu.memory_space<vmem>>, vector<1x1x128x128xbf16>
    %get3A_28 = vector.shape_cast %get3A_27 : vector<1x1x128x128xbf16> to vector<128x128xbf16>
    %dot_general3A_29 = arith.constant dense<0.000000e+00> : vector<2000x128xf32>
    %dot_general3A_30 = tpu.matmul %get3A_1, %get3A_28, %dot_general3A_29 {dimension_numbers = #tpu.dot_dimension_numbers<[1], [1], [0], [0], [0, 0, 1, 0], [], []>, transpose_lhs_hint = false} : vector<2000x128xbf16>, vector<128x128xbf16>, vector<2000x128xf32> -> vector<2000x128xf32>
    %slice3A_31 = vector.extract_strided_slice %get3A_6 {offsets = [1, 0], sizes = [1, 128], strides = [1, 1]} : vector<8x128xf32> to vector<1x128xf32>
    %mul3A_32 = vector.broadcast %slice3A_31 : vector<1x128xf32> to vector<2000x128xf32>
    %mul3A_33 = arith.mulf %dot_general3A_30, %mul3A_32 : vector<2000x128xf32>
    %reduce_sum3A_34 = arith.constant dense<0.000000e+00> : vector<2000xf32>
    %reduce_sum3A_35 = vector.multi_reduction <add>, %mul3A_33, %reduce_sum3A_34 [1] : vector<2000x128xf32> to vector<2000xf32>
    %broadcast_in_dim3A_36 = vector.shape_cast %reduce_sum3A_35 : vector<2000xf32> to vector<2000x1xf32>
    %logistic3A_37 = arith.negf %broadcast_in_dim3A_36 : vector<2000x1xf32>
    %logistic3A_38 = math.exp %logistic3A_37 : vector<2000x1xf32>
    %logistic3A_39 = arith.constant 1.000000e+00 : f32
    %logistic3A_40 = vector.broadcast %logistic3A_39 : f32 to vector<2000x1xf32>
    %logistic3A_41 = arith.addf %logistic3A_40, %logistic3A_38 : vector<2000x1xf32>
    %logistic3A_42 = arith.divf %logistic3A_40, %logistic3A_41 : vector<2000x1xf32>
    %mul3A_43 = vector.broadcast %logistic3A_42 : vector<2000x1xf32> to vector<2000x128xf32>
    %mul3A_44 = arith.mulf %dot_general3A_30, %mul3A_43 : vector<2000x128xf32>
    %add3A = arith.addf %mul3A_22, %mul3A_44 : vector<2000x128xf32>
    %get3A_45 = arith.constant 0 : index
    %get3A_46 = arith.constant 2 : index
    %get3A_47 = arith.constant 0 : index
    %get3A_48 = arith.constant 0 : index
    %get3A_49 = vector.load %arg2[%get3A_45, %get3A_46, %get3A_47, %get3A_48] : memref<3x4x128x128xbf16, #tpu.memory_space<vmem>>, vector<1x1x128x128xbf16>
    %get3A_50 = vector.shape_cast %get3A_49 : vector<1x1x128x128xbf16> to vector<128x128xbf16>
    %dot_general3A_51 = arith.constant dense<0.000000e+00> : vector<2000x128xf32>
    %dot_general3A_52 = tpu.matmul %get3A_1, %get3A_50, %dot_general3A_51 {dimension_numbers = #tpu.dot_dimension_numbers<[1], [1], [0], [0], [0, 0, 1, 0], [], []>, transpose_lhs_hint = false} : vector<2000x128xbf16>, vector<128x128xbf16>, vector<2000x128xf32> -> vector<2000x128xf32>
    %slice3A_53 = vector.extract_strided_slice %get3A_6 {offsets = [2, 0], sizes = [1, 128], strides = [1, 1]} : vector<8x128xf32> to vector<1x128xf32>
    %mul3A_54 = vector.broadcast %slice3A_53 : vector<1x128xf32> to vector<2000x128xf32>
    %mul3A_55 = arith.mulf %dot_general3A_52, %mul3A_54 : vector<2000x128xf32>
    %reduce_sum3A_56 = arith.constant dense<0.000000e+00> : vector<2000xf32>
    %reduce_sum3A_57 = vector.multi_reduction <add>, %mul3A_55, %reduce_sum3A_56 [1] : vector<2000x128xf32> to vector<2000xf32>
    %broadcast_in_dim3A_58 = vector.shape_cast %reduce_sum3A_57 : vector<2000xf32> to vector<2000x1xf32>
    %logistic3A_59 = arith.negf %broadcast_in_dim3A_58 : vector<2000x1xf32>
    %logistic3A_60 = math.exp %logistic3A_59 : vector<2000x1xf32>
    %logistic3A_61 = arith.constant 1.000000e+00 : f32
    %logistic3A_62 = vector.broadcast %logistic3A_61 : f32 to vector<2000x1xf32>
    %logistic3A_63 = arith.addf %logistic3A_62, %logistic3A_60 : vector<2000x1xf32>
    %logistic3A_64 = arith.divf %logistic3A_62, %logistic3A_63 : vector<2000x1xf32>
    %mul3A_65 = vector.broadcast %logistic3A_64 : vector<2000x1xf32> to vector<2000x128xf32>
    %mul3A_66 = arith.mulf %dot_general3A_52, %mul3A_65 : vector<2000x128xf32>
    %add3A_67 = arith.addf %add3A, %mul3A_66 : vector<2000x128xf32>
    %get3A_68 = arith.constant 0 : index
    %get3A_69 = arith.constant 3 : index
    %get3A_70 = arith.constant 0 : index
    %get3A_71 = arith.constant 0 : index
    %get3A_72 = vector.load %arg2[%get3A_68, %get3A_69, %get3A_70, %get3A_71] : memref<3x4x128x128xbf16, #tpu.memory_space<vmem>>, vector<1x1x128x128xbf16>
    %get3A_73 = vector.shape_cast %get3A_72 : vector<1x1x128x128xbf16> to vector<128x128xbf16>
    %dot_general3A_74 = arith.constant dense<0.000000e+00> : vector<2000x128xf32>
    %dot_general3A_75 = tpu.matmul %get3A_1, %get3A_73, %dot_general3A_74 {dimension_numbers = #tpu.dot_dimension_numbers<[1], [1], [0], [0], [0, 0, 1, 0], [], []>, transpose_lhs_hint = false} : vector<2000x128xbf16>, vector<128x128xbf16>, vector<2000x128xf32> -> vector<2000x128xf32>
    %slice3A_76 = vector.extract_strided_slice %get3A_6 {offsets = [3, 0], sizes = [1, 128], strides = [1, 1]} : vector<8x128xf32> to vector<1x128xf32>
    %mul3A_77 = vector.broadcast %slice3A_76 : vector<1x128xf32> to vector<2000x128xf32>
    %mul3A_78 = arith.mulf %dot_general3A_75, %mul3A_77 : vector<2000x128xf32>
    %reduce_sum3A_79 = arith.constant dense<0.000000e+00> : vector<2000xf32>
    %reduce_sum3A_80 = vector.multi_reduction <add>, %mul3A_78, %reduce_sum3A_79 [1] : vector<2000x128xf32> to vector<2000xf32>
    %broadcast_in_dim3A_81 = vector.shape_cast %reduce_sum3A_80 : vector<2000xf32> to vector<2000x1xf32>
    %logistic3A_82 = arith.negf %broadcast_in_dim3A_81 : vector<2000x1xf32>
    %logistic3A_83 = math.exp %logistic3A_82 : vector<2000x1xf32>
    %logistic3A_84 = arith.constant 1.000000e+00 : f32
    %logistic3A_85 = vector.broadcast %logistic3A_84 : f32 to vector<2000x1xf32>
    %logistic3A_86 = arith.addf %logistic3A_85, %logistic3A_83 : vector<2000x1xf32>
    %logistic3A_87 = arith.divf %logistic3A_85, %logistic3A_86 : vector<2000x1xf32>
    %mul3A_88 = vector.broadcast %logistic3A_87 : vector<2000x1xf32> to vector<2000x128xf32>
    %mul3A_89 = arith.mulf %dot_general3A_75, %mul3A_88 : vector<2000x128xf32>
    %add3A_90 = arith.addf %add3A_67, %mul3A_89 : vector<2000x128xf32>
    %mul3A_91 = arith.constant 2.500000e-01 : f32
    %mul3A_92 = vector.broadcast %mul3A_91 : f32 to vector<2000x128xf32>
    %mul3A_93 = arith.mulf %add3A_90, %mul3A_92 : vector<2000x128xf32>
    %swap3A = arith.constant 0 : index
    %swap3A_94 = arith.constant 0 : index
    %swap3A_95 = arith.constant 0 : index
    %swap3A_96 = vector.load %arg4[%swap3A, %swap3A_94, %swap3A_95] : memref<3x2000x128xf32, #tpu.memory_space<vmem>>, vector<1x2000x128xf32>
    %swap3A_97 = vector.shape_cast %swap3A_96 : vector<1x2000x128xf32> to vector<2000x128xf32>
    %swap3A_98 = vector.shape_cast %mul3A_93 : vector<2000x128xf32> to vector<1x2000x128xf32>
    tpu.vector_store %arg4[%swap3A, %swap3A_94, %swap3A_95], %swap3A_98 {strides = array<i32>} : memref<3x2000x128xf32, #tpu.memory_space<vmem>>, vector<1x2000x128xf32>,
    %get3A_99 = arith.constant 1 : index
    %get3A_100 = arith.constant 0 : index
    %get3A_101 = arith.constant 0 : index
    %get3A_102 = vector.load %arg3[%get3A_99, %get3A_100, %get3A_101] : memref<3x8x128xf32, #tpu.memory_space<vmem>>, vector<1x8x128xf32>
    %get3A_103 = vector.shape_cast %get3A_102 : vector<1x8x128xf32> to vector<8x128xf32>
    %get3A_104 = arith.constant 1 : index
    %get3A_105 = arith.constant 0 : index
    %get3A_106 = arith.constant 0 : index
    %get3A_107 = arith.constant 0 : index
    %get3A_108 = vector.load %arg2[%get3A_104, %get3A_105, %get3A_106, %get3A_107] : memref<3x4x128x128xbf16, #tpu.memory_space<vmem>>, vector<1x1x128x128xbf16>
    %get3A_109 = vector.shape_cast %get3A_108 : vector<1x1x128x128xbf16> to vector<128x128xbf16>
    %dot_general3A_110 = arith.constant dense<0.000000e+00> : vector<2000x128xf32>
    %dot_general3A_111 = tpu.matmul %get3A_1, %get3A_109, %dot_general3A_110 {dimension_numbers = #tpu.dot_dimension_numbers<[1], [1], [0], [0], [0, 0, 1, 0], [], []>, transpose_lhs_hint = false} : vector<2000x128xbf16>, vector<128x128xbf16>, vector<2000x128xf32> -> vector<2000x128xf32>
    %slice3A_112 = vector.extract_strided_slice %get3A_103 {offsets = [0, 0], sizes = [1, 128], strides = [1, 1]} : vector<8x128xf32> to vector<1x128xf32>
    %mul3A_113 = vector.broadcast %slice3A_112 : vector<1x128xf32> to vector<2000x128xf32>
    %mul3A_114 = arith.mulf %dot_general3A_111, %mul3A_113 : vector<2000x128xf32>
    %reduce_sum3A_115 = arith.constant dense<0.000000e+00> : vector<2000xf32>
    %reduce_sum3A_116 = vector.multi_reduction <add>, %mul3A_114, %reduce_sum3A_115 [1] : vector<2000x128xf32> to vector<2000xf32>
    %broadcast_in_dim3A_117 = vector.shape_cast %reduce_sum3A_116 : vector<2000xf32> to vector<2000x1xf32>
    %logistic3A_118 = arith.negf %broadcast_in_dim3A_117 : vector<2000x1xf32>
    %logistic3A_119 = math.exp %logistic3A_118 : vector<2000x1xf32>
    %logistic3A_120 = arith.constant 1.000000e+00 : f32
    %logistic3A_121 = vector.broadcast %logistic3A_120 : f32 to vector<2000x1xf32>
    %logistic3A_122 = arith.addf %logistic3A_121, %logistic3A_119 : vector<2000x1xf32>
    %logistic3A_123 = arith.divf %logistic3A_121, %logistic3A_122 : vector<2000x1xf32>
    %mul3A_124 = vector.broadcast %logistic3A_123 : vector<2000x1xf32> to vector<2000x128xf32>
    %mul3A_125 = arith.mulf %dot_general3A_111, %mul3A_124 : vector<2000x128xf32>
    %get3A_126 = arith.constant 1 : index
    %get3A_127 = arith.constant 1 : index
    %get3A_128 = arith.constant 0 : index
    %get3A_129 = arith.constant 0 : index
    %get3A_130 = vector.load %arg2[%get3A_126, %get3A_127, %get3A_128, %get3A_129] : memref<3x4x128x128xbf16, #tpu.memory_space<vmem>>, vector<1x1x128x128xbf16>
    %get3A_131 = vector.shape_cast %get3A_130 : vector<1x1x128x128xbf16> to vector<128x128xbf16>
    %dot_general3A_132 = arith.constant dense<0.000000e+00> : vector<2000x128xf32>
    %dot_general3A_133 = tpu.matmul %get3A_1, %get3A_131, %dot_general3A_132 {dimension_numbers = #tpu.dot_dimension_numbers<[1], [1], [0], [0], [0, 0, 1, 0], [], []>, transpose_lhs_hint = false} : vector<2000x128xbf16>, vector<128x128xbf16>, vector<2000x128xf32> -> vector<2000x128xf32>
    %slice3A_134 = vector.extract_strided_slice %get3A_103 {offsets = [1, 0], sizes = [1, 128], strides = [1, 1]} : vector<8x128xf32> to vector<1x128xf32>
    %mul3A_135 = vector.broadcast %slice3A_134 : vector<1x128xf32> to vector<2000x128xf32>
    %mul3A_136 = arith.mulf %dot_general3A_133, %mul3A_135 : vector<2000x128xf32>
    %reduce_sum3A_137 = arith.constant dense<0.000000e+00> : vector<2000xf32>
    %reduce_sum3A_138 = vector.multi_reduction <add>, %mul3A_136, %reduce_sum3A_137 [1] : vector<2000x128xf32> to vector<2000xf32>
    %broadcast_in_dim3A_139 = vector.shape_cast %reduce_sum3A_138 : vector<2000xf32> to vector<2000x1xf32>
    %logistic3A_140 = arith.negf %broadcast_in_dim3A_139 : vector<2000x1xf32>
    %logistic3A_141 = math.exp %logistic3A_140 : vector<2000x1xf32>
    %logistic3A_142 = arith.constant 1.000000e+00 : f32
    %logistic3A_143 = vector.broadcast %logistic3A_142 : f32 to vector<2000x1xf32>
    %logistic3A_144 = arith.addf %logistic3A_143, %logistic3A_141 : vector<2000x1xf32>
    %logistic3A_145 = arith.divf %logistic3A_143, %logistic3A_144 : vector<2000x1xf32>
    %mul3A_146 = vector.broadcast %logistic3A_145 : vector<2000x1xf32> to vector<2000x128xf32>
    %mul3A_147 = arith.mulf %dot_general3A_133, %mul3A_146 : vector<2000x128xf32>
    %add3A_148 = arith.addf %mul3A_125, %mul3A_147 : vector<2000x128xf32>
    %get3A_149 = arith.constant 1 : index
    %get3A_150 = arith.constant 2 : index
    %get3A_151 = arith.constant 0 : index
    %get3A_152 = arith.constant 0 : index
    %get3A_153 = vector.load %arg2[%get3A_149, %get3A_150, %get3A_151, %get3A_152] : memref<3x4x128x128xbf16, #tpu.memory_space<vmem>>, vector<1x1x128x128xbf16>
    %get3A_154 = vector.shape_cast %get3A_153 : vector<1x1x128x128xbf16> to vector<128x128xbf16>
    %dot_general3A_155 = arith.constant dense<0.000000e+00> : vector<2000x128xf32>
    %dot_general3A_156 = tpu.matmul %get3A_1, %get3A_154, %dot_general3A_155 {dimension_numbers = #tpu.dot_dimension_numbers<[1], [1], [0], [0], [0, 0, 1, 0], [], []>, transpose_lhs_hint = false} : vector<2000x128xbf16>, vector<128x128xbf16>, vector<2000x128xf32> -> vector<2000x128xf32>
    %slice3A_157 = vector.extract_strided_slice %get3A_103 {offsets = [2, 0], sizes = [1, 128], strides = [1, 1]} : vector<8x128xf32> to vector<1x128xf32>
    %mul3A_158 = vector.broadcast %slice3A_157 : vector<1x128xf32> to vector<2000x128xf32>
    %mul3A_159 = arith.mulf %dot_general3A_156, %mul3A_158 : vector<2000x128xf32>
    %reduce_sum3A_160 = arith.constant dense<0.000000e+00> : vector<2000xf32>
    %reduce_sum3A_161 = vector.multi_reduction <add>, %mul3A_159, %reduce_sum3A_160 [1] : vector<2000x128xf32> to vector<2000xf32>
    %broadcast_in_dim3A_162 = vector.shape_cast %reduce_sum3A_161 : vector<2000xf32> to vector<2000x1xf32>
    %logistic3A_163 = arith.negf %broadcast_in_dim3A_162 : vector<2000x1xf32>
    %logistic3A_164 = math.exp %logistic3A_163 : vector<2000x1xf32>
    %logistic3A_165 = arith.constant 1.000000e+00 : f32
    %logistic3A_166 = vector.broadcast %logistic3A_165 : f32 to vector<2000x1xf32>
    %logistic3A_167 = arith.addf %logistic3A_166, %logistic3A_164 : vector<2000x1xf32>
    %logistic3A_168 = arith.divf %logistic3A_166, %logistic3A_167 : vector<2000x1xf32>
    %mul3A_169 = vector.broadcast %logistic3A_168 : vector<2000x1xf32> to vector<2000x128xf32>
    %mul3A_170 = arith.mulf %dot_general3A_156, %mul3A_169 : vector<2000x128xf32>
    %add3A_171 = arith.addf %add3A_148, %mul3A_170 : vector<2000x128xf32>
    %get3A_172 = arith.constant 1 : index
    %get3A_173 = arith.constant 3 : index
    %get3A_174 = arith.constant 0 : index
    %get3A_175 = arith.constant 0 : index
    %get3A_176 = vector.load %arg2[%get3A_172, %get3A_173, %get3A_174, %get3A_175] : memref<3x4x128x128xbf16, #tpu.memory_space<vmem>>, vector<1x1x128x128xbf16>
    %get3A_177 = vector.shape_cast %get3A_176 : vector<1x1x128x128xbf16> to vector<128x128xbf16>
    %dot_general3A_178 = arith.constant dense<0.000000e+00> : vector<2000x128xf32>
    %dot_general3A_179 = tpu.matmul %get3A_1, %get3A_177, %dot_general3A_178 {dimension_numbers = #tpu.dot_dimension_numbers<[1], [1], [0], [0], [0, 0, 1, 0], [], []>, transpose_lhs_hint = false} : vector<2000x128xbf16>, vector<128x128xbf16>, vector<2000x128xf32> -> vector<2000x128xf32>
    %slice3A_180 = vector.extract_strided_slice %get3A_103 {offsets = [3, 0], sizes = [1, 128], strides = [1, 1]} : vector<8x128xf32> to vector<1x128xf32>
    %mul3A_181 = vector.broadcast %slice3A_180 : vector<1x128xf32> to vector<2000x128xf32>
    %mul3A_182 = arith.mulf %dot_general3A_179, %mul3A_181 : vector<2000x128xf32>
    %reduce_sum3A_183 = arith.constant dense<0.000000e+00> : vector<2000xf32>
    %reduce_sum3A_184 = vector.multi_reduction <add>, %mul3A_182, %reduce_sum3A_183 [1] : vector<2000x128xf32> to vector<2000xf32>
    %broadcast_in_dim3A_185 = vector.shape_cast %reduce_sum3A_184 : vector<2000xf32> to vector<2000x1xf32>
    %logistic3A_186 = arith.negf %broadcast_in_dim3A_185 : vector<2000x1xf32>
    %logistic3A_187 = math.exp %logistic3A_186 : vector<2000x1xf32>
    %logistic3A_188 = arith.constant 1.000000e+00 : f32
    %logistic3A_189 = vector.broadcast %logistic3A_188 : f32 to vector<2000x1xf32>
    %logistic3A_190 = arith.addf %logistic3A_189, %logistic3A_187 : vector<2000x1xf32>
    %logistic3A_191 = arith.divf %logistic3A_189, %logistic3A_190 : vector<2000x1xf32>
    %mul3A_192 = vector.broadcast %logistic3A_191 : vector<2000x1xf32> to vector<2000x128xf32>
    %mul3A_193 = arith.mulf %dot_general3A_179, %mul3A_192 : vector<2000x128xf32>
    %add3A_194 = arith.addf %add3A_171, %mul3A_193 : vector<2000x128xf32>
    %mul3A_195 = arith.constant 2.500000e-01 : f32
    %mul3A_196 = vector.broadcast %mul3A_195 : f32 to vector<2000x128xf32>
    %mul3A_197 = arith.mulf %add3A_194, %mul3A_196 : vector<2000x128xf32>
    %swap3A_198 = arith.constant 1 : index
    %swap3A_199 = arith.constant 0 : index
    %swap3A_200 = arith.constant 0 : index
    %swap3A_201 = vector.load %arg4[%swap3A_198, %swap3A_199, %swap3A_200] : memref<3x2000x128xf32, #tpu.memory_space<vmem>>, vector<1x2000x128xf32>
    %swap3A_202 = vector.shape_cast %swap3A_201 : vector<1x2000x128xf32> to vector<2000x128xf32>
    %swap3A_203 = vector.shape_cast %mul3A_197 : vector<2000x128xf32> to vector<1x2000x128xf32>
    tpu.vector_store %arg4[%swap3A_198, %swap3A_199, %swap3A_200], %swap3A_203 {strides = array<i32>} : memref<3x2000x128xf32, #tpu.memory_space<vmem>>, vector<1x2000x128xf32>,
    %get3A_204 = arith.constant 2 : index
    %get3A_205 = arith.constant 0 : index
    %get3A_206 = arith.constant 0 : index
    %get3A_207 = vector.load %arg3[%get3A_204, %get3A_205, %get3A_206] : memref<3x8x128xf32, #tpu.memory_space<vmem>>, vector<1x8x128xf32>
    %get3A_208 = vector.shape_cast %get3A_207 : vector<1x8x128xf32> to vector<8x128xf32>
    %get3A_209 = arith.constant 2 : index
    %get3A_210 = arith.constant 0 : index
    %get3A_211 = arith.constant 0 : index
    %get3A_212 = arith.constant 0 : index
    %get3A_213 = vector.load %arg2[%get3A_209, %get3A_210, %get3A_211, %get3A_212] : memref<3x4x128x128xbf16, #tpu.memory_space<vmem>>, vector<1x1x128x128xbf16>
    %get3A_214 = vector.shape_cast %get3A_213 : vector<1x1x128x128xbf16> to vector<128x128xbf16>
    %dot_general3A_215 = arith.constant dense<0.000000e+00> : vector<2000x128xf32>
    %dot_general3A_216 = tpu.matmul %get3A_1, %get3A_214, %dot_general3A_215 {dimension_numbers = #tpu.dot_dimension_numbers<[1], [1], [0], [0], [0, 0, 1, 0], [], []>, transpose_lhs_hint = false} : vector<2000x128xbf16>, vector<128x128xbf16>, vector<2000x128xf32> -> vector<2000x128xf32>
    %slice3A_217 = vector.extract_strided_slice %get3A_208 {offsets = [0, 0], sizes = [1, 128], strides = [1, 1]} : vector<8x128xf32> to vector<1x128xf32>
    %mul3A_218 = vector.broadcast %slice3A_217 : vector<1x128xf32> to vector<2000x128xf32>
    %mul3A_219 = arith.mulf %dot_general3A_216, %mul3A_218 : vector<2000x128xf32>
    %reduce_sum3A_220 = arith.constant dense<0.000000e+00> : vector<2000xf32>
    %reduce_sum3A_221 = vector.multi_reduction <add>, %mul3A_219, %reduce_sum3A_220 [1] : vector<2000x128xf32> to vector<2000xf32>
    %broadcast_in_dim3A_222 = vector.shape_cast %reduce_sum3A_221 : vector<2000xf32> to vector<2000x1xf32>
    %logistic3A_223 = arith.negf %broadcast_in_dim3A_222 : vector<2000x1xf32>
    %logistic3A_224 = math.exp %logistic3A_223 : vector<2000x1xf32>
    %logistic3A_225 = arith.constant 1.000000e+00 : f32
    %logistic3A_226 = vector.broadcast %logistic3A_225 : f32 to vector<2000x1xf32>
    %logistic3A_227 = arith.addf %logistic3A_226, %logistic3A_224 : vector<2000x1xf32>
    %logistic3A_228 = arith.divf %logistic3A_226, %logistic3A_227 : vector<2000x1xf32>
    %mul3A_229 = vector.broadcast %logistic3A_228 : vector<2000x1xf32> to vector<2000x128xf32>
    %mul3A_230 = arith.mulf %dot_general3A_216, %mul3A_229 : vector<2000x128xf32>
    %get3A_231 = arith.constant 2 : index
    %get3A_232 = arith.constant 1 : index
    %get3A_233 = arith.constant 0 : index
    %get3A_234 = arith.constant 0 : index
    %get3A_235 = vector.load %arg2[%get3A_231, %get3A_232, %get3A_233, %get3A_234] : memref<3x4x128x128xbf16, #tpu.memory_space<vmem>>, vector<1x1x128x128xbf16>
    %get3A_236 = vector.shape_cast %get3A_235 : vector<1x1x128x128xbf16> to vector<128x128xbf16>
    %dot_general3A_237 = arith.constant dense<0.000000e+00> : vector<2000x128xf32>
    %dot_general3A_238 = tpu.matmul %get3A_1, %get3A_236, %dot_general3A_237 {dimension_numbers = #tpu.dot_dimension_numbers<[1], [1], [0], [0], [0, 0, 1, 0], [], []>, transpose_lhs_hint = false} : vector<2000x128xbf16>, vector<128x128xbf16>, vector<2000x128xf32> -> vector<2000x128xf32>
    %slice3A_239 = vector.extract_strided_slice %get3A_208 {offsets = [1, 0], sizes = [1, 128], strides = [1, 1]} : vector<8x128xf32> to vector<1x128xf32>
    %mul3A_240 = vector.broadcast %slice3A_239 : vector<1x128xf32> to vector<2000x128xf32>
    %mul3A_241 = arith.mulf %dot_general3A_238, %mul3A_240 : vector<2000x128xf32>
    %reduce_sum3A_242 = arith.constant dense<0.000000e+00> : vector<2000xf32>
    %reduce_sum3A_243 = vector.multi_reduction <add>, %mul3A_241, %reduce_sum3A_242 [1] : vector<2000x128xf32> to vector<2000xf32>
    %broadcast_in_dim3A_244 = vector.shape_cast %reduce_sum3A_243 : vector<2000xf32> to vector<2000x1xf32>
    %logistic3A_245 = arith.negf %broadcast_in_dim3A_244 : vector<2000x1xf32>
    %logistic3A_246 = math.exp %logistic3A_245 : vector<2000x1xf32>
    %logistic3A_247 = arith.constant 1.000000e+00 : f32
    %logistic3A_248 = vector.broadcast %logistic3A_247 : f32 to vector<2000x1xf32>
    %logistic3A_249 = arith.addf %logistic3A_248, %logistic3A_246 : vector<2000x1xf32>
    %logistic3A_250 = arith.divf %logistic3A_248, %logistic3A_249 : vector<2000x1xf32>
    %mul3A_251 = vector.broadcast %logistic3A_250 : vector<2000x1xf32> to vector<2000x128xf32>
    %mul3A_252 = arith.mulf %dot_general3A_238, %mul3A_251 : vector<2000x128xf32>
    %add3A_253 = arith.addf %mul3A_230, %mul3A_252 : vector<2000x128xf32>
    %get3A_254 = arith.constant 2 : index
    %get3A_255 = arith.constant 2 : index
    %get3A_256 = arith.constant 0 : index
    %get3A_257 = arith.constant 0 : index
    %get3A_258 = vector.load %arg2[%get3A_254, %get3A_255, %get3A_256, %get3A_257] : memref<3x4x128x128xbf16, #tpu.memory_space<vmem>>, vector<1x1x128x128xbf16>
    %get3A_259 = vector.shape_cast %get3A_258 : vector<1x1x128x128xbf16> to vector<128x128xbf16>
    %dot_general3A_260 = arith.constant dense<0.000000e+00> : vector<2000x128xf32>
    %dot_general3A_261 = tpu.matmul %get3A_1, %get3A_259, %dot_general3A_260 {dimension_numbers = #tpu.dot_dimension_numbers<[1], [1], [0], [0], [0, 0, 1, 0], [], []>, transpose_lhs_hint = false} : vector<2000x128xbf16>, vector<128x128xbf16>, vector<2000x128xf32> -> vector<2000x128xf32>
    %slice3A_262 = vector.extract_strided_slice %get3A_208 {offsets = [2, 0], sizes = [1, 128], strides = [1, 1]} : vector<8x128xf32> to vector<1x128xf32>
    %mul3A_263 = vector.broadcast %slice3A_262 : vector<1x128xf32> to vector<2000x128xf32>
    %mul3A_264 = arith.mulf %dot_general3A_261, %mul3A_263 : vector<2000x128xf32>
    %reduce_sum3A_265 = arith.constant dense<0.000000e+00> : vector<2000xf32>
    %reduce_sum3A_266 = vector.multi_reduction <add>, %mul3A_264, %reduce_sum3A_265 [1] : vector<2000x128xf32> to vector<2000xf32>
    %broadcast_in_dim3A_267 = vector.shape_cast %reduce_sum3A_266 : vector<2000xf32> to vector<2000x1xf32>
    %logistic3A_268 = arith.negf %broadcast_in_dim3A_267 : vector<2000x1xf32>
    %logistic3A_269 = math.exp %logistic3A_268 : vector<2000x1xf32>
    %logistic3A_270 = arith.constant 1.000000e+00 : f32
    %logistic3A_271 = vector.broadcast %logistic3A_270 : f32 to vector<2000x1xf32>
    %logistic3A_272 = arith.addf %logistic3A_271, %logistic3A_269 : vector<2000x1xf32>
    %logistic3A_273 = arith.divf %logistic3A_271, %logistic3A_272 : vector<2000x1xf32>
    %mul3A_274 = vector.broadcast %logistic3A_273 : vector<2000x1xf32> to vector<2000x128xf32>
    %mul3A_275 = arith.mulf %dot_general3A_261, %mul3A_274 : vector<2000x128xf32>
    %add3A_276 = arith.addf %add3A_253, %mul3A_275 : vector<2000x128xf32>
    %get3A_277 = arith.constant 2 : index
    %get3A_278 = arith.constant 3 : index
    %get3A_279 = arith.constant 0 : index
    %get3A_280 = arith.constant 0 : index
    %get3A_281 = vector.load %arg2[%get3A_277, %get3A_278, %get3A_279, %get3A_280] : memref<3x4x128x128xbf16, #tpu.memory_space<vmem>>, vector<1x1x128x128xbf16>
    %get3A_282 = vector.shape_cast %get3A_281 : vector<1x1x128x128xbf16> to vector<128x128xbf16>
    %dot_general3A_283 = arith.constant dense<0.000000e+00> : vector<2000x128xf32>
    %dot_general3A_284 = tpu.matmul %get3A_1, %get3A_282, %dot_general3A_283 {dimension_numbers = #tpu.dot_dimension_numbers<[1], [1], [0], [0], [0, 0, 1, 0], [], []>, transpose_lhs_hint = false} : vector<2000x128xbf16>, vector<128x128xbf16>, vector<2000x128xf32> -> vector<2000x128xf32>
    %slice3A_285 = vector.extract_strided_slice %get3A_208 {offsets = [3, 0], sizes = [1, 128], strides = [1, 1]} : vector<8x128xf32> to vector<1x128xf32>
    %mul3A_286 = vector.broadcast %slice3A_285 : vector<1x128xf32> to vector<2000x128xf32>
    %mul3A_287 = arith.mulf %dot_general3A_284, %mul3A_286 : vector<2000x128xf32>
    %reduce_sum3A_288 = arith.constant dense<0.000000e+00> : vector<2000xf32>
    %reduce_sum3A_289 = vector.multi_reduction <add>, %mul3A_287, %reduce_sum3A_288 [1] : vector<2000x128xf32> to vector<2000xf32>
    %broadcast_in_dim3A_290 = vector.shape_cast %reduce_sum3A_289 : vector<2000xf32> to vector<2000x1xf32>
    %logistic3A_291 = arith.negf %broadcast_in_dim3A_290 : vector<2000x1xf32>
    %logistic3A_292 = math.exp %logistic3A_291 : vector<2000x1xf32>
    %logistic3A_293 = arith.constant 1.000000e+00 : f32
    %logistic3A_294 = vector.broadcast %logistic3A_293 : f32 to vector<2000x1xf32>
    %logistic3A_295 = arith.addf %logistic3A_294, %logistic3A_292 : vector<2000x1xf32>
    %logistic3A_296 = arith.divf %logistic3A_294, %logistic3A_295 : vector<2000x1xf32>
    %mul3A_297 = vector.broadcast %logistic3A_296 : vector<2000x1xf32> to vector<2000x128xf32>
    %mul3A_298 = arith.mulf %dot_general3A_284, %mul3A_297 : vector<2000x128xf32>
    %add3A_299 = arith.addf %add3A_276, %mul3A_298 : vector<2000x128xf32>
    %mul3A_300 = arith.constant 2.500000e-01 : f32
    %mul3A_301 = vector.broadcast %mul3A_300 : f32 to vector<2000x128xf32>
    %mul3A_302 = arith.mulf %add3A_299, %mul3A_301 : vector<2000x128xf32>
    %swap3A_303 = arith.constant 2 : index
    %swap3A_304 = arith.constant 0 : index
    %swap3A_305 = arith.constant 0 : index
    %swap3A_306 = vector.load %arg4[%swap3A_303, %swap3A_304, %swap3A_305] : memref<3x2000x128xf32, #tpu.memory_space<vmem>>, vector<1x2000x128xf32>
    %swap3A_307 = vector.shape_cast %swap3A_306 : vector<1x2000x128xf32> to vector<2000x128xf32>
    %swap3A_308 = vector.shape_cast %mul3A_302 : vector<2000x128xf32> to vector<1x2000x128xf32>
    tpu.vector_store %arg4[%swap3A_303, %swap3A_304, %swap3A_305], %swap3A_308 {strides = array<i32>} : memref<3x2000x128xf32, #tpu.memory_space<vmem>>, vector<1x2000x128xf32>,
    return
  }
  func.func @transform_0(%arg0: i32) -> (i32, i32) {
    %c0_i32 = arith.constant 0 : i32
    %c0_i32_0 = arith.constant 0 : i32
    return %arg0, %c0_i32 : i32, i32
  }
  func.func @transform_1(%arg0: i32) -> (i32, i32, i32, i32) {
    %c0_i32 = arith.constant 0 : i32
    %c0_i32_0 = arith.constant 0 : i32
    %c0_i32_1 = arith.constant 0 : i32
    %c0_i32_2 = arith.constant 0 : i32
    %c0_i32_3 = arith.constant 0 : i32
    return %c0_i32, %c0_i32_0, %c0_i32_1, %c0_i32_2 : i32, i32, i32, i32
  }
  func.func @transform_2(%arg0: i32) -> (i32, i32, i32) {
    %c0_i32 = arith.constant 0 : i32
    %c0_i32_0 = arith.constant 0 : i32
    %c0_i32_1 = arith.constant 0 : i32
    %c0_i32_2 = arith.constant 0 : i32
    return %c0_i32, %c0_i32_0, %c0_i32_1 : i32, i32, i32
  }
  func.func @transform_3(%arg0: i32) -> (i32, i32, i32) {
    %c0_i32 = arith.constant 0 : i32
    %c0_i32_0 = arith.constant 0 : i32
    %c0_i32_1 = arith.constant 0 : i32
    return %c0_i32, %arg0, %c0_i32_0 : i32, i32, i32
  }
}

module attributes {stable_mosaic.version = 14 : i64} {
  func.func @_fuse_body(%arg0: i32, %arg1: memref<6x2000x128xf32, #tpu.memory_space<vmem>>, %arg2: memref<8x128xf32, #tpu.memory_space<vmem>>, %arg3: memref<3xf32, #tpu.memory_space<smem>>, %arg4: memref<2000x128xf32, #tpu.memory_space<vmem>>, %arg5: memref<1x1x128xf32, #tpu.memory_space<vmem>>) attributes {dimension_semantics = [#tpu.dimension_semantics<arbitrary>], iteration_bounds = array<i64: 5>, scalar_prefetch = 0 : i64, scratch_operands = 0 : i64, tpu.core_type = #tpu.core_type<tc>, window_params = [{transform_indices = @transform_0, window_bounds = array<i64: 6, 2000, 128>}, {pipeline_mode = #tpu.pipeline_mode<synchronous>, transform_indices = @transform_1, window_bounds = array<i64: 8, 128>}, {transform_indices = @transform_2, window_bounds = array<i64: 3>}, {transform_indices = @transform_3, window_bounds = array<i64: 2000, 128>}, {transform_indices = @transform_4, window_bounds = array<i64: 1, 1, 128>}]} {
    %get3A = arith.constant 0 : index
    %get3A_0 = arith.constant 0 : index
    %get3A_1 = arith.constant 0 : index
    %get3A_2 = vector.load %arg1[%get3A, %get3A_0, %get3A_1] : memref<6x2000x128xf32, #tpu.memory_space<vmem>>, vector<1x2000x128xf32>
    %get3A_3 = vector.shape_cast %get3A_2 : vector<1x2000x128xf32> to vector<2000x128xf32>
    %get3A_4 = arith.constant 3 : index
    %get3A_5 = arith.constant 0 : index
    %get3A_6 = arith.constant 0 : index
    %get3A_7 = vector.load %arg1[%get3A_4, %get3A_5, %get3A_6] : memref<6x2000x128xf32, #tpu.memory_space<vmem>>, vector<1x2000x128xf32>
    %get3A_8 = vector.shape_cast %get3A_7 : vector<1x2000x128xf32> to vector<2000x128xf32>
    %add3A = arith.addf %get3A_3, %get3A_8 : vector<2000x128xf32>
    %get3A_9 = arith.constant 1 : index
    %get3A_10 = arith.constant 0 : index
    %get3A_11 = arith.constant 0 : index
    %get3A_12 = vector.load %arg1[%get3A_9, %get3A_10, %get3A_11] : memref<6x2000x128xf32, #tpu.memory_space<vmem>>, vector<1x2000x128xf32>
    %get3A_13 = vector.shape_cast %get3A_12 : vector<1x2000x128xf32> to vector<2000x128xf32>
    %get3A_14 = arith.constant 4 : index
    %get3A_15 = arith.constant 0 : index
    %get3A_16 = arith.constant 0 : index
    %get3A_17 = vector.load %arg1[%get3A_14, %get3A_15, %get3A_16] : memref<6x2000x128xf32, #tpu.memory_space<vmem>>, vector<1x2000x128xf32>
    %get3A_18 = vector.shape_cast %get3A_17 : vector<1x2000x128xf32> to vector<2000x128xf32>
    %add3A_19 = arith.addf %get3A_13, %get3A_18 : vector<2000x128xf32>
    %get3A_20 = arith.constant 2 : index
    %get3A_21 = arith.constant 0 : index
    %get3A_22 = arith.constant 0 : index
    %get3A_23 = vector.load %arg1[%get3A_20, %get3A_21, %get3A_22] : memref<6x2000x128xf32, #tpu.memory_space<vmem>>, vector<1x2000x128xf32>
    %get3A_24 = vector.shape_cast %get3A_23 : vector<1x2000x128xf32> to vector<2000x128xf32>
    %get3A_25 = arith.constant 5 : index
    %get3A_26 = arith.constant 0 : index
    %get3A_27 = arith.constant 0 : index
    %get3A_28 = vector.load %arg1[%get3A_25, %get3A_26, %get3A_27] : memref<6x2000x128xf32, #tpu.memory_space<vmem>>, vector<1x2000x128xf32>
    %get3A_29 = vector.shape_cast %get3A_28 : vector<1x2000x128xf32> to vector<2000x128xf32>
    %add3A_30 = arith.addf %get3A_24, %get3A_29 : vector<2000x128xf32>
    %get3A_31 = arith.constant 0 : index
    %get3A_32 = arith.constant 0 : index
    %get3A_33 = vector.load %arg2[%get3A_31, %get3A_32] : memref<8x128xf32, #tpu.memory_space<vmem>>, vector<8x128xf32>
    %slice3A = vector.extract_strided_slice %get3A_33 {offsets = [0, 0], sizes = [1, 128], strides = [1, 1]} : vector<8x128xf32> to vector<1x128xf32>
    %mul3A = vector.broadcast %slice3A : vector<1x128xf32> to vector<2000x128xf32>
    %mul3A_34 = arith.mulf %add3A, %mul3A : vector<2000x128xf32>
    %reduce_sum3A = arith.constant dense<0.000000e+00> : vector<2000xf32>
    %reduce_sum3A_35 = vector.multi_reduction <add>, %mul3A_34, %reduce_sum3A [1] : vector<2000x128xf32> to vector<2000xf32>
    %broadcast_in_dim3A = vector.shape_cast %reduce_sum3A_35 : vector<2000xf32> to vector<2000x1xf32>
    %get3A_36 = arith.constant 0 : index
    %get3A_37 = memref.load %arg3[%get3A_36] : memref<3xf32, #tpu.memory_space<smem>>
    %add3A_38 = vector.broadcast %get3A_37 : f32 to vector<2000x1xf32>
    %add3A_39 = arith.addf %broadcast_in_dim3A, %add3A_38 : vector<2000x1xf32>
    %slice3A_40 = vector.extract_strided_slice %get3A_33 {offsets = [1, 0], sizes = [1, 128], strides = [1, 1]} : vector<8x128xf32> to vector<1x128xf32>
    %mul3A_41 = vector.broadcast %slice3A_40 : vector<1x128xf32> to vector<2000x128xf32>
    %mul3A_42 = arith.mulf %add3A_19, %mul3A_41 : vector<2000x128xf32>
    %reduce_sum3A_43 = arith.constant dense<0.000000e+00> : vector<2000xf32>
    %reduce_sum3A_44 = vector.multi_reduction <add>, %mul3A_42, %reduce_sum3A_43 [1] : vector<2000x128xf32> to vector<2000xf32>
    %broadcast_in_dim3A_45 = vector.shape_cast %reduce_sum3A_44 : vector<2000xf32> to vector<2000x1xf32>
    %get3A_46 = arith.constant 1 : index
    %get3A_47 = memref.load %arg3[%get3A_46] : memref<3xf32, #tpu.memory_space<smem>>
    %add3A_48 = vector.broadcast %get3A_47 : f32 to vector<2000x1xf32>
    %add3A_49 = arith.addf %broadcast_in_dim3A_45, %add3A_48 : vector<2000x1xf32>
    %slice3A_50 = vector.extract_strided_slice %get3A_33 {offsets = [2, 0], sizes = [1, 128], strides = [1, 1]} : vector<8x128xf32> to vector<1x128xf32>
    %mul3A_51 = vector.broadcast %slice3A_50 : vector<1x128xf32> to vector<2000x128xf32>
    %mul3A_52 = arith.mulf %add3A_30, %mul3A_51 : vector<2000x128xf32>
    %reduce_sum3A_53 = arith.constant dense<0.000000e+00> : vector<2000xf32>
    %reduce_sum3A_54 = vector.multi_reduction <add>, %mul3A_52, %reduce_sum3A_53 [1] : vector<2000x128xf32> to vector<2000xf32>
    %broadcast_in_dim3A_55 = vector.shape_cast %reduce_sum3A_54 : vector<2000xf32> to vector<2000x1xf32>
    %get3A_56 = arith.constant 2 : index
    %get3A_57 = memref.load %arg3[%get3A_56] : memref<3xf32, #tpu.memory_space<smem>>
    %add3A_58 = vector.broadcast %get3A_57 : f32 to vector<2000x1xf32>
    %add3A_59 = arith.addf %broadcast_in_dim3A_55, %add3A_58 : vector<2000x1xf32>
    %max3A = arith.maximumf %add3A_39, %add3A_49 : vector<2000x1xf32>
    %max3A_60 = arith.maximumf %max3A, %add3A_59 : vector<2000x1xf32>
    %sub3A = arith.subf %add3A_39, %max3A_60 : vector<2000x1xf32>
    %exp3A = math.exp %sub3A : vector<2000x1xf32>
    %sub3A_61 = arith.subf %add3A_49, %max3A_60 : vector<2000x1xf32>
    %exp3A_62 = math.exp %sub3A_61 : vector<2000x1xf32>
    %sub3A_63 = arith.subf %add3A_59, %max3A_60 : vector<2000x1xf32>
    %exp3A_64 = math.exp %sub3A_63 : vector<2000x1xf32>
    %add3A_65 = arith.addf %exp3A, %exp3A_62 : vector<2000x1xf32>
    %add3A_66 = arith.addf %add3A_65, %exp3A_64 : vector<2000x1xf32>
    %div3A = arith.constant 1.000000e+00 : f32
    %div3A_67 = vector.broadcast %div3A : f32 to vector<2000x1xf32>
    %div3A_68 = arith.divf %div3A_67, %add3A_66 : vector<2000x1xf32>
    %mul3A_69 = arith.mulf %exp3A, %div3A_68 : vector<2000x1xf32>
    %mul3A_70 = arith.mulf %exp3A_62, %div3A_68 : vector<2000x1xf32>
    %mul3A_71 = arith.mulf %exp3A_64, %div3A_68 : vector<2000x1xf32>
    %mul3A_72 = vector.broadcast %mul3A_69 : vector<2000x1xf32> to vector<2000x128xf32>
    %mul3A_73 = arith.mulf %mul3A_72, %add3A : vector<2000x128xf32>
    %mul3A_74 = vector.broadcast %mul3A_70 : vector<2000x1xf32> to vector<2000x128xf32>
    %mul3A_75 = arith.mulf %mul3A_74, %add3A_19 : vector<2000x128xf32>
    %add3A_76 = arith.addf %mul3A_73, %mul3A_75 : vector<2000x128xf32>
    %mul3A_77 = vector.broadcast %mul3A_71 : vector<2000x1xf32> to vector<2000x128xf32>
    %mul3A_78 = arith.mulf %mul3A_77, %add3A_30 : vector<2000x128xf32>
    %add3A_79 = arith.addf %add3A_76, %mul3A_78 : vector<2000x128xf32>
    %max3A_80 = arith.constant 0.000000e+00 : f32
    %max3A_81 = vector.broadcast %max3A_80 : f32 to vector<2000x128xf32>
    %max3A_82 = arith.maximumf %add3A_79, %max3A_81 : vector<2000x128xf32>
    %swap3A = arith.constant 0 : index
    %swap3A_83 = arith.constant 0 : index
    %swap3A_84 = vector.load %arg4[%swap3A, %swap3A_83] : memref<2000x128xf32, #tpu.memory_space<vmem>>, vector<2000x128xf32>
    tpu.vector_store %arg4[%swap3A, %swap3A_83], %max3A_82 {strides = array<i32>} : memref<2000x128xf32, #tpu.memory_space<vmem>>, vector<2000x128xf32>,
    %iota3A = tpu.iota {dimensions = array<i32: 1>} : vector<1x128xi32>
    %eq3A = arith.constant 0 : i32
    %eq3A_85 = vector.broadcast %eq3A : i32 to vector<1x128xi32>
    %eq3A_86 = arith.cmpi eq, %iota3A, %eq3A_85 : vector<1x128xi32>
    %reduce_sum3A_87 = vector.shape_cast %mul3A_69 : vector<2000x1xf32> to vector<1x2000x1xf32>
    %reduce_sum3A_88 = arith.constant dense<0.000000e+00> : vector<1xf32>
    %reduce_sum3A_89 = vector.multi_reduction <add>, %reduce_sum3A_87, %reduce_sum3A_88 [1, 2] : vector<1x2000x1xf32> to vector<1xf32>
    %reduce_sum3A_90 = vector.shape_cast %reduce_sum3A_89 : vector<1xf32> to vector<1x1x1xf32>
    %reduce_sum3A_91 = vector.extract %reduce_sum3A_90[0, 0, 0] : f32 from vector<1x1x1xf32>
    %eq3A_92 = arith.constant 1 : i32
    %eq3A_93 = vector.broadcast %eq3A_92 : i32 to vector<1x128xi32>
    %eq3A_94 = arith.cmpi eq, %iota3A, %eq3A_93 : vector<1x128xi32>
    %reduce_sum3A_95 = vector.shape_cast %mul3A_70 : vector<2000x1xf32> to vector<1x2000x1xf32>
    %reduce_sum3A_96 = arith.constant dense<0.000000e+00> : vector<1xf32>
    %reduce_sum3A_97 = vector.multi_reduction <add>, %reduce_sum3A_95, %reduce_sum3A_96 [1, 2] : vector<1x2000x1xf32> to vector<1xf32>
    %reduce_sum3A_98 = vector.shape_cast %reduce_sum3A_97 : vector<1xf32> to vector<1x1x1xf32>
    %reduce_sum3A_99 = vector.extract %reduce_sum3A_98[0, 0, 0] : f32 from vector<1x1x1xf32>
    %eq3A_100 = arith.constant 2 : i32
    %eq3A_101 = vector.broadcast %eq3A_100 : i32 to vector<1x128xi32>
    %eq3A_102 = arith.cmpi eq, %iota3A, %eq3A_101 : vector<1x128xi32>
    %reduce_sum3A_103 = vector.shape_cast %mul3A_71 : vector<2000x1xf32> to vector<1x2000x1xf32>
    %reduce_sum3A_104 = arith.constant dense<0.000000e+00> : vector<1xf32>
    %reduce_sum3A_105 = vector.multi_reduction <add>, %reduce_sum3A_103, %reduce_sum3A_104 [1, 2] : vector<1x2000x1xf32> to vector<1xf32>
    %reduce_sum3A_106 = vector.shape_cast %reduce_sum3A_105 : vector<1xf32> to vector<1x1x1xf32>
    %reduce_sum3A_107 = vector.extract %reduce_sum3A_106[0, 0, 0] : f32 from vector<1x1x1xf32>
    %jit3A = arith.constant 0.000000e+00 : f32
    %broadcast_in_dim3A_108 = vector.broadcast %reduce_sum3A_107 : f32 to vector<1x128xf32>
    %broadcast_in_dim3A_109 = vector.broadcast %jit3A : f32 to vector<1x128xf32>
    %select_n3A = arith.select %eq3A_102, %broadcast_in_dim3A_108, %broadcast_in_dim3A_109 : vector<1x128xi1>, vector<1x128xf32>
    %broadcast_in_dim3A_110 = vector.broadcast %reduce_sum3A_99 : f32 to vector<1x128xf32>
    %select_n3A_111 = arith.select %eq3A_94, %broadcast_in_dim3A_110, %select_n3A : vector<1x128xi1>, vector<1x128xf32>
    %broadcast_in_dim3A_112 = vector.broadcast %reduce_sum3A_91 : f32 to vector<1x128xf32>
    %select_n3A_113 = arith.select %eq3A_86, %broadcast_in_dim3A_112, %select_n3A_111 : vector<1x128xi1>, vector<1x128xf32>
    %swap3A_114 = arith.constant 0 : index
    %swap3A_115 = arith.constant 0 : index
    %swap3A_116 = arith.constant 0 : index
    %swap3A_117 = vector.load %arg5[%swap3A_114, %swap3A_115, %swap3A_116] : memref<1x1x128xf32, #tpu.memory_space<vmem>>, vector<1x1x128xf32>
    %swap3A_118 = vector.shape_cast %swap3A_117 : vector<1x1x128xf32> to vector<1x128xf32>
    %swap3A_119 = vector.shape_cast %select_n3A_113 : vector<1x128xf32> to vector<1x1x128xf32>
    tpu.vector_store %arg5[%swap3A_114, %swap3A_115, %swap3A_116], %swap3A_119 {strides = array<i32>} : memref<1x1x128xf32, #tpu.memory_space<vmem>>, vector<1x1x128xf32>,
    return
  }
  func.func @transform_0(%arg0: i32) -> (i32, i32, i32) {
    %c0_i32 = arith.constant 0 : i32
    %c0_i32_0 = arith.constant 0 : i32
    %c0_i32_1 = arith.constant 0 : i32
    return %c0_i32, %arg0, %c0_i32_0 : i32, i32, i32
  }
  func.func @transform_1(%arg0: i32) -> (i32, i32) {
    %c0_i32 = arith.constant 0 : i32
    %c0_i32_0 = arith.constant 0 : i32
    %c0_i32_1 = arith.constant 0 : i32
    return %c0_i32, %c0_i32_0 : i32, i32
  }
  func.func @transform_2(%arg0: i32) -> i32 {
    %c0_i32 = arith.constant 0 : i32
    %c0_i32_0 = arith.constant 0 : i32
    return %c0_i32 : i32
  }
  func.func @transform_3(%arg0: i32) -> (i32, i32) {
    %c0_i32 = arith.constant 0 : i32
    %c0_i32_0 = arith.constant 0 : i32
    return %arg0, %c0_i32 : i32, i32
  }
  func.func @transform_4(%arg0: i32) -> (i32, i32, i32) {
    %c0_i32 = arith.constant 0 : i32
    %c0_i32_0 = arith.constant 0 : i32
    %c0_i32_1 = arith.constant 0 : i32
    return %arg0, %c0_i32, %c0_i32_0 : i32, i32, i32
  }
}

</mosaic_0001>

<sc_bundles>
// kernel: kernel.5.cloned.1.call-start
scs
__scs_entry_jumppad:
0x0: {  	(pc) =	sbr.rel $0x88, $3  }
0x1: {  	(tag) =	ssettag $0x0;
	lr =	simm.s32 $0x1  }
0x2: {  	[smem:$0x3F99] =	sst lr;
	_ =	strace $0xD0000000  }
0x3: {  	_ = 	snop  }
0x4: {  	_ = 	snop  }
0x5: {  	_ = 	snop  }
0x6: {  	_ = 	snop  }
0x7: {  	_ = 	snop  }
__scs_overlays_trampoline_lowered:
0x8: {  	[smem:$0x3FA8] =	sst s0  }
0x9: {  	[smem:$0x3FA9] =	sst s1  }
0xa: {  	[smem:$0x3FAA] =	sst s2  }
0xb: {  	[smem:$0x3FAB] =	sst s3  }
0xc: {  	[smem:$0x3FAC] =	sst s4  }
0xd: {  	[smem:$0x3FAD] =	sst s5  }
0xe: {  	[smem:$0x3FAE] =	sst s6  }
0xf: {  	[smem:$0x3FAF] =	sst s7  }
0x10: {  	[smem:$0x3FB0] =	sst s8  }
0x11: {  	[smem:$0x3FB1] =	sst s9;
	s0 =	simm.s32 @!p0 $0x0  }
0x12: {  	s1 =	sld [smem:$0x3F97];
	s0 =	simm.s32 @p0 $0x1  }
0x13: {  	[smem:$0x3FB2] =	sst s0;
	s0 =	simm.s32 @!p1 $0x0  }
0x14: {  	s2 =	sld [smem:$0x3F96];
	s0 =	simm.s32 @p1 $0x1  }
0x15: {  	[smem:$0x3FB3] =	sst s0;
	s0 =	simm.s32 @!p2 $0x0  }
0x16: {  	s3 =	sld [smem:$0x3FDB];
	s0 =	simm.s32 @p2 $0x1  }
0x17: {  	s4 =	simm.s32 $0x1BF5;
	[smem:$0x3FB5] =	sst s0  }
0x18: {  	s0 =	sld [smem:$0x3F98];
	_ =	swait.ge [sflag:s4], $0x0  }
0x19: {  	s7 =	sld [smem:$0x3F99]  }
0x1a: {  	s8 =	sadd.s32 $0xFFFFE003, lr  }
0x1b: {  	s9 =	sadd.s32 $0xFFFFFEF7, lr;
	s5 =	simm.s32 $0xFFFFFFFF;
	p2 =	slt.u32 s8, $0xFFFFF086  }
0x1c: {  	p1 =	slt.u32 s9, $0xF7A;
	s5 =	simm.s32 @!p2 $0x0  }
0x1d: {  	s5 =	simm.s32 @p1 $0x1;
	p0 =	seq.s32 s7, s2  }
0x1e: {  	s7 =	smul.u32 @!p0 $0xF7A, s2;
	p2 =	seq.s32 @!p0 s5, $0x0  }
0x1f: {  	s9 =	smul.u32 $0xF7A, s1;
	s8 =	simm.s32 @!p0 $0x1BF5;
	p2 =	por !p2, p0  }
0x20: {  	[sflag:s8] =	ssyncset.s32 @!p0 $0xFFFFF086;
	s6 =	sadd.s32 @!p0 s3, s7;
	s7 =	simm.s32 @!p0 $0x108  }
0x21: {  	s3 =	sadd.s32 s3, s9;
	s6 =	sadd.s32 @!p0 $0x88, s6;
	s7 =	simm.s32 @p2 $0x1082  }
0x22: {  	[simem:s7], [sflag:s8] =	dma.local @!p0 [hbm:s6], $0xF7A  }
0x23: {  	s9 =	sor.u32 $0xD0000000, s2;
	s6 =	simm.s32 $0x108;
	_ =	swait.ge @!p0 [sflag:s8], $0x0  }
0x24: {  	s3 =	sadd.s32 $0x88, s3;
	s6 =	simm.s32 @!p1 $0x1082;
	[sflag:s4] =	ssyncset.s32 $0xFFFFF086  }
0x25: {  	[simem:s6], [sflag:s4] =	dma.local [hbm:s3], $0xF7A  }
0x26: {  	[smem:$0x3F99] =	sst s1;
	(tag) =	ssettag s2;
	_ =	strace s9  }
0x27: {  	s1 =	sld [smem:$0x3FA9]  }
0x28: {  	s2 =	sld [smem:$0x3FAA]  }
0x29: {  	s4 =	sld [smem:$0x3FAC]  }
0x2a: {  	p0 =	seq.s32 s5, $0x0;
	s5 =	sld [smem:$0x3FAD]  }
0x2b: {  	s6 =	sld [smem:$0x3FAE]  }
0x2c: {  	s7 =	sld [smem:$0x3FAF]  }
0x2d: {  	s3 =	simm.s32 $0x108;
	s8 =	sld [smem:$0x3FB0]  }
0x2e: {  	s3 =	simm.s32 @!p0 $0x1082;
	s9 =	sld [smem:$0x3FB1]  }
0x2f: {  	lr =	sadd.s32 s0, s3;
	s0 =	sld [smem:$0x3FA8]  }
0x30: {  	s3 =	sld [smem:$0x3FAB]  }
0x31: {  	[smem:$0x3FB4] =	sst s10  }
0x32: {  	s10 =	sld [smem:$0x3FB2];
	_ =	sdelay $0x3  }
0x33: {  	p0 =	seq.s32 s10, $0x1;
	s10 =	sld [smem:$0x3FB4];
	_ =	sdelay $0x3  }
0x34: {  	[smem:$0x3FB4] =	sst s10  }
0x35: {  	s10 =	sld [smem:$0x3FB3];
	_ =	sdelay $0x3  }
0x36: {  	p1 =	seq.s32 s10, $0x1;
	s10 =	sld [smem:$0x3FB4];
	_ =	sdelay $0x3  }
0x37: {  	[smem:$0x3FB4] =	sst s10  }
0x38: {  	s10 =	sld [smem:$0x3FB5]  }
0x39: {  	_ = 	snop;
	(pc) =	sbr.ind lr, $3  }
0x3a: {  	_ = 	snop  }
0x3b: {  	_ = 	snop  }
0x3c: {  	p2 =	seq.s32 s10, $0x1;
	s10 =	sld [smem:$0x3FB4]  }
0x3d: {  	_ =	shalt  }
0x3e: {  	_ =	shalt  }
0x3f: {  	_ =	shalt  }
0x40: {  	_ =	shalt  }
0x41: {  	_ =	shalt  }
0x42: {  	_ =	shalt  }
0x43: {  	_ =	shalt  }
0x44: {  	_ =	shalt  }
0x45: {  	_ =	shalt  }
0x46: {  	_ =	shalt  }
0x47: {  	_ =	shalt  }
0x48: {  	_ =	shalt  }
0x49: {  	_ =	shalt  }
0x4a: {  	_ =	shalt  }
0x4b: {  	_ =	shalt  }
0x4c: {  	_ =	shalt  }
0x4d: {  	_ =	shalt  }
0x4e: {  	_ =	shalt  }
0x4f: {  	_ =	shalt  }
0x50: {  	_ =	shalt  }
0x51: {  	_ =	shalt  }
0x52: {  	_ =	shalt  }
0x53: {  	_ =	shalt  }
0x54: {  	_ =	shalt  }
0x55: {  	_ =	shalt  }
0x56: {  	_ =	shalt  }
0x57: {  	_ =	shalt  }
0x58: {  	_ =	shalt  }
0x59: {  	_ =	shalt  }
0x5a: {  	_ =	shalt  }
0x5b: {  	_ =	shalt  }
0x5c: {  	_ =	shalt  }
0x5d: {  	_ =	shalt  }
0x5e: {  	_ =	shalt  }
0x5f: {  	_ =	shalt  }
0x60: {  	_ =	shalt  }
0x61: {  	_ =	shalt  }
0x62: {  	_ =	shalt  }
0x63: {  	_ =	shalt  }
0x64: {  	_ =	shalt  }
0x65: {  	_ =	shalt  }
0x66: {  	_ =	shalt  }
0x67: {  	_ =	shalt  }
0x68: {  	_ =	shalt  }
0x69: {  	_ =	shalt  }
0x6a: {  	_ =	shalt  }
0x6b: {  	_ =	shalt  }
0x6c: {  	_ =	shalt  }
0x6d: {  	_ =	shalt  }
0x6e: {  	_ =	shalt  }
0x6f: {  	_ =	shalt  }
0x70: {  	_ =	shalt  }
0x71: {  	_ =	shalt  }
0x72: {  	_ =	shalt  }
0x73: {  	_ =	shalt  }
0x74: {  	_ =	shalt  }
0x75: {  	_ =	shalt  }
0x76: {  	_ =	shalt  }
0x77: {  	_ =	shalt  }
0x78: {  	_ =	shalt  }
0x79: {  	_ =	shalt  }
0x7a: {  	_ =	shalt  }
0x7b: {  	_ =	shalt  }
0x7c: {  	_ =	shalt  }
0x7d: {  	_ =	shalt  }
0x7e: {  	_ =	shalt  }
0x7f: {  	_ =	shalt  }
0x80: {  	_ =	shalt  }
0x81: {  	_ =	shalt  }
0x82: {  	_ =	shalt  }
0x83: {  	_ =	shalt  }
0x84: {  	_ =	shalt  }
0x85: {  	_ =	shalt  }
0x86: {  	_ =	shalt  }
0x87: {  	_ =	shalt  }
.Lfunc_end0:
.L_simem_size_0:
called_computation_lowered:
.L_overlay_start_0:
0x88: {  	s2 =	sld [smem:$0x3FD9]  }
0x89: {  	s3 =	sld [smem:$0x3FFE];
	_ =	sdelay $0x1  }
0x8a: {  	s1 =	srdreg.scid  }
0x8b: {  	s0 =	sand.u32 $0x1, s1  }
0x8c: {  	s14 =	sshll.u32 s0, $0xA;
	s2 =	sadd.s32 s3, s2  }
0x8d: {  	s2 =	sadd.s32 s2, s14  }
0x8e: {  	[smem:$0x3FC0] =	sst s2  }
0x8f: {  	_ = 	snop  }
0x90: {  	s2 =	sld [smem:$0x3FD0];
	_ =	sdelay $0x2  }
0x91: {  	s15 =	simm.s32 $0xA;
	s4 =	simm.s32 $0x10  }
0x92: {  	[smem:s4], [sflag:s15] =	dma.local [hbm:s2], $0x1  }
0x93: {  	_ =	swait.eq [sflag:s15], $0x1  }
0x94: {  	[sflag:s15] =	ssyncset.done $0x0  }
0x95: {  	[sflag:s15] =	ssyncadd.s32 $0xFFFFFFFF  }
0x96: {  	s16 =	sld [smem:$0x10];
	(tm) =	ssettm $0x1  }
0x97: {  	s17 =	sld [smem:$0x3FFB];
	_ =	sdelay $0x3  }
0x98: {  	_ =	strace s17  }
0x99: {  	s3 =	sld [smem:$0x3FFC];
	_ =	sdelay $0x3  }
0x9a: {  	_ =	strace s3  }
0x9b: {  	s3 =	sld [smem:$0x3FFD];
	_ =	sdelay $0x3  }
0x9c: {  	_ =	strace s3  }
0x9d: {  	_ =	strace $0x8FFFFFFF  }
0x9e: {  	s18 =	sld [smem:$0x3FDB];
	_ =	sdelay $0x1  }
0x9f: {  	s19 =	simm.s32 $_scs_section_size  }
0xa0: {  	s5 =	simm.s32 $_size__tile_overlayer_lowered;
	s6 =	simm.s32 $_tile_overlayer_lowered  }
0xa1: {  	s22 =	simm.s32 $0x1BFF;
	s21 =	sshll.u32 s6, $0x1;
	s3 =	sadd.s32 s19, s18  }
0xa2: {  	s7 =	simm.s32 $0x0;
	s20 =	sshll.u32 s5, $0x1;
	s5 =	sadd.s32 s21, s3  }
0xa3: {  	[timem:s7], [sflag:s22] =	dma.local [hbm:s5], s20  }
0xa4: {  	_ =	swait.ge [sflag:s22], s20  }
0xa5: {  	s4 =	ssub.s32 $0x0, s20;
	[sflag:s22] =	ssyncset.done $0x0  }
0xa6: {  	[sflag:s22] =	ssyncadd.s32 s4;
	_ =	sdelay $0x1  }
0xa7: {  	s23 =	simm.s32 $0x1B8B  }
0xa8: {  	_ =	swait.ge [sflag:s23], $0x1  }
0xa9: {  	[sflag:s23] =	ssyncset.done $0x0  }
0xaa: {  	s25 =	simm.s32 $0x1B8E;
	s24 =	sld [smem:$0x3FFE];
	[sflag:s23] =	ssyncadd.s32 $0xFFFFFFFF  }
0xab: {  	s26 =	simm.s32 $execute0_lowered;
	[smem:$0x3FD2] =	sst s25  }
0xac: {  	s5 =	sshll.u32 s26, $0x1;
	_ =	strace $0x80000046;
	[dreg:$0x1] =	wrdreg $0xFFFFFFFF  }
0xad: {  	s28 =	simm.s32 $_size_execute0_lowered;
	s3 =	sadd.s32 s3, s5;
	[dreg:$0x0] =	wrdreg $0x0  }
0xae: {  	s5 =	sshll.u32 s28, $0x1;
	[dreg:$0x2] =	wrdreg s3  }
0xaf: {  	[dreg:$0x3] =	wrdreg s5  }
0xb0: {  	[dreg:$0x4] =	wrdreg $0xC0  }
0xb1: {  	_ =	task [dreg:s7], $0x5FFFF  }
0xb2: {  	[dreg:$0x1] =	wrdreg $0xFFFFFFFF  }
0xb3: {  	[dreg:$0x0] =	wrdreg $0x60  }
0xb4: {  	[dreg:$0x2] =	wrdreg s24  }
0xb5: {  	[dreg:$0x3] =	wrdreg s16  }
0xb6: {  	[dreg:$0x4] =	wrdreg $0x0  }
0xb7: {  	[dreg:$0x5] =	wrdreg $0x9  }
0xb8: {  	_ =	task.clear_ibuf [dreg:s7], $0x6FFFF;
	_ =	strace $0x90000046  }
0xb9: {  	s29 =	simm.s32 $0x9;
	_ =	strace $0x80000048  }
0xba: {  	_ =	swait.ge [sflag:s29], $0x1  }
0xbb: {  	[sflag:s29] =	ssyncadd.s32 $0xFFFFFFFF  }
0xbc: {  	_ =	strace $0x90000048  }
0xbd: {  	_ =	sfence  }
0xbe: {  	s30 =	sld [smem:$0x0];
	_ =	sdelay $0x2  }
0xbf: {  	s31 =	sshll.u32 s1, $0xD;
	s1 =	sshrl.u32 s1, $0x2  }
0xc0: {  	s3 =	sand.u32 $0x4000, s31;
	s1 =	sadd.s32 s1, s30  }
0xc1: {  	s0 =	sor.u32 s3, s0;
	s1 =	sshll.u32 s1, $0x11  }
0xc2: {  	s0 =	sor.u32 s1, s0  }
0xc3: {  	s0 =	sadd.s32 $0x8F2B, s0  }
0xc4: {  	[sflag:s0] =	ssyncadd.remote.s32 $0x1  }
0xc5: {  	_ =	sfence.sel $0xFFFF  }
0xc6: {  	[dreg:$0x0] =	wrdreg $0xFFFFFFFF;
	(pc) =	sbr.abs _section_cstart, $3  }
0xc7: {  	[dreg:$0x1] =	wrdreg $0xFFFFFFFF  }
0xc8: {  	_ =	task.clear_ibuf [dreg:s7], $0x2FFFF;
	_ =	strace $0x9FFFFFFF  }
0xc9: {  	(tm) =	ssettm $0x7FFFFFFF  }
tec
execute0_lowered:
.L_overlay_start_1:
0x0: {  	(tag) =	ssettag $0x1  }
0x1: {  	s0 =	rddreg [dreg:$0x0]  }
0x2: {  	s13 =	rddreg [dreg:$0x1]  }
0x3: {  	s3 =	rddreg [dreg:$0x2];
	s1 =	srdreg.scid  }
0x4: {  	s2 =	stileid.u32;
	s4 =	simm.s32 $0x0;
	s28 =	simm.s32 $0x6  }
0x5: {  	s1 =	sand.u32 $0x1, s1;
	s7 =	smul.u32 $0x278, s2;
	[smem:$0x7FF] =	sst s4  }
0x6: {  	s5 =	sadd.s32 $0x1EA00, s0;
	s6 =	sadd.s32 $0xA00, s0;
	s10 =	smul.u32 $0x4F000, s2  }
0x7: {  	s9 =	sadd.s32 $0x93E00, s0;
	s17 =	sshll.u32 s2, $0x1;
	s8 =	smul.u32 $0x7530, s1  }
0x8: {  	s29 =	smul.u32 $0xA00, s2;
	p0 =	seq.s32 s2, $0xF;
	_ =	strace $0x80000047  }
0x9: {  	[dreg:$0x4] =	wrdreg s9;
	s7 =	sadd.s32 s7, s8;
	s8 =	sor.u32 s1, s17  }
0xa: {  	s18 =	ssub.s32 $0x2, s1;
	s19 =	sshrl.u32 s10, $0x2;
	s12 =	smul.u32 $0x500, s8  }
0xb: {  	s9 =	sadd.s32 s19, s3;
	s1 =	smul.u32 $0x500, s1;
	s7 =	sshll.u32 s7, $0x4  }
0xc: {  	[dreg:$0x5] =	wrdreg s9;
	s0 =	sadd.s32 s7, s0;
	s20 =	sadd.s32 s13, s12  }
0xd: {  	s19 =	sadd.s32 s1, s29;
	s21 =	sadd.s32 s6, s12;
	[dreg:$0x6] =	wrdreg s20  }
0xe: {  	s22 =	sor.u32 $0x10, s12;
	s29 =	sadd.s32 $0xBD700, s0;
	[dreg:$0x7] =	wrdreg s21  }
0xf: {  	s11 =	sshrl.u32 s18, $0x1;
	s24 =	sadd.s32 s13, s22;
	[dreg:$0x19] =	wrdreg s29  }
0x10: {  	s23 =	sor.u32 $0x20, s12;
	s9 =	sadd.s32 s6, s22;
	[dreg:$0x8] =	wrdreg s24  }
0x11: {  	s8 =	smul.u32 $0x2800, s8;
	s25 =	sadd.s32 s13, s23;
	[dreg:$0x9] =	wrdreg s9  }
0x12: {  	s30 =	sadd.s32 $0xA000, s12;
	s26 =	sadd.s32 s6, s23;
	[dreg:$0xa] =	wrdreg s25  }
0x13: {  	s7 =	ssub.s32 s18, s11;
	s14 =	sadd.s32 s13, s30;
	[dreg:$0xb] =	wrdreg s26  }
0x14: {  	s8 =	sshrl.u32 s8, $0x3;
	s10 =	sadd.s32 s6, s30;
	[dreg:$0xc] =	wrdreg s14  }
0x15: {  	s31 =	sadd.s32 $0xA010, s8;
	s30 =	smax.u32 s7, $0x1;
	[dreg:$0xd] =	wrdreg s10  }
0x16: {  	s17 =	sadd.s32 $0xA020, s8;
	s15 =	sadd.s32 s13, s31;
	[dreg:$0x1b] =	wrdreg s30  }
0x17: {  	s21 =	sadd.s32 $0x14000, s12;
	s16 =	sadd.s32 s6, s31;
	[dreg:$0xe] =	wrdreg s15  }
0x18: {  	s23 =	sadd.s32 $0x14010, s8;
	s18 =	sadd.s32 s13, s17;
	[dreg:$0xf] =	wrdreg s16  }
0x19: {  	s7 =	simm.s32 $0x0;
	s20 =	sadd.s32 s6, s17;
	[dreg:$0x10] =	wrdreg s18  }
0x1a: {  	s22 =	sadd.s32 s13, s21;
	s1 =	sadd.s32 s6, s21;
	[dreg:$0x11] =	wrdreg s20  }
0x1b: {  	s24 =	sadd.s32 s13, s23;
	s25 =	sadd.s32 $0x14020, s8;
	[dreg:$0x12] =	wrdreg s22  }
0x1c: {  	s26 =	sadd.s32 $0x96600, s0;
	s0 =	sadd.s32 $0xE4800, s0;
	[dreg:$0x13] =	wrdreg s1  }
0x1d: {  	s31 =	sadd.s32 $0x128400, s3;
	s9 =	sadd.s32 s6, s19;
	[dreg:$0x14] =	wrdreg s24  }
0x1e: {  	s17 =	simm.s32 $0x80;
	s21 =	simm.s32 $0x18400;
	[dreg:$0x18] =	wrdreg s26  }
0x1f: {  	s1 =	sadd.s32 s6, s23;
	s8 =	sadd.s32 s13, s25;
	[dreg:$0x1a] =	wrdreg s0  }
0x20: {  	[dreg:$0x1c] =	wrdreg s31;
	s18 =	simm.s32 $0x14400;
	s20 =	simm.s32 $0x2  }
0x21: {  	s22 =	simm.s32 $0x14180;
	s23 =	simm.s32 $0x14380;
	s24 =	simm.s32 $0x5  }
0x22: {  	s26 =	simm.s32 $0x3;
	s0 =	simm.s32 $0x8;
	[dreg:$0x15] =	wrdreg s1  }
0x23: {  	[dreg:$0x16] =	wrdreg s8;
	s1 =	sadd.s32 s6, s25;
	s8 =	sadd.s32 s13, s19  }
0x24: {  	s25 =	simm.s32 $0x7;
	[dreg:$0x17] =	wrdreg s1;
	s1 =	simm.s32 $0x4  }
.LBB2_1:
0x25: {  	[dreg:$0x1d] =	wrdreg s7  }
0x26: {  	s2 =	rddreg [dreg:$0x1c]  }
0x27: {  	s11 =	rddreg [dreg:$0x4];
	s2 =	sshrl.u32 @p0 s2, $0x3  }
0x28: {  	s7 =	simm.s32 @p0 $0x1FC9;
	[dreg:$0x1e] =	wrdreg s2  }
0x29: {  	[spmem:s2], [sflag:s7] =	dma.local @p0 [hbm:s11], $0x2080  }
0x2a: {  	s7 =	simm.s32 @p0 $0x9  }
0x2b: {  	s2 =	stileid.u32;
	_ =	swait.ge @p0 [sflag:s7], $0x2080  }
0x2c: {  	s10 =	sshll.u32 @!p0 s2, $0x6;
	[sflag:s7] =	ssyncset.done @p0 $0x0  }
0x2d: {  	s2 =	rddreg [dreg:$0x5];
	[sflag:s7] =	ssyncadd.s32 @p0 $0xFFFFDF80;
	s7 =	sor.u32 @!p0 $0x1C09, s10  }
0x2e: {  	s2 =	sshrl.u32 @!p0 s2, $0x3;
	[dreg:$0x1f] =	wrdreg s7  }
0x2f: {  	[smem:$0x7FD] =	sst s2  }
0x30: {  	[spmem:s2], [sflag:s7] =	dma.local @!p0 [hbm:s11], $0x2780  }
0x31: {  	s7 =	simm.s32 @!p0 $0x9  }
0x32: {  	_ =	swait.ge @!p0 [sflag:s7], $0x2780  }
0x33: {  	[sflag:s7] =	ssyncset.done @!p0 $0x0  }
0x34: {  	[sflag:s7] =	ssyncadd.s32 @!p0 $0xFFFFD880  }
0x35: {  	[bflag:$0x0] =	sbarrier.arrive $0xFFFF  }
0x36: {  	s7 =	simm.s32 $0x14000;
	s12 =	rddreg [dreg:$0x6]  }
0x37: {  	[tilespmem:s7], [sflag:$0x1] =	stream.linear.gather [hbm4b:s12+s4], $0x80, $0x38;
	[tilespmem:$0x1C400] =	vst v63  }
0x38: {  	s11 =	simm.s32 $0x14200;
	s13 =	rddreg [dreg:$0x7]  }
0x39: {  	[tilespmem:s11], [sflag:$0x1] =	stream.linear.gather [hbm4b:s13+s4], $0x80, $0x38;
	[tilespmem:$0x1C400] =	vst v63  }
0x3a: {  	s14 =	rddreg [dreg:$0x8];
	s12 =	simm.s32 $0x14080  }
0x3b: {  	[tilespmem:s12], [sflag:$0x2] =	stream.linear.gather [hbm4b:s14+s4], $0x80, $0x38;
	[tilespmem:$0x1C400] =	vst v63  }
0x3c: {  	s15 =	rddreg [dreg:$0x9];
	s13 =	simm.s32 $0x14280  }
0x3d: {  	[tilespmem:s13], [sflag:$0x2] =	stream.linear.gather [hbm4b:s15+s4], $0x80, $0x38;
	[tilespmem:$0x1C400] =	vst v63  }
0x3e: {  	s16 =	rddreg [dreg:$0xa];
	s14 =	simm.s32 $0x14100  }
0x3f: {  	[tilespmem:s14], [sflag:$0x3] =	stream.linear.gather [hbm4b:s16+s4], $0x80, $0x38;
	[tilespmem:$0x1C400] =	vst v63  }
0x40: {  	s30 =	simm.s32 $0x14300;
	s10 =	rddreg [dreg:$0xb];
	s15 =	simm.s32 $0x1  }
0x41: {  	[tilespmem:s30], [sflag:$0x3] =	stream.linear.gather [hbm4b:s10+s4], $0x80, $0x38;
	[tilespmem:$0x1C400] =	vst v63  }
0x42: {  	_ =	swait.ge [sflag:s15], $0x80  }
0x43: {  	[sflag:s15] =	ssyncset.done $0x0  }
0x44: {  	[sflag:s15] =	ssyncadd.s32 $0xFFFFFF80  }
0x45: {  	_ =	swait.ge [sflag:s15], $0x80  }
0x46: {  	[sflag:s15] =	ssyncset.done $0x0  }
0x47: {  	p1 =	por $0x1, $0x1;
	[sflag:s15] =	ssyncadd.s32 $0xFFFFFF80  }
0x48: {  	[tilespmem:s18], [sflag:$0x5] =	stream.indirect.gather [hbm4b:s5+s17], $0x80, s7, s17, $0xb8;
	[tilespmem:$0x1C400] =	vst v63  }
0x49: {  	s7 =	simm.s32 @!p1 $0x8  }
0x4a: {  	_ =	swait.ge @!p1 [sflag:s7], $0x4000  }
0x4b: {  	[sflag:s7] =	ssyncset.done @!p1 $0x0  }
0x4c: {  	[sflag:s7] =	ssyncadd.s32 @!p1 $0xFFFFC000  }
0x4d: {  	_ =	swait.ge [sflag:s20], $0x80  }
0x4e: {  	[sflag:s20] =	ssyncset.done $0x0  }
0x4f: {  	[sflag:s20] =	ssyncadd.s32 $0xFFFFFF80  }
0x50: {  	s16 =	sadd.s32 $0x0, s19;
	_ =	swait.ge [sflag:s20], $0x80  }
0x51: {  	s2 =	sand.u32 $0x40, s4;
	s7 =	sand.u32 $0xFFFFF80, s16;
	[sflag:s20] =	ssyncset.done $0x0  }
0x52: {  	s7 =	sor.u32 s7, s2;
	[sflag:s20] =	ssyncadd.s32 $0xFFFFFF80  }
0x53: {  	[tilespmem:s21], [sflag:$0x6] =	stream.indirect.gather [hbm4b:s5+s17], $0x80, s12, s17, $0xb8;
	[tilespmem:$0x1C400] =	vst v63  }
0x54: {  	s7 =	sor.u32 $0x30, s7;
	s15 =	rddreg [dreg:$0x1]  }
0x55: {  	s16 =	sadd.s32 s15, s7  }
0x56: {  	[tilespmem:s22], [sflag:$0x4] =	stream.linear.gather [hbm4b:s16+s4], $0x80, $0x38;
	[tilespmem:$0x1C400] =	vst v63  }
0x57: {  	s7 =	sadd.s32 s6, s7  }
0x58: {  	[tilespmem:s23], [sflag:$0x4] =	stream.linear.gather [hbm4b:s7+s4], $0x80, $0x38;
	[tilespmem:$0x1C400] =	vst v63  }
0x59: {  	_ =	swait.ge [sflag:s24], $0x4000  }
0x5a: {  	[sflag:s24] =	ssyncset.done $0x0  }
0x5b: {  	[sflag:s24] =	ssyncadd.s32 $0xFFFFC000  }
0x5c: {  	[spmem:s3] =	stream.indirect.scatter.add.f32 [tilespmem:s18], [sflag:$0x7], $0x80, s11, s17, $0xb8;
	[tilespmem:$0x1C400] =	vst v63  }
0x5d: {  	_ =	swait.ge [sflag:s25], $0x4000  }
0x5e: {  	[sflag:s25] =	ssyncset.done $0x0  }
0x5f: {  	[sflag:s25] =	ssyncadd.s32 $0xFFFFC000  }
0x60: {  	_ =	swait.ge [sflag:s26], $0x80  }
0x61: {  	[sflag:s26] =	ssyncset.done $0x0  }
0x62: {  	[sflag:s26] =	ssyncadd.s32 $0xFFFFFF80  }
0x63: {  	_ =	swait.ge [sflag:s26], $0x80  }
0x64: {  	p1 =	por $0x0, $0x0;
	[sflag:s26] =	ssyncset.done $0x0  }
0x65: {  	s10 =	simm.s32 @!p1 $0x14000;
	s7 =	sadd.s32 @!p1 $0x0, s8;
	[sflag:s26] =	ssyncadd.s32 $0xFFFFFF80  }
0x66: {  	[tilespmem:s18], [sflag:$0x5] =	stream.indirect.gather [hbm4b:s5+s17], $0x80, s14, s17, $0xb8;
	[tilespmem:$0x1C400] =	vst v63  }
0x67: {  	s29 =	simm.s32 @!p1 $0x0;
	s16 =	sadd.s32 @!p1 $0x0, s9;
	s7 =	sadd.s32 @!p1 $0x40, s7  }
0x68: {  	[tilespmem:s10], [sflag:$0x1] =	stream.linear.gather @!p1 [hbm4b:s7+s29], $0x80, $0x38;
	[tilespmem:$0x1C400] =	vst v63  }
0x69: {  	s7 =	simm.s32 @!p1 $0x14200;
	s10 =	sadd.s32 @!p1 $0x40, s16  }
0x6a: {  	[tilespmem:s7], [sflag:$0x1] =	stream.linear.gather @!p1 [hbm4b:s10+s29], $0x80, $0x38;
	[tilespmem:$0x1C400] =	vst v63  }
0x6b: {  	_ =	swait.ge [sflag:s28], $0x4000  }
0x6c: {  	[sflag:s28] =	ssyncset.done $0x0  }
0x6d: {  	[sflag:s28] =	ssyncadd.s32 $0xFFFFC000  }
0x6e: {  	[spmem:s3] =	stream.indirect.scatter.add.f32 [tilespmem:s21], [sflag:$0x8], $0x80, s13, s17, $0xb8;
	[tilespmem:$0x1C400] =	vst v63  }
0x6f: {  	_ =	swait.ge [sflag:s0], $0x4000  }
0x70: {  	[sflag:s0] =	ssyncset.done $0x0  }
0x71: {  	[sflag:s0] =	ssyncadd.s32 $0xFFFFC000  }
0x72: {  	_ =	swait.ge [sflag:s1], $0x80  }
0x73: {  	[sflag:s1] =	ssyncset.done $0x0  }
0x74: {  	[sflag:s1] =	ssyncadd.s32 $0xFFFFFF80  }
0x75: {  	_ =	swait.ge [sflag:s1], $0x80  }
0x76: {  	p1 =	por $0x0, $0x0;
	[sflag:s1] =	ssyncset.done $0x0  }
0x77: {  	s7 =	sadd.s32 @!p1 $0x0, s8;
	s10 =	simm.s32 @!p1 $0x14080;
	[sflag:s1] =	ssyncadd.s32 $0xFFFFFF80  }
0x78: {  	[tilespmem:s21], [sflag:$0x6] =	stream.indirect.gather [hbm4b:s5+s17], $0x80, s22, s17, $0xb8;
	[tilespmem:$0x1C400] =	vst v63  }
0x79: {  	s16 =	simm.s32 @!p1 $0x0;
	s29 =	sadd.s32 @!p1 $0x0, s9;
	s7 =	sadd.s32 @!p1 $0x50, s7  }
0x7a: {  	[tilespmem:s10], [sflag:$0x2] =	stream.linear.gather @!p1 [hbm4b:s7+s16], $0x80, $0x38;
	[tilespmem:$0x1C400] =	vst v63  }
0x7b: {  	s7 =	simm.s32 @!p1 $0x14280;
	s10 =	sadd.s32 @!p1 $0x50, s29  }
0x7c: {  	[tilespmem:s7], [sflag:$0x2] =	stream.linear.gather @!p1 [hbm4b:s10+s16], $0x80, $0x38;
	[tilespmem:$0x1C400] =	vst v63  }
0x7d: {  	_ =	swait.ge [sflag:s24], $0x4000  }
0x7e: {  	[sflag:s24] =	ssyncset.done $0x0  }
0x7f: {  	[sflag:s24] =	ssyncadd.s32 $0xFFFFC000  }
0x80: {  	[spmem:s3] =	stream.indirect.scatter.add.f32 [tilespmem:s18], [sflag:$0x7], $0x80, s30, s17, $0xb8;
	[tilespmem:$0x1C400] =	vst v63  }
0x81: {  	_ =	swait.ge [sflag:s25], $0x4000  }
0x82: {  	p1 =	por $0x0, $0x0;
	[sflag:s25] =	ssyncset.done $0x0  }
0x83: {  	s7 =	simm.s32 @!p1 $0x1;
	[sflag:s25] =	ssyncadd.s32 $0xFFFFC000  }
0x84: {  	_ =	swait.ge @!p1 [sflag:s7], $0x80  }
0x85: {  	[sflag:s7] =	ssyncset.done @!p1 $0x0  }
0x86: {  	s15 =	simm.s32 $0x14300;
	[sflag:s7] =	ssyncadd.s32 @!p1 $0xFFFFFF80  }
0x87: {  	p2 =	por @!p1 $0x0, $0x0;
	s10 =	simm.s32 @!p1 $0x14000;
	_ =	swait.ge @!p1 [sflag:s7], $0x80  }
0x88: {  	s16 =	simm.s32 @!p1 $0x14400;
	p2 =	por p2, p1;
	[sflag:s7] =	ssyncset.done @!p1 $0x0  }
0x89: {  	s29 =	simm.s32 @!p1 $0x80;
	[sflag:s7] =	ssyncadd.s32 @!p1 $0xFFFFFF80;
	s7 =	sadd.s32 @!p2 $0x0, s8  }
0x8a: {  	[tilespmem:s16], [sflag:$0x5] =	stream.indirect.gather @!p1 [hbm4b:s5+s29], $0x80, s10, s29, $0xb8;
	[tilespmem:$0x1C400] =	vst v63  }
0x8b: {  	s30 =	simm.s32 $0x80;
	s7 =	sadd.s32 @!p2 $0x60, s7;
	s29 =	sadd.s32 @!p2 $0x0, s9  }
0x8c: {  	s10 =	simm.s32 @!p2 $0x0;
	s16 =	simm.s32 @!p2 $0x14100;
	s31 =	sadd.s32 @!p2 $0x60, s29  }
0x8d: {  	[tilespmem:s16], [sflag:$0x3] =	stream.linear.gather @!p2 [hbm4b:s7+s10], $0x80, $0x38;
	[tilespmem:$0x1C400] =	vst v63  }
0x8e: {  	s29 =	simm.s32 $0x7;
	s7 =	simm.s32 $0x40;
	s16 =	simm.s32 @!p2 $0x14300  }
.LBB2_2:
0x8f: {  	[tilespmem:s16], [sflag:$0x3] =	stream.linear.gather @!p2 [hbm4b:s31+s10], $0x80, $0x38;
	[tilespmem:$0x1C400] =	vst v63  }
0x90: {  	_ =	swait.ge [sflag:s28], $0x4000  }
0x91: {  	p2 =	seq.s32 s7, $0x0;
	[sflag:s28] =	ssyncset.done $0x0  }
0x92: {  	s10 =	simm.s32 @!p2 $0x8;
	[sflag:s28] =	ssyncadd.s32 $0xFFFFC000  }
0x93: {  	[spmem:s3] =	stream.indirect.scatter.add.f32 [tilespmem:s21], [sflag:$0x8], $0x80, s23, s17, $0xb8;
	[tilespmem:$0x1C400] =	vst v63  }
0x94: {  	_ =	swait.ge @!p2 [sflag:s10], $0x4000  }
0x95: {  	[sflag:s10] =	ssyncset.done @!p2 $0x0  }
0x96: {  	[sflag:s10] =	ssyncadd.s32 @!p2 $0xFFFFC000  }
0x97: {  	_ =	swait.ge [sflag:s20], $0x80  }
0x98: {  	[sflag:s20] =	ssyncset.done $0x0  }
0x99: {  	[sflag:s20] =	ssyncadd.s32 $0xFFFFFF80  }
0x9a: {  	s13 =	sadd.s32 s7, s19;
	_ =	swait.ge [sflag:s20], $0x80  }
0x9b: {  	s14 =	sand.u32 $0x40, s7;
	s10 =	sand.u32 $0xFFFFF80, s13;
	[sflag:s20] =	ssyncset.done $0x0  }
0x9c: {  	s2 =	simm.s32 $0x14080;
	s10 =	sor.u32 s10, s14;
	[sflag:s20] =	ssyncadd.s32 $0xFFFFFF80  }
0x9d: {  	[tilespmem:s21], [sflag:$0x6] =	stream.indirect.gather [hbm4b:s5+s17], $0x80, s2, s17, $0xb8;
	[tilespmem:$0x1C400] =	vst v63  }
0x9e: {  	s10 =	sor.u32 $0x30, s10;
	s16 =	rddreg [dreg:$0x1]  }
0x9f: {  	s11 =	sadd.s32 s16, s10  }
0xa0: {  	[tilespmem:s22], [sflag:$0x4] =	stream.linear.gather [hbm4b:s11+s4], $0x80, $0x38;
	[tilespmem:$0x1C400] =	vst v63  }
0xa1: {  	s10 =	sadd.s32 s6, s10  }
0xa2: {  	[tilespmem:s23], [sflag:$0x4] =	stream.linear.gather [hbm4b:s10+s4], $0x80, $0x38;
	[tilespmem:$0x1C400] =	vst v63  }
0xa3: {  	_ =	swait.ge [sflag:s24], $0x4000  }
0xa4: {  	[sflag:s24] =	ssyncset.done $0x0  }
0xa5: {  	s12 =	simm.s32 $0x14200;
	[sflag:s24] =	ssyncadd.s32 $0xFFFFC000  }
0xa6: {  	[spmem:s3] =	stream.indirect.scatter.add.f32 [tilespmem:s18], [sflag:$0x7], $0x80, s12, s17, $0xb8;
	[tilespmem:$0x1C400] =	vst v63  }
0xa7: {  	_ =	swait.ge [sflag:s25], $0x4000  }
0xa8: {  	[sflag:s25] =	ssyncset.done $0x0  }
0xa9: {  	[sflag:s25] =	ssyncadd.s32 $0xFFFFC000  }
0xaa: {  	_ =	swait.ge [sflag:s26], $0x80  }
0xab: {  	[sflag:s26] =	ssyncset.done $0x0  }
0xac: {  	s13 =	sadd.s32 $0xFFFFFFFE, s29;
	[sflag:s26] =	ssyncadd.s32 $0xFFFFFF80  }
0xad: {  	p2 =	sgt.u32 s13, $0x4C;
	_ =	swait.ge [sflag:s26], $0x80  }
0xae: {  	s2 =	simm.s32 @!p2 $0x14000;
	[sflag:s26] =	ssyncset.done $0x0  }
0xaf: {  	s10 =	sadd.s32 @!p2 s7, s8;
	s12 =	simm.s32 $0x14100;
	[sflag:s26] =	ssyncadd.s32 $0xFFFFFF80  }
0xb0: {  	[tilespmem:s18], [sflag:$0x5] =	stream.indirect.gather [hbm4b:s5+s17], $0x80, s12, s17, $0xb8;
	[tilespmem:$0x1C400] =	vst v63  }
0xb1: {  	s11 =	sadd.s32 @!p2 s7, s9;
	s10 =	sadd.s32 @!p2 $0x40, s10;
	s12 =	simm.s32 @!p2 $0x0  }
0xb2: {  	[tilespmem:s2], [sflag:$0x1] =	stream.linear.gather @!p2 [hbm4b:s10+s12], $0x80, $0x38;
	[tilespmem:$0x1C400] =	vst v63  }
0xb3: {  	s16 =	simm.s32 @!p2 $0x14200;
	s11 =	sadd.s32 @!p2 $0x40, s11  }
0xb4: {  	[tilespmem:s16], [sflag:$0x1] =	stream.linear.gather @!p2 [hbm4b:s11+s12], $0x80, $0x38;
	[tilespmem:$0x1C400] =	vst v63  }
0xb5: {  	_ =	swait.ge [sflag:s28], $0x4000  }
0xb6: {  	[sflag:s28] =	ssyncset.done $0x0  }
0xb7: {  	s14 =	simm.s32 $0x14280;
	[sflag:s28] =	ssyncadd.s32 $0xFFFFC000  }
0xb8: {  	[spmem:s3] =	stream.indirect.scatter.add.f32 [tilespmem:s21], [sflag:$0x8], $0x80, s14, s17, $0xb8;
	[tilespmem:$0x1C400] =	vst v63  }
0xb9: {  	_ =	swait.ge [sflag:s0], $0x4000  }
0xba: {  	[sflag:s0] =	ssyncset.done $0x0  }
0xbb: {  	[sflag:s0] =	ssyncadd.s32 $0xFFFFC000  }
0xbc: {  	_ =	swait.ge [sflag:s1], $0x80  }
0xbd: {  	[sflag:s1] =	ssyncset.done $0x0  }
0xbe: {  	[sflag:s1] =	ssyncadd.s32 $0xFFFFFF80  }
0xbf: {  	s16 =	sadd.s32 $0xFFFFFFFF, s29;
	_ =	swait.ge [sflag:s1], $0x80  }
0xc0: {  	p2 =	sgt.u32 s16, $0x4C;
	[sflag:s1] =	ssyncset.done $0x0  }
0xc1: {  	s2 =	sadd.s32 @!p2 s7, s8;
	s11 =	simm.s32 @!p2 $0x14080;
	[sflag:s1] =	ssyncadd.s32 $0xFFFFFF80  }
0xc2: {  	[tilespmem:s21], [sflag:$0x6] =	stream.indirect.gather [hbm4b:s5+s17], $0x80, s22, s17, $0xb8;
	[tilespmem:$0x1C400] =	vst v63  }
0xc3: {  	s12 =	simm.s32 @!p2 $0x0;
	s16 =	sadd.s32 @!p2 s7, s9;
	s2 =	sadd.s32 @!p2 $0x50, s2  }
0xc4: {  	[tilespmem:s11], [sflag:$0x2] =	stream.linear.gather @!p2 [hbm4b:s2+s12], $0x80, $0x38;
	[tilespmem:$0x1C400] =	vst v63  }
0xc5: {  	s10 =	simm.s32 @!p2 $0x14280;
	s2 =	sadd.s32 @!p2 $0x50, s16  }
0xc6: {  	[tilespmem:s10], [sflag:$0x2] =	stream.linear.gather @!p2 [hbm4b:s2+s12], $0x80, $0x38;
	[tilespmem:$0x1C400] =	vst v63  }
0xc7: {  	_ =	swait.ge [sflag:s24], $0x4000  }
0xc8: {  	[sflag:s24] =	ssyncset.done $0x0  }
0xc9: {  	[sflag:s24] =	ssyncadd.s32 $0xFFFFC000  }
0xca: {  	[spmem:s3] =	stream.indirect.scatter.add.f32 [tilespmem:s18], [sflag:$0x7], $0x80, s15, s17, $0xb8;
	[tilespmem:$0x1C400] =	vst v63  }
0xcb: {  	_ =	swait.ge [sflag:s25], $0x4000  }
0xcc: {  	p3 =	sgt.u32 s29, $0x4E;
	[sflag:s25] =	ssyncset.done $0x0  }
0xcd: {  	s2 =	simm.s32 @!p3 $0x1;
	[sflag:s25] =	ssyncadd.s32 $0xFFFFC000  }
0xce: {  	s31 =	smov.u32 s30;
	s30 =	sadd.s32 $0x40, s30;
	_ =	swait.ge @!p3 [sflag:s2], $0x80  }
0xcf: {  	p1 =	sne.s32 s30, $0x500;
	s13 =	simm.s32 @!p3 $0x80;
	[sflag:s2] =	ssyncset.done @!p3 $0x0  }
0xd0: {  	s11 =	simm.s32 @!p3 $0x14000;
	p2 =	sgt.u32 @!p3 s29, $0x4C;
	[sflag:s2] =	ssyncadd.s32 @!p3 $0xFFFFFF80  }
0xd1: {  	s12 =	simm.s32 @!p3 $0x14400;
	p2 =	por p2, p3;
	_ =	swait.ge @!p3 [sflag:s2], $0x80  }
0xd2: {  	s29 =	sadd.s32 $0x4, s29;
	s16 =	simm.s32 @!p2 $0x14300;
	[sflag:s2] =	ssyncset.done @!p3 $0x0  }
.Ltmp0:
0xd3: {  	s10 =	simm.s32 @!p2 $0x0;
	[sflag:s2] =	ssyncadd.s32 @!p3 $0xFFFFFF80;
	(pc) =	sbr.rel @p1 .LBB2_2-.Ltmp0, $4  }
0xd4: {  	[tilespmem:s12], [sflag:$0x5] =	stream.indirect.gather @!p3 [hbm4b:s5+s13], $0x80, s11, s13, $0xb8;
	[tilespmem:$0x1C400] =	vst v63  }
0xd5: {  	s14 =	simm.s32 @!p2 $0x14100;
	s2 =	sadd.s32 @!p2 s7, s8;
	s11 =	sadd.s32 @!p2 s7, s9  }
0xd6: {  	s2 =	sadd.s32 @!p2 $0x60, s2;
	s7 =	smov.u32 s31;
	s31 =	sadd.s32 @!p2 $0x60, s11  }
0xd7: {  	[tilespmem:s14], [sflag:$0x3] =	stream.linear.gather @!p2 [hbm4b:s2+s10], $0x80, $0x38;
	[tilespmem:$0x1C400] =	vst v63  }
0xd8: {  	[tilespmem:s16], [sflag:$0x3] =	stream.linear.gather @!p2 [hbm4b:s31+s10], $0x80, $0x38;
	[tilespmem:$0x1C400] =	vst v63  }
0xd9: {  	_ =	swait.ge [sflag:s28], $0x4000  }
0xda: {  	p1 =	seq.s32 s7, $0x0;
	[sflag:s28] =	ssyncset.done $0x0  }
0xdb: {  	s2 =	simm.s32 @!p1 $0x8;
	[sflag:s28] =	ssyncadd.s32 $0xFFFFC000  }
0xdc: {  	[spmem:s3] =	stream.indirect.scatter.add.f32 [tilespmem:s21], [sflag:$0x8], $0x80, s23, s17, $0xb8;
	[tilespmem:$0x1C400] =	vst v63  }
0xdd: {  	_ =	swait.ge @!p1 [sflag:s2], $0x4000  }
0xde: {  	[sflag:s2] =	ssyncset.done @!p1 $0x0  }
0xdf: {  	[sflag:s2] =	ssyncadd.s32 @!p1 $0xFFFFC000  }
0xe0: {  	_ =	swait.ge [sflag:s20], $0x80  }
0xe1: {  	[sflag:s20] =	ssyncset.done $0x0  }
0xe2: {  	[sflag:s20] =	ssyncadd.s32 $0xFFFFFF80  }
0xe3: {  	s14 =	sadd.s32 s7, s19;
	_ =	swait.ge [sflag:s20], $0x80  }
0xe4: {  	s15 =	sand.u32 $0x40, s7;
	s2 =	sand.u32 $0xFFFFF80, s14;
	[sflag:s20] =	ssyncset.done $0x0  }
0xe5: {  	s2 =	sor.u32 s2, s15;
	s15 =	simm.s32 $0x14080;
	[sflag:s20] =	ssyncadd.s32 $0xFFFFFF80  }
0xe6: {  	[tilespmem:s21], [sflag:$0x6] =	stream.indirect.gather [hbm4b:s5+s17], $0x80, s15, s17, $0xb8;
	[tilespmem:$0x1C400] =	vst v63  }
0xe7: {  	s2 =	sor.u32 $0x30, s2;
	s14 =	rddreg [dreg:$0x1]  }
0xe8: {  	s16 =	sadd.s32 s14, s2  }
0xe9: {  	[tilespmem:s22], [sflag:$0x4] =	stream.linear.gather [hbm4b:s16+s4], $0x80, $0x38;
	[tilespmem:$0x1C400] =	vst v63  }
0xea: {  	s2 =	sadd.s32 s6, s2  }
0xeb: {  	[tilespmem:s23], [sflag:$0x4] =	stream.linear.gather [hbm4b:s2+s4], $0x80, $0x38;
	[tilespmem:$0x1C400] =	vst v63  }
0xec: {  	_ =	swait.ge [sflag:s24], $0x4000  }
0xed: {  	[sflag:s24] =	ssyncset.done $0x0  }
0xee: {  	s16 =	simm.s32 $0x14200;
	[sflag:s24] =	ssyncadd.s32 $0xFFFFC000  }
0xef: {  	[spmem:s3] =	stream.indirect.scatter.add.f32 [tilespmem:s18], [sflag:$0x7], $0x80, s16, s17, $0xb8;
	[tilespmem:$0x1C400] =	vst v63  }
0xf0: {  	_ =	swait.ge [sflag:s25], $0x4000  }
0xf1: {  	[sflag:s25] =	ssyncset.done $0x0  }
0xf2: {  	[sflag:s25] =	ssyncadd.s32 $0xFFFFC000  }
0xf3: {  	_ =	swait.ge [sflag:s26], $0x80  }
0xf4: {  	[sflag:s26] =	ssyncset.done $0x0  }
0xf5: {  	[sflag:s26] =	ssyncadd.s32 $0xFFFFFF80  }
0xf6: {  	s10 =	sadd.s32 $0xFFFFFFFE, s29;
	_ =	swait.ge [sflag:s26], $0x80  }
0xf7: {  	s31 =	simm.s32 $0x14100;
	p1 =	sgt.u32 s10, $0x4C;
	[sflag:s26] =	ssyncset.done $0x0  }
0xf8: {  	s10 =	simm.s32 @!p1 $0x14000;
	s2 =	sadd.s32 @!p1 s7, s8;
	[sflag:s26] =	ssyncadd.s32 $0xFFFFFF80  }
0xf9: {  	[tilespmem:s18], [sflag:$0x5] =	stream.indirect.gather [hbm4b:s5+s17], $0x80, s31, s17, $0xb8;
	[tilespmem:$0x1C400] =	vst v63  }
0xfa: {  	s11 =	sadd.s32 @!p1 s7, s9;
	s12 =	simm.s32 @!p1 $0x0;
	s2 =	sadd.s32 @!p1 $0x40, s2  }
0xfb: {  	[tilespmem:s10], [sflag:$0x1] =	stream.linear.gather @!p1 [hbm4b:s2+s12], $0x80, $0x38;
	[tilespmem:$0x1C400] =	vst v63  }
0xfc: {  	s2 =	simm.s32 @!p1 $0x14200;
	s10 =	sadd.s32 @!p1 $0x40, s11  }
0xfd: {  	[tilespmem:s2], [sflag:$0x1] =	stream.linear.gather @!p1 [hbm4b:s10+s12], $0x80, $0x38;
	[tilespmem:$0x1C400] =	vst v63  }
0xfe: {  	_ =	swait.ge [sflag:s28], $0x4000  }
0xff: {  	[sflag:s28] =	ssyncset.done $0x0  }
0x100: {  	s30 =	simm.s32 $0x14280;
	[sflag:s28] =	ssyncadd.s32 $0xFFFFC000  }
0x101: {  	[spmem:s3] =	stream.indirect.scatter.add.f32 [tilespmem:s21], [sflag:$0x8], $0x80, s30, s17, $0xb8;
	[tilespmem:$0x1C400] =	vst v63  }
0x102: {  	_ =	swait.ge [sflag:s0], $0x4000  }
0x103: {  	[sflag:s0] =	ssyncset.done $0x0  }
0x104: {  	[sflag:s0] =	ssyncadd.s32 $0xFFFFC000  }
0x105: {  	_ =	swait.ge [sflag:s1], $0x80  }
0x106: {  	[sflag:s1] =	ssyncset.done $0x0  }
0x107: {  	[sflag:s1] =	ssyncadd.s32 $0xFFFFFF80  }
0x108: {  	s11 =	sadd.s32 $0xFFFFFFFF, s29;
	_ =	swait.ge [sflag:s1], $0x80  }
0x109: {  	p1 =	sgt.u32 s11, $0x4C;
	[sflag:s1] =	ssyncset.done $0x0  }
0x10a: {  	s2 =	sadd.s32 @!p1 s7, s8;
	s10 =	simm.s32 @!p1 $0x14080;
	[sflag:s1] =	ssyncadd.s32 $0xFFFFFF80  }
0x10b: {  	[tilespmem:s21], [sflag:$0x6] =	stream.indirect.gather [hbm4b:s5+s17], $0x80, s22, s17, $0xb8;
	[tilespmem:$0x1C400] =	vst v63  }
0x10c: {  	s11 =	simm.s32 @!p1 $0x0;
	s12 =	sadd.s32 @!p1 s7, s9;
	s2 =	sadd.s32 @!p1 $0x50, s2  }
0x10d: {  	[tilespmem:s10], [sflag:$0x2] =	stream.linear.gather @!p1 [hbm4b:s2+s11], $0x80, $0x38;
	[tilespmem:$0x1C400] =	vst v63  }
0x10e: {  	s2 =	simm.s32 @!p1 $0x14280;
	s10 =	sadd.s32 @!p1 $0x50, s12  }
0x10f: {  	[tilespmem:s2], [sflag:$0x2] =	stream.linear.gather @!p1 [hbm4b:s10+s11], $0x80, $0x38;
	[tilespmem:$0x1C400] =	vst v63  }
0x110: {  	_ =	swait.ge [sflag:s24], $0x4000  }
0x111: {  	[sflag:s24] =	ssyncset.done $0x0  }
0x112: {  	s14 =	simm.s32 $0x14300;
	[sflag:s24] =	ssyncadd.s32 $0xFFFFC000  }
0x113: {  	[spmem:s3] =	stream.indirect.scatter.add.f32 [tilespmem:s18], [sflag:$0x7], $0x80, s14, s17, $0xb8;
	[tilespmem:$0x1C400] =	vst v63  }
0x114: {  	_ =	swait.ge [sflag:s25], $0x4000  }
0x115: {  	p1 =	sgt.u32 s29, $0x4E;
	[sflag:s25] =	ssyncset.done $0x0  }
0x116: {  	s2 =	simm.s32 @!p1 $0x1;
	[sflag:s25] =	ssyncadd.s32 $0xFFFFC000  }
0x117: {  	_ =	swait.ge @!p1 [sflag:s2], $0x80  }
0x118: {  	[sflag:s2] =	ssyncset.done @!p1 $0x0  }
0x119: {  	p2 =	sgt.u32 @!p1 s29, $0x4C;
	[sflag:s2] =	ssyncadd.s32 @!p1 $0xFFFFFF80  }
0x11a: {  	s10 =	simm.s32 @!p1 $0x14000;
	s11 =	simm.s32 @!p1 $0x14400;
	_ =	swait.ge @!p1 [sflag:s2], $0x80  }
0x11b: {  	s13 =	simm.s32 @!p1 $0x80;
	p2 =	por p2, p1;
	[sflag:s2] =	ssyncset.done @!p1 $0x0  }
0x11c: {  	s12 =	sadd.s32 @!p2 s7, s8;
	s7 =	sadd.s32 @!p2 s7, s9;
	[sflag:s2] =	ssyncadd.s32 @!p1 $0xFFFFFF80  }
0x11d: {  	[tilespmem:s11], [sflag:$0x5] =	stream.indirect.gather @!p1 [hbm4b:s5+s13], $0x80, s10, s13, $0xb8;
	[tilespmem:$0x1C400] =	vst v63  }
0x11e: {  	s2 =	sadd.s32 @!p2 $0x60, s12;
	s10 =	simm.s32 @!p2 $0x0;
	s11 =	simm.s32 @!p2 $0x14100  }
0x11f: {  	[tilespmem:s11], [sflag:$0x3] =	stream.linear.gather @!p2 [hbm4b:s2+s10], $0x80, $0x38;
	[tilespmem:$0x1C400] =	vst v63  }
0x120: {  	s7 =	sadd.s32 @!p2 $0x60, s7;
	s2 =	simm.s32 @!p2 $0x14300  }
0x121: {  	[tilespmem:s2], [sflag:$0x3] =	stream.linear.gather @!p2 [hbm4b:s7+s10], $0x80, $0x38;
	[tilespmem:$0x1C400] =	vst v63  }
0x122: {  	_ =	swait.ge [sflag:s28], $0x4000  }
0x123: {  	[sflag:s28] =	ssyncset.done $0x0  }
0x124: {  	[sflag:s28] =	ssyncadd.s32 $0xFFFFC000  }
0x125: {  	[spmem:s3] =	stream.indirect.scatter.add.f32 [tilespmem:s21], [sflag:$0x8], $0x80, s23, s17, $0xb8;
	[tilespmem:$0x1C400] =	vst v63  }
0x126: {  	_ =	swait.ge [sflag:s0], $0x4000  }
0x127: {  	[sflag:s0] =	ssyncset.done $0x0  }
0x128: {  	[sflag:s0] =	ssyncadd.s32 $0xFFFFC000  }
0x129: {  	[bflag:$0x0] =	sbarrier.arrive $0xFFFF  }
0x12a: {  	s11 =	rddreg [dreg:$0x18]  }
0x12b: {  	s2 =	simm.s32 @p0 $0x1FC9;
	s7 =	simm.s32 @p0 $0x9;
	s12 =	rddreg [dreg:$0x1e]  }
0x12c: {  	[hbm:s11], [sflag:s2] =	dma.local @p0 [spmem:s12], $0x2080  }
0x12d: {  	_ =	swait.ge @p0 [sflag:s7], $0x2080  }
0x12e: {  	[sflag:s7] =	ssyncset.done @p0 $0x0  }
0x12f: {  	s10 =	rddreg [dreg:$0x4];
	[sflag:s7] =	ssyncadd.s32 @p0 $0xFFFFDF80  }
0x130: {  	[spmem:s12], [sflag:s2] =	dma.local @p0 [hbm:s10], $0x2080  }
0x131: {  	_ =	swait.ge @p0 [sflag:s7], $0x2080  }
0x132: {  	s12 =	sld [smem:$0x7FD]  }
0x133: {  	[sflag:s7] =	ssyncset.done @p0 $0x0  }
0x134: {  	s2 =	simm.s32 @!p0 $0x9;
	[sflag:s7] =	ssyncadd.s32 @p0 $0xFFFFDF80;
	s7 =	rddreg [dreg:$0x1f]  }
0x135: {  	[hbm:s11], [sflag:s7] =	dma.local @!p0 [spmem:s12], $0x2780  }
0x136: {  	_ =	swait.ge @!p0 [sflag:s2], $0x2780  }
0x137: {  	[sflag:s2] =	ssyncset.done @!p0 $0x0  }
0x138: {  	[sflag:s2] =	ssyncadd.s32 @!p0 $0xFFFFD880  }
0x139: {  	[spmem:s12], [sflag:s7] =	dma.local @!p0 [hbm:s10], $0x2780  }
0x13a: {  	_ =	swait.ge @!p0 [sflag:s2], $0x2780  }
0x13b: {  	[sflag:s2] =	ssyncset.done @!p0 $0x0  }
0x13c: {  	[sflag:s2] =	ssyncadd.s32 @!p0 $0xFFFFD880  }
0x13d: {  	[bflag:$0x0] =	sbarrier.arrive $0xFFFF  }
0x13e: {  	s10 =	simm.s32 $0x14000;
	s2 =	simm.s32 $0x0;
	s12 =	rddreg [dreg:$0xc]  }
0x13f: {  	[tilespmem:s10], [sflag:$0x1] =	stream.linear.gather [hbm4b:s12+s2], $0x80, $0x38;
	[tilespmem:$0x1C400] =	vst v63  }
0x140: {  	s13 =	rddreg [dreg:$0xd]  }
0x141: {  	[tilespmem:s16], [sflag:$0x1] =	stream.linear.gather [hbm4b:s13+s2], $0x80, $0x38;
	[tilespmem:$0x1C400] =	vst v63  }
0x142: {  	s11 =	rddreg [dreg:$0xe]  }
0x143: {  	[tilespmem:s15], [sflag:$0x2] =	stream.linear.gather [hbm4b:s11+s2], $0x80, $0x38;
	[tilespmem:$0x1C400] =	vst v63  }
0x144: {  	s12 =	rddreg [dreg:$0xf]  }
0x145: {  	[tilespmem:s30], [sflag:$0x2] =	stream.linear.gather [hbm4b:s12+s2], $0x80, $0x38;
	[tilespmem:$0x1C400] =	vst v63  }
0x146: {  	s13 =	rddreg [dreg:$0x10]  }
0x147: {  	[tilespmem:s31], [sflag:$0x3] =	stream.linear.gather [hbm4b:s13+s2], $0x80, $0x38;
	[tilespmem:$0x1C400] =	vst v63  }
0x148: {  	s11 =	rddreg [dreg:$0x11];
	s12 =	simm.s32 $0x1  }
0x149: {  	[tilespmem:s14], [sflag:$0x3] =	stream.linear.gather [hbm4b:s11+s2], $0x80, $0x38;
	[tilespmem:$0x1C400] =	vst v63  }
0x14a: {  	_ =	swait.ge [sflag:s12], $0x80  }
0x14b: {  	[sflag:s12] =	ssyncset.done $0x0  }
0x14c: {  	[sflag:s12] =	ssyncadd.s32 $0xFFFFFF80  }
0x14d: {  	_ =	swait.ge [sflag:s12], $0x80  }
0x14e: {  	p1 =	por $0x1, $0x1;
	[sflag:s12] =	ssyncset.done $0x0  }
0x14f: {  	s7 =	simm.s32 @!p1 $0x8;
	[sflag:s12] =	ssyncadd.s32 $0xFFFFFF80  }
0x150: {  	[tilespmem:s18], [sflag:$0x5] =	stream.indirect.gather [hbm4b:s5+s17], $0x80, s10, s17, $0xb8;
	[tilespmem:$0x1C400] =	vst v63  }
0x151: {  	_ =	swait.ge @!p1 [sflag:s7], $0x4000  }
0x152: {  	[sflag:s7] =	ssyncset.done @!p1 $0x0  }
0x153: {  	[sflag:s7] =	ssyncadd.s32 @!p1 $0xFFFFC000  }
0x154: {  	_ =	swait.ge [sflag:s20], $0x80  }
0x155: {  	[sflag:s20] =	ssyncset.done $0x0  }
0x156: {  	s13 =	sadd.s32 $0x0, s19;
	[sflag:s20] =	ssyncadd.s32 $0xFFFFFF80  }
0x157: {  	s7 =	sadd.s32 $0xA000, s13;
	_ =	swait.ge [sflag:s20], $0x80  }
0x158: {  	s2 =	sand.u32 $0x40, s2;
	s7 =	sand.u32 $0xFFFFF80, s7;
	[sflag:s20] =	ssyncset.done $0x0  }
0x159: {  	s2 =	sor.u32 s7, s2;
	[sflag:s20] =	ssyncadd.s32 $0xFFFFFF80  }
0x15a: {  	[tilespmem:s21], [sflag:$0x6] =	stream.indirect.gather [hbm4b:s5+s17], $0x80, s15, s17, $0xb8;
	[tilespmem:$0x1C400] =	vst v63  }
0x15b: {  	s2 =	sor.u32 $0x30, s2;
	s15 =	rddreg [dreg:$0x1]  }
0x15c: {  	s7 =	sadd.s32 s15, s2  }
0x15d: {  	[tilespmem:s22], [sflag:$0x4] =	stream.linear.gather [hbm4b:s7+s4], $0x80, $0x38;
	[tilespmem:$0x1C400] =	vst v63  }
0x15e: {  	s2 =	sadd.s32 s6, s2  }
0x15f: {  	[tilespmem:s23], [sflag:$0x4] =	stream.linear.gather [hbm4b:s2+s4], $0x80, $0x38;
	[tilespmem:$0x1C400] =	vst v63  }
0x160: {  	_ =	swait.ge [sflag:s24], $0x4000  }
0x161: {  	[sflag:s24] =	ssyncset.done $0x0  }
0x162: {  	[sflag:s24] =	ssyncadd.s32 $0xFFFFC000  }
0x163: {  	[spmem:s3] =	stream.indirect.scatter.add.f32 [tilespmem:s18], [sflag:$0x7], $0x80, s16, s17, $0xb8;
	[tilespmem:$0x1C400] =	vst v63  }
0x164: {  	_ =	swait.ge [sflag:s25], $0x4000  }
0x165: {  	[sflag:s25] =	ssyncset.done $0x0  }
0x166: {  	[sflag:s25] =	ssyncadd.s32 $0xFFFFC000  }
0x167: {  	_ =	swait.ge [sflag:s26], $0x80  }
0x168: {  	[sflag:s26] =	ssyncset.done $0x0  }
0x169: {  	[sflag:s26] =	ssyncadd.s32 $0xFFFFFF80  }
0x16a: {  	_ =	swait.ge [sflag:s26], $0x80  }
0x16b: {  	p1 =	por $0x0, $0x0;
	[sflag:s26] =	ssyncset.done $0x0  }
0x16c: {  	s10 =	sadd.s32 @!p1 $0x0, s9;
	s2 =	sadd.s32 @!p1 $0x0, s8;
	[sflag:s26] =	ssyncadd.s32 $0xFFFFFF80  }
0x16d: {  	[tilespmem:s18], [sflag:$0x5] =	stream.indirect.gather [hbm4b:s5+s17], $0x80, s31, s17, $0xb8;
	[tilespmem:$0x1C400] =	vst v63  }
0x16e: {  	s11 =	simm.s32 @!p1 $0x0;
	s7 =	simm.s32 @!p1 $0x14000;
	s2 =	sadd.s32 @!p1 $0xA040, s2  }
0x16f: {  	[tilespmem:s7], [sflag:$0x1] =	stream.linear.gather @!p1 [hbm4b:s2+s11], $0x80, $0x38;
	[tilespmem:$0x1C400] =	vst v63  }
0x170: {  	s2 =	simm.s32 @!p1 $0x14200;
	s7 =	sadd.s32 @!p1 $0xA040, s10  }
0x171: {  	[tilespmem:s2], [sflag:$0x1] =	stream.linear.gather @!p1 [hbm4b:s7+s11], $0x80, $0x38;
	[tilespmem:$0x1C400] =	vst v63  }
0x172: {  	_ =	swait.ge [sflag:s28], $0x4000  }
0x173: {  	[sflag:s28] =	ssyncset.done $0x0  }
0x174: {  	[sflag:s28] =	ssyncadd.s32 $0xFFFFC000  }
0x175: {  	[spmem:s3] =	stream.indirect.scatter.add.f32 [tilespmem:s21], [sflag:$0x8], $0x80, s30, s17, $0xb8;
	[tilespmem:$0x1C400] =	vst v63  }
0x176: {  	_ =	swait.ge [sflag:s0], $0x4000  }
0x177: {  	[sflag:s0] =	ssyncset.done $0x0  }
0x178: {  	[sflag:s0] =	ssyncadd.s32 $0xFFFFC000  }
0x179: {  	_ =	swait.ge [sflag:s1], $0x80  }
0x17a: {  	[sflag:s1] =	ssyncset.done $0x0  }
0x17b: {  	[sflag:s1] =	ssyncadd.s32 $0xFFFFFF80  }
0x17c: {  	_ =	swait.ge [sflag:s1], $0x80  }
0x17d: {  	p1 =	por $0x0, $0x0;
	[sflag:s1] =	ssyncset.done $0x0  }
0x17e: {  	s2 =	sadd.s32 @!p1 $0x0, s8;
	s7 =	simm.s32 @!p1 $0x14080;
	[sflag:s1] =	ssyncadd.s32 $0xFFFFFF80  }
0x17f: {  	[tilespmem:s21], [sflag:$0x6] =	stream.indirect.gather [hbm4b:s5+s17], $0x80, s22, s17, $0xb8;
	[tilespmem:$0x1C400] =	vst v63  }
0x180: {  	s10 =	simm.s32 @!p1 $0x0;
	s11 =	sadd.s32 @!p1 $0x0, s9;
	s2 =	sadd.s32 @!p1 $0xA050, s2  }
0x181: {  	[tilespmem:s7], [sflag:$0x2] =	stream.linear.gather @!p1 [hbm4b:s2+s10], $0x80, $0x38;
	[tilespmem:$0x1C400] =	vst v63  }
0x182: {  	s2 =	simm.s32 @!p1 $0x14280;
	s7 =	sadd.s32 @!p1 $0xA050, s11  }
0x183: {  	[tilespmem:s2], [sflag:$0x2] =	stream.linear.gather @!p1 [hbm4b:s7+s10], $0x80, $0x38;
	[tilespmem:$0x1C400] =	vst v63  }
0x184: {  	_ =	swait.ge [sflag:s24], $0x4000  }
0x185: {  	[sflag:s24] =	ssyncset.done $0x0  }
0x186: {  	[sflag:s24] =	ssyncadd.s32 $0xFFFFC000  }
0x187: {  	[spmem:s3] =	stream.indirect.scatter.add.f32 [tilespmem:s18], [sflag:$0x7], $0x80, s14, s17, $0xb8;
	[tilespmem:$0x1C400] =	vst v63  }
0x188: {  	_ =	swait.ge [sflag:s25], $0x4000  }
0x189: {  	p1 =	por $0x0, $0x0;
	[sflag:s25] =	ssyncset.done $0x0  }
0x18a: {  	s2 =	simm.s32 @!p1 $0x1;
	[sflag:s25] =	ssyncadd.s32 $0xFFFFC000  }
0x18b: {  	_ =	swait.ge @!p1 [sflag:s2], $0x80  }
0x18c: {  	[sflag:s2] =	ssyncset.done @!p1 $0x0  }
0x18d: {  	s29 =	simm.s32 $0x7;
	[sflag:s2] =	ssyncadd.s32 @!p1 $0xFFFFFF80  }
0x18e: {  	p2 =	por @!p1 $0x0, $0x0;
	s7 =	simm.s32 @!p1 $0x14000;
	_ =	swait.ge @!p1 [sflag:s2], $0x80  }
0x18f: {  	s10 =	simm.s32 @!p1 $0x14400;
	p2 =	por p2, p1;
	[sflag:s2] =	ssyncset.done @!p1 $0x0  }
0x190: {  	s11 =	simm.s32 @!p1 $0x80;
	[sflag:s2] =	ssyncadd.s32 @!p1 $0xFFFFFF80;
	s2 =	sadd.s32 @!p2 $0x0, s8  }
0x191: {  	[tilespmem:s10], [sflag:$0x5] =	stream.indirect.gather @!p1 [hbm4b:s5+s11], $0x80, s7, s11, $0xb8;
	[tilespmem:$0x1C400] =	vst v63  }
0x192: {  	s2 =	sadd.s32 @!p2 $0xA060, s2;
	s10 =	simm.s32 @!p2 $0x0;
	s7 =	simm.s32 @!p2 $0x14100  }
0x193: {  	[tilespmem:s7], [sflag:$0x3] =	stream.linear.gather @!p2 [hbm4b:s2+s10], $0x80, $0x38;
	[tilespmem:$0x1C400] =	vst v63  }
0x194: {  	s15 =	simm.s32 $0x14300;
	s30 =	simm.s32 $0x80;
	s2 =	sadd.s32 @!p2 $0x0, s9  }
0x195: {  	s16 =	simm.s32 @!p2 $0x14300;
	s7 =	simm.s32 $0x40;
	s31 =	sadd.s32 @!p2 $0xA060, s2  }
.LBB2_4:
0x196: {  	[tilespmem:s16], [sflag:$0x3] =	stream.linear.gather @!p2 [hbm4b:s31+s10], $0x80, $0x38;
	[tilespmem:$0x1C400] =	vst v63  }
0x197: {  	_ =	swait.ge [sflag:s28], $0x4000  }
0x198: {  	p2 =	seq.s32 s7, $0x0;
	[sflag:s28] =	ssyncset.done $0x0  }
0x199: {  	s2 =	simm.s32 @!p2 $0x8;
	[sflag:s28] =	ssyncadd.s32 $0xFFFFC000  }
0x19a: {  	[spmem:s3] =	stream.indirect.scatter.add.f32 [tilespmem:s21], [sflag:$0x8], $0x80, s23, s17, $0xb8;
	[tilespmem:$0x1C400] =	vst v63  }
0x19b: {  	_ =	swait.ge @!p2 [sflag:s2], $0x4000  }
0x19c: {  	[sflag:s2] =	ssyncset.done @!p2 $0x0  }
0x19d: {  	[sflag:s2] =	ssyncadd.s32 @!p2 $0xFFFFC000  }
0x19e: {  	_ =	swait.ge [sflag:s20], $0x80  }
0x19f: {  	[sflag:s20] =	ssyncset.done $0x0  }
0x1a0: {  	s13 =	sadd.s32 s7, s19;
	[sflag:s20] =	ssyncadd.s32 $0xFFFFFF80  }
0x1a1: {  	s2 =	sadd.s32 $0xA000, s13;
	_ =	swait.ge [sflag:s20], $0x80  }
0x1a2: {  	s14 =	sand.u32 $0x40, s7;
	s2 =	sand.u32 $0xFFFFF80, s2;
	[sflag:s20] =	ssyncset.done $0x0  }
0x1a3: {  	s16 =	simm.s32 $0x14080;
	s2 =	sor.u32 s2, s14;
	[sflag:s20] =	ssyncadd.s32 $0xFFFFFF80  }
0x1a4: {  	[tilespmem:s21], [sflag:$0x6] =	stream.indirect.gather [hbm4b:s5+s17], $0x80, s16, s17, $0xb8;
	[tilespmem:$0x1C400] =	vst v63  }
0x1a5: {  	s2 =	sor.u32 $0x30, s2;
	s11 =	rddreg [dreg:$0x1]  }
0x1a6: {  	s10 =	sadd.s32 s11, s2  }
0x1a7: {  	[tilespmem:s22], [sflag:$0x4] =	stream.linear.gather [hbm4b:s10+s4], $0x80, $0x38;
	[tilespmem:$0x1C400] =	vst v63  }
0x1a8: {  	s2 =	sadd.s32 s6, s2  }
0x1a9: {  	[tilespmem:s23], [sflag:$0x4] =	stream.linear.gather [hbm4b:s2+s4], $0x80, $0x38;
	[tilespmem:$0x1C400] =	vst v63  }
0x1aa: {  	_ =	swait.ge [sflag:s24], $0x4000  }
0x1ab: {  	[sflag:s24] =	ssyncset.done $0x0  }
0x1ac: {  	s12 =	simm.s32 $0x14200;
	[sflag:s24] =	ssyncadd.s32 $0xFFFFC000  }
0x1ad: {  	[spmem:s3] =	stream.indirect.scatter.add.f32 [tilespmem:s18], [sflag:$0x7], $0x80, s12, s17, $0xb8;
	[tilespmem:$0x1C400] =	vst v63  }
0x1ae: {  	_ =	swait.ge [sflag:s25], $0x4000  }
0x1af: {  	[sflag:s25] =	ssyncset.done $0x0  }
0x1b0: {  	[sflag:s25] =	ssyncadd.s32 $0xFFFFC000  }
0x1b1: {  	_ =	swait.ge [sflag:s26], $0x80  }
0x1b2: {  	[sflag:s26] =	ssyncset.done $0x0  }
0x1b3: {  	[sflag:s26] =	ssyncadd.s32 $0xFFFFFF80  }
0x1b4: {  	s13 =	sadd.s32 $0xFFFFFFFE, s29;
	_ =	swait.ge [sflag:s26], $0x80  }
0x1b5: {  	p2 =	sgt.u32 s13, $0x4C;
	s13 =	simm.s32 $0x14100;
	[sflag:s26] =	ssyncset.done $0x0  }
0x1b6: {  	s11 =	simm.s32 @!p2 $0x14000;
	s2 =	sadd.s32 @!p2 s7, s8;
	[sflag:s26] =	ssyncadd.s32 $0xFFFFFF80  }
0x1b7: {  	[tilespmem:s18], [sflag:$0x5] =	stream.indirect.gather [hbm4b:s5+s17], $0x80, s13, s17, $0xb8;
	[tilespmem:$0x1C400] =	vst v63  }
0x1b8: {  	s2 =	sadd.s32 @!p2 $0xA040, s2;
	s12 =	sadd.s32 @!p2 s7, s9;
	s13 =	simm.s32 @!p2 $0x0  }
0x1b9: {  	[tilespmem:s11], [sflag:$0x1] =	stream.linear.gather @!p2 [hbm4b:s2+s13], $0x80, $0x38;
	[tilespmem:$0x1C400] =	vst v63  }
0x1ba: {  	s10 =	simm.s32 @!p2 $0x14200;
	s12 =	sadd.s32 @!p2 $0xA040, s12  }
0x1bb: {  	[tilespmem:s10], [sflag:$0x1] =	stream.linear.gather @!p2 [hbm4b:s12+s13], $0x80, $0x38;
	[tilespmem:$0x1C400] =	vst v63  }
0x1bc: {  	_ =	swait.ge [sflag:s28], $0x4000  }
0x1bd: {  	[sflag:s28] =	ssyncset.done $0x0  }
0x1be: {  	s14 =	simm.s32 $0x14280;
	[sflag:s28] =	ssyncadd.s32 $0xFFFFC000  }
0x1bf: {  	[spmem:s3] =	stream.indirect.scatter.add.f32 [tilespmem:s21], [sflag:$0x8], $0x80, s14, s17, $0xb8;
	[tilespmem:$0x1C400] =	vst v63  }
0x1c0: {  	_ =	swait.ge [sflag:s0], $0x4000  }
0x1c1: {  	[sflag:s0] =	ssyncset.done $0x0  }
0x1c2: {  	[sflag:s0] =	ssyncadd.s32 $0xFFFFC000  }
0x1c3: {  	_ =	swait.ge [sflag:s1], $0x80  }
0x1c4: {  	[sflag:s1] =	ssyncset.done $0x0  }
0x1c5: {  	[sflag:s1] =	ssyncadd.s32 $0xFFFFFF80  }
0x1c6: {  	s16 =	sadd.s32 $0xFFFFFFFF, s29;
	_ =	swait.ge [sflag:s1], $0x80  }
0x1c7: {  	p2 =	sgt.u32 s16, $0x4C;
	[sflag:s1] =	ssyncset.done $0x0  }
0x1c8: {  	s2 =	sadd.s32 @!p2 s7, s8;
	s11 =	simm.s32 @!p2 $0x14080;
	[sflag:s1] =	ssyncadd.s32 $0xFFFFFF80  }
0x1c9: {  	[tilespmem:s21], [sflag:$0x6] =	stream.indirect.gather [hbm4b:s5+s17], $0x80, s22, s17, $0xb8;
	[tilespmem:$0x1C400] =	vst v63  }
0x1ca: {  	s12 =	simm.s32 @!p2 $0x0;
	s13 =	sadd.s32 @!p2 s7, s9;
	s2 =	sadd.s32 @!p2 $0xA050, s2  }
0x1cb: {  	[tilespmem:s11], [sflag:$0x2] =	stream.linear.gather @!p2 [hbm4b:s2+s12], $0x80, $0x38;
	[tilespmem:$0x1C400] =	vst v63  }
0x1cc: {  	s10 =	simm.s32 @!p2 $0x14280;
	s2 =	sadd.s32 @!p2 $0xA050, s13  }
0x1cd: {  	[tilespmem:s10], [sflag:$0x2] =	stream.linear.gather @!p2 [hbm4b:s2+s12], $0x80, $0x38;
	[tilespmem:$0x1C400] =	vst v63  }
0x1ce: {  	_ =	swait.ge [sflag:s24], $0x4000  }
0x1cf: {  	[sflag:s24] =	ssyncset.done $0x0  }
0x1d0: {  	[sflag:s24] =	ssyncadd.s32 $0xFFFFC000  }
0x1d1: {  	[spmem:s3] =	stream.indirect.scatter.add.f32 [tilespmem:s18], [sflag:$0x7], $0x80, s15, s17, $0xb8;
	[tilespmem:$0x1C400] =	vst v63  }
0x1d2: {  	_ =	swait.ge [sflag:s25], $0x4000  }
0x1d3: {  	p3 =	sgt.u32 s29, $0x4E;
	[sflag:s25] =	ssyncset.done $0x0  }
0x1d4: {  	s2 =	simm.s32 @!p3 $0x1;
	[sflag:s25] =	ssyncadd.s32 $0xFFFFC000  }
0x1d5: {  	s31 =	smov.u32 s30;
	s30 =	sadd.s32 $0x40, s30;
	_ =	swait.ge @!p3 [sflag:s2], $0x80  }
0x1d6: {  	p1 =	sne.s32 s30, $0x500;
	s11 =	simm.s32 @!p3 $0x14000;
	[sflag:s2] =	ssyncset.done @!p3 $0x0  }
0x1d7: {  	s13 =	simm.s32 @!p3 $0x80;
	p2 =	sgt.u32 @!p3 s29, $0x4C;
	[sflag:s2] =	ssyncadd.s32 @!p3 $0xFFFFFF80  }
0x1d8: {  	s12 =	simm.s32 @!p3 $0x14400;
	p2 =	por p2, p3;
	_ =	swait.ge @!p3 [sflag:s2], $0x80  }
0x1d9: {  	s29 =	sadd.s32 $0x4, s29;
	s16 =	simm.s32 @!p2 $0x14300;
	[sflag:s2] =	ssyncset.done @!p3 $0x0  }
.Ltmp1:
0x1da: {  	s10 =	simm.s32 @!p2 $0x0;
	[sflag:s2] =	ssyncadd.s32 @!p3 $0xFFFFFF80;
	(pc) =	sbr.rel @p1 .LBB2_4-.Ltmp1, $4  }
0x1db: {  	[tilespmem:s12], [sflag:$0x5] =	stream.indirect.gather @!p3 [hbm4b:s5+s13], $0x80, s11, s13, $0xb8;
	[tilespmem:$0x1C400] =	vst v63  }
0x1dc: {  	s14 =	simm.s32 @!p2 $0x14100;
	s2 =	sadd.s32 @!p2 s7, s8;
	s11 =	sadd.s32 @!p2 s7, s9  }
0x1dd: {  	s2 =	sadd.s32 @!p2 $0xA060, s2;
	s7 =	smov.u32 s31;
	s31 =	sadd.s32 @!p2 $0xA060, s11  }
0x1de: {  	[tilespmem:s14], [sflag:$0x3] =	stream.linear.gather @!p2 [hbm4b:s2+s10], $0x80, $0x38;
	[tilespmem:$0x1C400] =	vst v63  }
0x1df: {  	[tilespmem:s16], [sflag:$0x3] =	stream.linear.gather @!p2 [hbm4b:s31+s10], $0x80, $0x38;
	[tilespmem:$0x1C400] =	vst v63  }
0x1e0: {  	_ =	swait.ge [sflag:s28], $0x4000  }
0x1e1: {  	p1 =	seq.s32 s7, $0x0;
	[sflag:s28] =	ssyncset.done $0x0  }
0x1e2: {  	s2 =	simm.s32 @!p1 $0x8;
	[sflag:s28] =	ssyncadd.s32 $0xFFFFC000  }
0x1e3: {  	[spmem:s3] =	stream.indirect.scatter.add.f32 [tilespmem:s21], [sflag:$0x8], $0x80, s23, s17, $0xb8;
	[tilespmem:$0x1C400] =	vst v63  }
0x1e4: {  	_ =	swait.ge @!p1 [sflag:s2], $0x4000  }
0x1e5: {  	[sflag:s2] =	ssyncset.done @!p1 $0x0  }
0x1e6: {  	[sflag:s2] =	ssyncadd.s32 @!p1 $0xFFFFC000  }
0x1e7: {  	_ =	swait.ge [sflag:s20], $0x80  }
0x1e8: {  	[sflag:s20] =	ssyncset.done $0x0  }
0x1e9: {  	s14 =	sadd.s32 s7, s19;
	[sflag:s20] =	ssyncadd.s32 $0xFFFFFF80  }
0x1ea: {  	s2 =	sadd.s32 $0xA000, s14;
	_ =	swait.ge [sflag:s20], $0x80  }
0x1eb: {  	s15 =	sand.u32 $0x40, s7;
	s2 =	sand.u32 $0xFFFFF80, s2;
	[sflag:s20] =	ssyncset.done $0x0  }
0x1ec: {  	s2 =	sor.u32 s2, s15;
	s15 =	simm.s32 $0x14080;
	[sflag:s20] =	ssyncadd.s32 $0xFFFFFF80  }
0x1ed: {  	[tilespmem:s21], [sflag:$0x6] =	stream.indirect.gather [hbm4b:s5+s17], $0x80, s15, s17, $0xb8;
	[tilespmem:$0x1C400] =	vst v63  }
0x1ee: {  	s2 =	sor.u32 $0x30, s2;
	s14 =	rddreg [dreg:$0x1]  }
0x1ef: {  	s16 =	sadd.s32 s14, s2  }
0x1f0: {  	[tilespmem:s22], [sflag:$0x4] =	stream.linear.gather [hbm4b:s16+s4], $0x80, $0x38;
	[tilespmem:$0x1C400] =	vst v63  }
0x1f1: {  	s2 =	sadd.s32 s6, s2  }
0x1f2: {  	[tilespmem:s23], [sflag:$0x4] =	stream.linear.gather [hbm4b:s2+s4], $0x80, $0x38;
	[tilespmem:$0x1C400] =	vst v63  }
0x1f3: {  	_ =	swait.ge [sflag:s24], $0x4000  }
0x1f4: {  	[sflag:s24] =	ssyncset.done $0x0  }
0x1f5: {  	s16 =	simm.s32 $0x14200;
	[sflag:s24] =	ssyncadd.s32 $0xFFFFC000  }
0x1f6: {  	[spmem:s3] =	stream.indirect.scatter.add.f32 [tilespmem:s18], [sflag:$0x7], $0x80, s16, s17, $0xb8;
	[tilespmem:$0x1C400] =	vst v63  }
0x1f7: {  	_ =	swait.ge [sflag:s25], $0x4000  }
0x1f8: {  	[sflag:s25] =	ssyncset.done $0x0  }
0x1f9: {  	[sflag:s25] =	ssyncadd.s32 $0xFFFFC000  }
0x1fa: {  	_ =	swait.ge [sflag:s26], $0x80  }
0x1fb: {  	[sflag:s26] =	ssyncset.done $0x0  }
0x1fc: {  	[sflag:s26] =	ssyncadd.s32 $0xFFFFFF80  }
0x1fd: {  	s10 =	sadd.s32 $0xFFFFFFFE, s29;
	_ =	swait.ge [sflag:s26], $0x80  }
0x1fe: {  	s31 =	simm.s32 $0x14100;
	p1 =	sgt.u32 s10, $0x4C;
	[sflag:s26] =	ssyncset.done $0x0  }
0x1ff: {  	s10 =	simm.s32 @!p1 $0x14000;
	s2 =	sadd.s32 @!p1 s7, s8;
	[sflag:s26] =	ssyncadd.s32 $0xFFFFFF80  }
0x200: {  	[tilespmem:s18], [sflag:$0x5] =	stream.indirect.gather [hbm4b:s5+s17], $0x80, s31, s17, $0xb8;
	[tilespmem:$0x1C400] =	vst v63  }
0x201: {  	s11 =	sadd.s32 @!p1 s7, s9;
	s12 =	simm.s32 @!p1 $0x0;
	s2 =	sadd.s32 @!p1 $0xA040, s2  }
0x202: {  	[tilespmem:s10], [sflag:$0x1] =	stream.linear.gather @!p1 [hbm4b:s2+s12], $0x80, $0x38;
	[tilespmem:$0x1C400] =	vst v63  }
0x203: {  	s2 =	simm.s32 @!p1 $0x14200;
	s10 =	sadd.s32 @!p1 $0xA040, s11  }
0x204: {  	[tilespmem:s2], [sflag:$0x1] =	stream.linear.gather @!p1 [hbm4b:s10+s12], $0x80, $0x38;
	[tilespmem:$0x1C400] =	vst v63  }
0x205: {  	_ =	swait.ge [sflag:s28], $0x4000  }
0x206: {  	[sflag:s28] =	ssyncset.done $0x0  }
0x207: {  	s30 =	simm.s32 $0x14280;
	[sflag:s28] =	ssyncadd.s32 $0xFFFFC000  }
0x208: {  	[spmem:s3] =	stream.indirect.scatter.add.f32 [tilespmem:s21], [sflag:$0x8], $0x80, s30, s17, $0xb8;
	[tilespmem:$0x1C400] =	vst v63  }
0x209: {  	_ =	swait.ge [sflag:s0], $0x4000  }
0x20a: {  	[sflag:s0] =	ssyncset.done $0x0  }
0x20b: {  	[sflag:s0] =	ssyncadd.s32 $0xFFFFC000  }
0x20c: {  	_ =	swait.ge [sflag:s1], $0x80  }
0x20d: {  	[sflag:s1] =	ssyncset.done $0x0  }
0x20e: {  	[sflag:s1] =	ssyncadd.s32 $0xFFFFFF80  }
0x20f: {  	s11 =	sadd.s32 $0xFFFFFFFF, s29;
	_ =	swait.ge [sflag:s1], $0x80  }
0x210: {  	p1 =	sgt.u32 s11, $0x4C;
	[sflag:s1] =	ssyncset.done $0x0  }
0x211: {  	s2 =	sadd.s32 @!p1 s7, s8;
	s10 =	simm.s32 @!p1 $0x14080;
	[sflag:s1] =	ssyncadd.s32 $0xFFFFFF80  }
0x212: {  	[tilespmem:s21], [sflag:$0x6] =	stream.indirect.gather [hbm4b:s5+s17], $0x80, s22, s17, $0xb8;
	[tilespmem:$0x1C400] =	vst v63  }
0x213: {  	s11 =	simm.s32 @!p1 $0x0;
	s12 =	sadd.s32 @!p1 s7, s9;
	s2 =	sadd.s32 @!p1 $0xA050, s2  }
0x214: {  	[tilespmem:s10], [sflag:$0x2] =	stream.linear.gather @!p1 [hbm4b:s2+s11], $0x80, $0x38;
	[tilespmem:$0x1C400] =	vst v63  }
0x215: {  	s2 =	simm.s32 @!p1 $0x14280;
	s10 =	sadd.s32 @!p1 $0xA050, s12  }
0x216: {  	[tilespmem:s2], [sflag:$0x2] =	stream.linear.gather @!p1 [hbm4b:s10+s11], $0x80, $0x38;
	[tilespmem:$0x1C400] =	vst v63  }
0x217: {  	_ =	swait.ge [sflag:s24], $0x4000  }
0x218: {  	[sflag:s24] =	ssyncset.done $0x0  }
0x219: {  	s14 =	simm.s32 $0x14300;
	[sflag:s24] =	ssyncadd.s32 $0xFFFFC000  }
0x21a: {  	[spmem:s3] =	stream.indirect.scatter.add.f32 [tilespmem:s18], [sflag:$0x7], $0x80, s14, s17, $0xb8;
	[tilespmem:$0x1C400] =	vst v63  }
0x21b: {  	_ =	swait.ge [sflag:s25], $0x4000  }
0x21c: {  	p1 =	sgt.u32 s29, $0x4E;
	[sflag:s25] =	ssyncset.done $0x0  }
0x21d: {  	s2 =	simm.s32 @!p1 $0x1;
	[sflag:s25] =	ssyncadd.s32 $0xFFFFC000  }
0x21e: {  	_ =	swait.ge @!p1 [sflag:s2], $0x80  }
0x21f: {  	[sflag:s2] =	ssyncset.done @!p1 $0x0  }
0x220: {  	p2 =	sgt.u32 @!p1 s29, $0x4C;
	[sflag:s2] =	ssyncadd.s32 @!p1 $0xFFFFFF80  }
0x221: {  	s10 =	simm.s32 @!p1 $0x14000;
	s11 =	simm.s32 @!p1 $0x14400;
	_ =	swait.ge @!p1 [sflag:s2], $0x80  }
0x222: {  	s13 =	simm.s32 @!p1 $0x80;
	p2 =	por p2, p1;
	[sflag:s2] =	ssyncset.done @!p1 $0x0  }
0x223: {  	s12 =	sadd.s32 @!p2 s7, s8;
	s7 =	sadd.s32 @!p2 s7, s9;
	[sflag:s2] =	ssyncadd.s32 @!p1 $0xFFFFFF80  }
0x224: {  	[tilespmem:s11], [sflag:$0x5] =	stream.indirect.gather @!p1 [hbm4b:s5+s13], $0x80, s10, s13, $0xb8;
	[tilespmem:$0x1C400] =	vst v63  }
0x225: {  	s2 =	sadd.s32 @!p2 $0xA060, s12;
	s10 =	simm.s32 @!p2 $0x0;
	s11 =	simm.s32 @!p2 $0x14100  }
0x226: {  	[tilespmem:s11], [sflag:$0x3] =	stream.linear.gather @!p2 [hbm4b:s2+s10], $0x80, $0x38;
	[tilespmem:$0x1C400] =	vst v63  }
0x227: {  	s7 =	sadd.s32 @!p2 $0xA060, s7;
	s2 =	simm.s32 @!p2 $0x14300  }
0x228: {  	[tilespmem:s2], [sflag:$0x3] =	stream.linear.gather @!p2 [hbm4b:s7+s10], $0x80, $0x38;
	[tilespmem:$0x1C400] =	vst v63  }
0x229: {  	_ =	swait.ge [sflag:s28], $0x4000  }
0x22a: {  	[sflag:s28] =	ssyncset.done $0x0  }
0x22b: {  	[sflag:s28] =	ssyncadd.s32 $0xFFFFC000  }
0x22c: {  	[spmem:s3] =	stream.indirect.scatter.add.f32 [tilespmem:s21], [sflag:$0x8], $0x80, s23, s17, $0xb8;
	[tilespmem:$0x1C400] =	vst v63  }
0x22d: {  	_ =	swait.ge [sflag:s0], $0x4000  }
0x22e: {  	[sflag:s0] =	ssyncset.done $0x0  }
0x22f: {  	[sflag:s0] =	ssyncadd.s32 $0xFFFFC000  }
0x230: {  	[bflag:$0x0] =	sbarrier.arrive $0xFFFF  }
0x231: {  	s11 =	rddreg [dreg:$0x19]  }
0x232: {  	s2 =	simm.s32 @p0 $0x1FC9;
	s7 =	simm.s32 @p0 $0x9;
	s12 =	rddreg [dreg:$0x1e]  }
0x233: {  	[hbm:s11], [sflag:s2] =	dma.local @p0 [spmem:s12], $0x2080  }
0x234: {  	_ =	swait.ge @p0 [sflag:s7], $0x2080  }
0x235: {  	[sflag:s7] =	ssyncset.done @p0 $0x0  }
0x236: {  	s10 =	rddreg [dreg:$0x4];
	[sflag:s7] =	ssyncadd.s32 @p0 $0xFFFFDF80  }
0x237: {  	[spmem:s12], [sflag:s2] =	dma.local @p0 [hbm:s10], $0x2080  }
0x238: {  	_ =	swait.ge @p0 [sflag:s7], $0x2080  }
0x239: {  	s12 =	sld [smem:$0x7FD]  }
0x23a: {  	[sflag:s7] =	ssyncset.done @p0 $0x0  }
0x23b: {  	s2 =	simm.s32 @!p0 $0x9;
	[sflag:s7] =	ssyncadd.s32 @p0 $0xFFFFDF80;
	s7 =	rddreg [dreg:$0x1f]  }
0x23c: {  	[hbm:s11], [sflag:s7] =	dma.local @!p0 [spmem:s12], $0x2780  }
0x23d: {  	_ =	swait.ge @!p0 [sflag:s2], $0x2780  }
0x23e: {  	[sflag:s2] =	ssyncset.done @!p0 $0x0  }
0x23f: {  	[sflag:s2] =	ssyncadd.s32 @!p0 $0xFFFFD880  }
0x240: {  	[spmem:s12], [sflag:s7] =	dma.local @!p0 [hbm:s10], $0x2780  }
0x241: {  	_ =	swait.ge @!p0 [sflag:s2], $0x2780  }
0x242: {  	[sflag:s2] =	ssyncset.done @!p0 $0x0  }
0x243: {  	[sflag:s2] =	ssyncadd.s32 @!p0 $0xFFFFD880  }
0x244: {  	[bflag:$0x0] =	sbarrier.arrive $0xFFFF  }
0x245: {  	s10 =	simm.s32 $0x14000;
	s2 =	simm.s32 $0x0;
	s12 =	rddreg [dreg:$0x12]  }
0x246: {  	[tilespmem:s10], [sflag:$0x1] =	stream.linear.gather [hbm4b:s12+s2], $0x80, $0x38;
	[tilespmem:$0x1C400] =	vst v63  }
0x247: {  	s13 =	rddreg [dreg:$0x13]  }
0x248: {  	[tilespmem:s16], [sflag:$0x1] =	stream.linear.gather [hbm4b:s13+s2], $0x80, $0x38;
	[tilespmem:$0x1C400] =	vst v63  }
0x249: {  	s11 =	rddreg [dreg:$0x14]  }
0x24a: {  	[tilespmem:s15], [sflag:$0x2] =	stream.linear.gather [hbm4b:s11+s2], $0x80, $0x38;
	[tilespmem:$0x1C400] =	vst v63  }
0x24b: {  	s12 =	rddreg [dreg:$0x15]  }
0x24c: {  	[tilespmem:s30], [sflag:$0x2] =	stream.linear.gather [hbm4b:s12+s2], $0x80, $0x38;
	[tilespmem:$0x1C400] =	vst v63  }
0x24d: {  	s13 =	rddreg [dreg:$0x16]  }
0x24e: {  	[tilespmem:s31], [sflag:$0x3] =	stream.linear.gather [hbm4b:s13+s2], $0x80, $0x38;
	[tilespmem:$0x1C400] =	vst v63  }
0x24f: {  	s11 =	rddreg [dreg:$0x17];
	s12 =	simm.s32 $0x1  }
0x250: {  	[tilespmem:s14], [sflag:$0x3] =	stream.linear.gather [hbm4b:s11+s2], $0x80, $0x38;
	[tilespmem:$0x1C400] =	vst v63  }
0x251: {  	_ =	swait.ge [sflag:s12], $0x80  }
0x252: {  	[sflag:s12] =	ssyncset.done $0x0  }
0x253: {  	[sflag:s12] =	ssyncadd.s32 $0xFFFFFF80  }
0x254: {  	_ =	swait.ge [sflag:s12], $0x80  }
0x255: {  	p1 =	por $0x1, $0x1;
	[sflag:s12] =	ssyncset.done $0x0  }
0x256: {  	s7 =	simm.s32 @!p1 $0x8;
	[sflag:s12] =	ssyncadd.s32 $0xFFFFFF80  }
0x257: {  	[tilespmem:s18], [sflag:$0x5] =	stream.indirect.gather [hbm4b:s5+s17], $0x80, s10, s17, $0xb8;
	[tilespmem:$0x1C400] =	vst v63  }
0x258: {  	_ =	swait.ge @!p1 [sflag:s7], $0x4000  }
0x259: {  	[sflag:s7] =	ssyncset.done @!p1 $0x0  }
0x25a: {  	[sflag:s7] =	ssyncadd.s32 @!p1 $0xFFFFC000  }
0x25b: {  	_ =	swait.ge [sflag:s20], $0x80  }
0x25c: {  	[sflag:s20] =	ssyncset.done $0x0  }
0x25d: {  	s13 =	sadd.s32 $0x0, s19;
	[sflag:s20] =	ssyncadd.s32 $0xFFFFFF80  }
0x25e: {  	s7 =	sadd.s32 $0x14000, s13;
	_ =	swait.ge [sflag:s20], $0x80  }
0x25f: {  	s2 =	sand.u32 $0x40, s2;
	s7 =	sand.u32 $0xFFFFF80, s7;
	[sflag:s20] =	ssyncset.done $0x0  }
0x260: {  	s2 =	sor.u32 s7, s2;
	[sflag:s20] =	ssyncadd.s32 $0xFFFFFF80  }
0x261: {  	[tilespmem:s21], [sflag:$0x6] =	stream.indirect.gather [hbm4b:s5+s17], $0x80, s15, s17, $0xb8;
	[tilespmem:$0x1C400] =	vst v63  }
0x262: {  	s2 =	sor.u32 $0x30, s2;
	s15 =	rddreg [dreg:$0x1]  }
0x263: {  	s7 =	sadd.s32 s15, s2  }
0x264: {  	[tilespmem:s22], [sflag:$0x4] =	stream.linear.gather [hbm4b:s7+s4], $0x80, $0x38;
	[tilespmem:$0x1C400] =	vst v63  }
0x265: {  	s2 =	sadd.s32 s6, s2  }
0x266: {  	[tilespmem:s23], [sflag:$0x4] =	stream.linear.gather [hbm4b:s2+s4], $0x80, $0x38;
	[tilespmem:$0x1C400] =	vst v63  }
0x267: {  	_ =	swait.ge [sflag:s24], $0x4000  }
0x268: {  	[sflag:s24] =	ssyncset.done $0x0  }
0x269: {  	[sflag:s24] =	ssyncadd.s32 $0xFFFFC000  }
0x26a: {  	[spmem:s3] =	stream.indirect.scatter.add.f32 [tilespmem:s18], [sflag:$0x7], $0x80, s16, s17, $0xb8;
	[tilespmem:$0x1C400] =	vst v63  }
0x26b: {  	_ =	swait.ge [sflag:s25], $0x4000  }
0x26c: {  	[sflag:s25] =	ssyncset.done $0x0  }
0x26d: {  	[sflag:s25] =	ssyncadd.s32 $0xFFFFC000  }
0x26e: {  	_ =	swait.ge [sflag:s26], $0x80  }
0x26f: {  	[sflag:s26] =	ssyncset.done $0x0  }
0x270: {  	[sflag:s26] =	ssyncadd.s32 $0xFFFFFF80  }
0x271: {  	_ =	swait.ge [sflag:s26], $0x80  }
0x272: {  	p1 =	por $0x0, $0x0;
	[sflag:s26] =	ssyncset.done $0x0  }
0x273: {  	s10 =	sadd.s32 @!p1 $0x0, s9;
	s2 =	sadd.s32 @!p1 $0x0, s8;
	[sflag:s26] =	ssyncadd.s32 $0xFFFFFF80  }
0x274: {  	[tilespmem:s18], [sflag:$0x5] =	stream.indirect.gather [hbm4b:s5+s17], $0x80, s31, s17, $0xb8;
	[tilespmem:$0x1C400] =	vst v63  }
0x275: {  	s11 =	simm.s32 @!p1 $0x0;
	s7 =	simm.s32 @!p1 $0x14000;
	s2 =	sadd.s32 @!p1 $0x14040, s2  }
0x276: {  	[tilespmem:s7], [sflag:$0x1] =	stream.linear.gather @!p1 [hbm4b:s2+s11], $0x80, $0x38;
	[tilespmem:$0x1C400] =	vst v63  }
0x277: {  	s2 =	simm.s32 @!p1 $0x14200;
	s7 =	sadd.s32 @!p1 $0x14040, s10  }
0x278: {  	[tilespmem:s2], [sflag:$0x1] =	stream.linear.gather @!p1 [hbm4b:s7+s11], $0x80, $0x38;
	[tilespmem:$0x1C400] =	vst v63  }
0x279: {  	_ =	swait.ge [sflag:s28], $0x4000  }
0x27a: {  	[sflag:s28] =	ssyncset.done $0x0  }
0x27b: {  	[sflag:s28] =	ssyncadd.s32 $0xFFFFC000  }
0x27c: {  	[spmem:s3] =	stream.indirect.scatter.add.f32 [tilespmem:s21], [sflag:$0x8], $0x80, s30, s17, $0xb8;
	[tilespmem:$0x1C400] =	vst v63  }
0x27d: {  	_ =	swait.ge [sflag:s0], $0x4000  }
0x27e: {  	[sflag:s0] =	ssyncset.done $0x0  }
0x27f: {  	[sflag:s0] =	ssyncadd.s32 $0xFFFFC000  }
0x280: {  	_ =	swait.ge [sflag:s1], $0x80  }
0x281: {  	[sflag:s1] =	ssyncset.done $0x0  }
0x282: {  	[sflag:s1] =	ssyncadd.s32 $0xFFFFFF80  }
0x283: {  	_ =	swait.ge [sflag:s1], $0x80  }
0x284: {  	p1 =	por $0x0, $0x0;
	[sflag:s1] =	ssyncset.done $0x0  }
0x285: {  	s2 =	sadd.s32 @!p1 $0x0, s8;
	s7 =	simm.s32 @!p1 $0x14080;
	[sflag:s1] =	ssyncadd.s32 $0xFFFFFF80  }
0x286: {  	[tilespmem:s21], [sflag:$0x6] =	stream.indirect.gather [hbm4b:s5+s17], $0x80, s22, s17, $0xb8;
	[tilespmem:$0x1C400] =	vst v63  }
0x287: {  	s10 =	simm.s32 @!p1 $0x0;
	s11 =	sadd.s32 @!p1 $0x0, s9;
	s2 =	sadd.s32 @!p1 $0x14050, s2  }
0x288: {  	[tilespmem:s7], [sflag:$0x2] =	stream.linear.gather @!p1 [hbm4b:s2+s10], $0x80, $0x38;
	[tilespmem:$0x1C400] =	vst v63  }
0x289: {  	s2 =	simm.s32 @!p1 $0x14280;
	s7 =	sadd.s32 @!p1 $0x14050, s11  }
0x28a: {  	[tilespmem:s2], [sflag:$0x2] =	stream.linear.gather @!p1 [hbm4b:s7+s10], $0x80, $0x38;
	[tilespmem:$0x1C400] =	vst v63  }
0x28b: {  	_ =	swait.ge [sflag:s24], $0x4000  }
0x28c: {  	[sflag:s24] =	ssyncset.done $0x0  }
0x28d: {  	[sflag:s24] =	ssyncadd.s32 $0xFFFFC000  }
0x28e: {  	[spmem:s3] =	stream.indirect.scatter.add.f32 [tilespmem:s18], [sflag:$0x7], $0x80, s14, s17, $0xb8;
	[tilespmem:$0x1C400] =	vst v63  }
0x28f: {  	_ =	swait.ge [sflag:s25], $0x4000  }
0x290: {  	p1 =	por $0x0, $0x0;
	[sflag:s25] =	ssyncset.done $0x0  }
0x291: {  	s2 =	simm.s32 @!p1 $0x1;
	[sflag:s25] =	ssyncadd.s32 $0xFFFFC000  }
0x292: {  	_ =	swait.ge @!p1 [sflag:s2], $0x80  }
0x293: {  	[sflag:s2] =	ssyncset.done @!p1 $0x0  }
0x294: {  	s29 =	simm.s32 $0x7;
	[sflag:s2] =	ssyncadd.s32 @!p1 $0xFFFFFF80  }
0x295: {  	p2 =	por @!p1 $0x0, $0x0;
	s7 =	simm.s32 @!p1 $0x14000;
	_ =	swait.ge @!p1 [sflag:s2], $0x80  }
0x296: {  	s10 =	simm.s32 @!p1 $0x14400;
	p2 =	por p2, p1;
	[sflag:s2] =	ssyncset.done @!p1 $0x0  }
0x297: {  	s11 =	simm.s32 @!p1 $0x80;
	[sflag:s2] =	ssyncadd.s32 @!p1 $0xFFFFFF80;
	s2 =	sadd.s32 @!p2 $0x0, s8  }
0x298: {  	[tilespmem:s10], [sflag:$0x5] =	stream.indirect.gather @!p1 [hbm4b:s5+s11], $0x80, s7, s11, $0xb8;
	[tilespmem:$0x1C400] =	vst v63  }
0x299: {  	s2 =	sadd.s32 @!p2 $0x14060, s2;
	s10 =	simm.s32 @!p2 $0x0;
	s7 =	simm.s32 @!p2 $0x14100  }
0x29a: {  	[tilespmem:s7], [sflag:$0x3] =	stream.linear.gather @!p2 [hbm4b:s2+s10], $0x80, $0x38;
	[tilespmem:$0x1C400] =	vst v63  }
0x29b: {  	s15 =	simm.s32 $0x14200;
	s30 =	simm.s32 $0x80;
	s2 =	sadd.s32 @!p2 $0x0, s9  }
0x29c: {  	s16 =	simm.s32 @!p2 $0x14300;
	s7 =	simm.s32 $0x40;
	s31 =	sadd.s32 @!p2 $0x14060, s2  }
.LBB2_6:
0x29d: {  	[tilespmem:s16], [sflag:$0x3] =	stream.linear.gather @!p2 [hbm4b:s31+s10], $0x80, $0x38;
	[tilespmem:$0x1C400] =	vst v63  }
0x29e: {  	_ =	swait.ge [sflag:s28], $0x4000  }
0x29f: {  	p2 =	seq.s32 s7, $0x0;
	[sflag:s28] =	ssyncset.done $0x0  }
0x2a0: {  	s2 =	simm.s32 @!p2 $0x8;
	[sflag:s28] =	ssyncadd.s32 $0xFFFFC000  }
0x2a1: {  	[spmem:s3] =	stream.indirect.scatter.add.f32 [tilespmem:s21], [sflag:$0x8], $0x80, s23, s17, $0xb8;
	[tilespmem:$0x1C400] =	vst v63  }
0x2a2: {  	_ =	swait.ge @!p2 [sflag:s2], $0x4000  }
0x2a3: {  	[sflag:s2] =	ssyncset.done @!p2 $0x0  }
0x2a4: {  	[sflag:s2] =	ssyncadd.s32 @!p2 $0xFFFFC000  }
0x2a5: {  	_ =	swait.ge [sflag:s20], $0x80  }
0x2a6: {  	[sflag:s20] =	ssyncset.done $0x0  }
0x2a7: {  	s13 =	sadd.s32 s7, s19;
	[sflag:s20] =	ssyncadd.s32 $0xFFFFFF80  }
0x2a8: {  	s2 =	sadd.s32 $0x14000, s13;
	_ =	swait.ge [sflag:s20], $0x80  }
0x2a9: {  	s14 =	sand.u32 $0x40, s7;
	s2 =	sand.u32 $0xFFFFF80, s2;
	[sflag:s20] =	ssyncset.done $0x0  }
0x2aa: {  	s16 =	simm.s32 $0x14080;
	s2 =	sor.u32 s2, s14;
	[sflag:s20] =	ssyncadd.s32 $0xFFFFFF80  }
0x2ab: {  	[tilespmem:s21], [sflag:$0x6] =	stream.indirect.gather [hbm4b:s5+s17], $0x80, s16, s17, $0xb8;
	[tilespmem:$0x1C400] =	vst v63  }
0x2ac: {  	s2 =	sor.u32 $0x30, s2;
	s11 =	rddreg [dreg:$0x1]  }
0x2ad: {  	s10 =	sadd.s32 s11, s2  }
0x2ae: {  	[tilespmem:s22], [sflag:$0x4] =	stream.linear.gather [hbm4b:s10+s4], $0x80, $0x38;
	[tilespmem:$0x1C400] =	vst v63  }
0x2af: {  	s2 =	sadd.s32 s6, s2  }
0x2b0: {  	[tilespmem:s23], [sflag:$0x4] =	stream.linear.gather [hbm4b:s2+s4], $0x80, $0x38;
	[tilespmem:$0x1C400] =	vst v63  }
0x2b1: {  	_ =	swait.ge [sflag:s24], $0x4000  }
0x2b2: {  	[sflag:s24] =	ssyncset.done $0x0  }
0x2b3: {  	[sflag:s24] =	ssyncadd.s32 $0xFFFFC000  }
0x2b4: {  	[spmem:s3] =	stream.indirect.scatter.add.f32 [tilespmem:s18], [sflag:$0x7], $0x80, s15, s17, $0xb8;
	[tilespmem:$0x1C400] =	vst v63  }
0x2b5: {  	_ =	swait.ge [sflag:s25], $0x4000  }
0x2b6: {  	[sflag:s25] =	ssyncset.done $0x0  }
0x2b7: {  	[sflag:s25] =	ssyncadd.s32 $0xFFFFC000  }
0x2b8: {  	_ =	swait.ge [sflag:s26], $0x80  }
0x2b9: {  	[sflag:s26] =	ssyncset.done $0x0  }
0x2ba: {  	[sflag:s26] =	ssyncadd.s32 $0xFFFFFF80  }
0x2bb: {  	s12 =	sadd.s32 $0xFFFFFFFE, s29;
	_ =	swait.ge [sflag:s26], $0x80  }
0x2bc: {  	p2 =	sgt.u32 s12, $0x4C;
	s13 =	simm.s32 $0x14100;
	[sflag:s26] =	ssyncset.done $0x0  }
0x2bd: {  	s12 =	sadd.s32 @!p2 s7, s9;
	s2 =	sadd.s32 @!p2 s7, s8;
	[sflag:s26] =	ssyncadd.s32 $0xFFFFFF80  }
0x2be: {  	[tilespmem:s18], [sflag:$0x5] =	stream.indirect.gather [hbm4b:s5+s17], $0x80, s13, s17, $0xb8;
	[tilespmem:$0x1C400] =	vst v63  }
0x2bf: {  	s11 =	simm.s32 @!p2 $0x14000;
	s2 =	sadd.s32 @!p2 $0x14040, s2;
	s13 =	simm.s32 @!p2 $0x0  }
0x2c0: {  	[tilespmem:s11], [sflag:$0x1] =	stream.linear.gather @!p2 [hbm4b:s2+s13], $0x80, $0x38;
	[tilespmem:$0x1C400] =	vst v63  }
0x2c1: {  	s12 =	sadd.s32 @!p2 $0x14040, s12;
	s10 =	simm.s32 @!p2 $0x14200  }
0x2c2: {  	[tilespmem:s10], [sflag:$0x1] =	stream.linear.gather @!p2 [hbm4b:s12+s13], $0x80, $0x38;
	[tilespmem:$0x1C400] =	vst v63  }
0x2c3: {  	_ =	swait.ge [sflag:s28], $0x4000  }
0x2c4: {  	[sflag:s28] =	ssyncset.done $0x0  }
0x2c5: {  	s13 =	simm.s32 $0x14280;
	[sflag:s28] =	ssyncadd.s32 $0xFFFFC000  }
0x2c6: {  	[spmem:s3] =	stream.indirect.scatter.add.f32 [tilespmem:s21], [sflag:$0x8], $0x80, s13, s17, $0xb8;
	[tilespmem:$0x1C400] =	vst v63  }
0x2c7: {  	_ =	swait.ge [sflag:s0], $0x4000  }
0x2c8: {  	[sflag:s0] =	ssyncset.done $0x0  }
0x2c9: {  	[sflag:s0] =	ssyncadd.s32 $0xFFFFC000  }
0x2ca: {  	_ =	swait.ge [sflag:s1], $0x80  }
0x2cb: {  	[sflag:s1] =	ssyncset.done $0x0  }
0x2cc: {  	[sflag:s1] =	ssyncadd.s32 $0xFFFFFF80  }
0x2cd: {  	s14 =	sadd.s32 $0xFFFFFFFF, s29;
	_ =	swait.ge [sflag:s1], $0x80  }
0x2ce: {  	p2 =	sgt.u32 s14, $0x4C;
	[sflag:s1] =	ssyncset.done $0x0  }
0x2cf: {  	s2 =	sadd.s32 @!p2 s7, s8;
	s11 =	simm.s32 @!p2 $0x14080;
	[sflag:s1] =	ssyncadd.s32 $0xFFFFFF80  }
0x2d0: {  	[tilespmem:s21], [sflag:$0x6] =	stream.indirect.gather [hbm4b:s5+s17], $0x80, s22, s17, $0xb8;
	[tilespmem:$0x1C400] =	vst v63  }
0x2d1: {  	s12 =	simm.s32 @!p2 $0x0;
	s2 =	sadd.s32 @!p2 $0x14050, s2;
	s13 =	sadd.s32 @!p2 s7, s9  }
0x2d2: {  	[tilespmem:s11], [sflag:$0x2] =	stream.linear.gather @!p2 [hbm4b:s2+s12], $0x80, $0x38;
	[tilespmem:$0x1C400] =	vst v63  }
0x2d3: {  	s10 =	simm.s32 @!p2 $0x14280;
	s2 =	sadd.s32 @!p2 $0x14050, s13  }
0x2d4: {  	[tilespmem:s10], [sflag:$0x2] =	stream.linear.gather @!p2 [hbm4b:s2+s12], $0x80, $0x38;
	[tilespmem:$0x1C400] =	vst v63  }
0x2d5: {  	_ =	swait.ge [sflag:s24], $0x4000  }
0x2d6: {  	[sflag:s24] =	ssyncset.done $0x0  }
0x2d7: {  	s16 =	simm.s32 $0x14300;
	[sflag:s24] =	ssyncadd.s32 $0xFFFFC000  }
0x2d8: {  	[spmem:s3] =	stream.indirect.scatter.add.f32 [tilespmem:s18], [sflag:$0x7], $0x80, s16, s17, $0xb8;
	[tilespmem:$0x1C400] =	vst v63  }
0x2d9: {  	_ =	swait.ge [sflag:s25], $0x4000  }
0x2da: {  	p3 =	sgt.u32 s29, $0x4E;
	[sflag:s25] =	ssyncset.done $0x0  }
0x2db: {  	s2 =	simm.s32 @!p3 $0x1;
	[sflag:s25] =	ssyncadd.s32 $0xFFFFC000  }
0x2dc: {  	s31 =	smov.u32 s30;
	s30 =	sadd.s32 $0x40, s30;
	_ =	swait.ge @!p3 [sflag:s2], $0x80  }
0x2dd: {  	p1 =	sne.s32 s30, $0x500;
	s11 =	simm.s32 @!p3 $0x14000;
	[sflag:s2] =	ssyncset.done @!p3 $0x0  }
0x2de: {  	s13 =	simm.s32 @!p3 $0x80;
	p2 =	sgt.u32 @!p3 s29, $0x4C;
	[sflag:s2] =	ssyncadd.s32 @!p3 $0xFFFFFF80  }
0x2df: {  	s12 =	simm.s32 @!p3 $0x14400;
	p2 =	por p2, p3;
	_ =	swait.ge @!p3 [sflag:s2], $0x80  }
0x2e0: {  	s29 =	sadd.s32 $0x4, s29;
	s10 =	simm.s32 @!p2 $0x0;
	[sflag:s2] =	ssyncset.done @!p3 $0x0  }
.Ltmp2:
0x2e1: {  	s14 =	simm.s32 @!p2 $0x14100;
	[sflag:s2] =	ssyncadd.s32 @!p3 $0xFFFFFF80;
	(pc) =	sbr.rel @p1 .LBB2_6-.Ltmp2, $4  }
0x2e2: {  	[tilespmem:s12], [sflag:$0x5] =	stream.indirect.gather @!p3 [hbm4b:s5+s13], $0x80, s11, s13, $0xb8;
	[tilespmem:$0x1C400] =	vst v63  }
0x2e3: {  	s16 =	simm.s32 @!p2 $0x14300;
	s2 =	sadd.s32 @!p2 s7, s8;
	s11 =	sadd.s32 @!p2 s7, s9  }
0x2e4: {  	s2 =	sadd.s32 @!p2 $0x14060, s2;
	s7 =	smov.u32 s31;
	s31 =	sadd.s32 @!p2 $0x14060, s11  }
0x2e5: {  	[tilespmem:s14], [sflag:$0x3] =	stream.linear.gather @!p2 [hbm4b:s2+s10], $0x80, $0x38;
	[tilespmem:$0x1C400] =	vst v63  }
0x2e6: {  	[tilespmem:s16], [sflag:$0x3] =	stream.linear.gather @!p2 [hbm4b:s31+s10], $0x80, $0x38;
	[tilespmem:$0x1C400] =	vst v63  }
0x2e7: {  	_ =	swait.ge [sflag:s28], $0x4000  }
0x2e8: {  	p1 =	seq.s32 s7, $0x0;
	[sflag:s28] =	ssyncset.done $0x0  }
0x2e9: {  	s2 =	simm.s32 @!p1 $0x8;
	[sflag:s28] =	ssyncadd.s32 $0xFFFFC000  }
0x2ea: {  	[spmem:s3] =	stream.indirect.scatter.add.f32 [tilespmem:s21], [sflag:$0x8], $0x80, s23, s17, $0xb8;
	[tilespmem:$0x1C400] =	vst v63  }
0x2eb: {  	_ =	swait.ge @!p1 [sflag:s2], $0x4000  }
0x2ec: {  	[sflag:s2] =	ssyncset.done @!p1 $0x0  }
0x2ed: {  	[sflag:s2] =	ssyncadd.s32 @!p1 $0xFFFFC000  }
0x2ee: {  	_ =	swait.ge [sflag:s20], $0x80  }
0x2ef: {  	[sflag:s20] =	ssyncset.done $0x0  }
0x2f0: {  	s16 =	sadd.s32 s7, s19;
	[sflag:s20] =	ssyncadd.s32 $0xFFFFFF80  }
0x2f1: {  	s2 =	sadd.s32 $0x14000, s16;
	_ =	swait.ge [sflag:s20], $0x80  }
0x2f2: {  	s30 =	sand.u32 $0x40, s7;
	s2 =	sand.u32 $0xFFFFF80, s2;
	[sflag:s20] =	ssyncset.done $0x0  }
0x2f3: {  	s31 =	simm.s32 $0x14080;
	s2 =	sor.u32 s2, s30;
	[sflag:s20] =	ssyncadd.s32 $0xFFFFFF80  }
0x2f4: {  	[tilespmem:s21], [sflag:$0x6] =	stream.indirect.gather [hbm4b:s5+s17], $0x80, s31, s17, $0xb8;
	[tilespmem:$0x1C400] =	vst v63  }
0x2f5: {  	s2 =	sor.u32 $0x30, s2;
	s11 =	rddreg [dreg:$0x1]  }
0x2f6: {  	s10 =	sadd.s32 s11, s2  }
0x2f7: {  	[tilespmem:s22], [sflag:$0x4] =	stream.linear.gather [hbm4b:s10+s4], $0x80, $0x38;
	[tilespmem:$0x1C400] =	vst v63  }
0x2f8: {  	s2 =	sadd.s32 s6, s2  }
0x2f9: {  	[tilespmem:s23], [sflag:$0x4] =	stream.linear.gather [hbm4b:s2+s4], $0x80, $0x38;
	[tilespmem:$0x1C400] =	vst v63  }
0x2fa: {  	_ =	swait.ge [sflag:s24], $0x4000  }
0x2fb: {  	[sflag:s24] =	ssyncset.done $0x0  }
0x2fc: {  	[sflag:s24] =	ssyncadd.s32 $0xFFFFC000  }
0x2fd: {  	[spmem:s3] =	stream.indirect.scatter.add.f32 [tilespmem:s18], [sflag:$0x7], $0x80, s15, s17, $0xb8;
	[tilespmem:$0x1C400] =	vst v63  }
0x2fe: {  	_ =	swait.ge [sflag:s25], $0x4000  }
0x2ff: {  	[sflag:s25] =	ssyncset.done $0x0  }
0x300: {  	[sflag:s25] =	ssyncadd.s32 $0xFFFFC000  }
0x301: {  	_ =	swait.ge [sflag:s26], $0x80  }
0x302: {  	[sflag:s26] =	ssyncset.done $0x0  }
0x303: {  	[sflag:s26] =	ssyncadd.s32 $0xFFFFFF80  }
0x304: {  	s12 =	sadd.s32 $0xFFFFFFFE, s29;
	_ =	swait.ge [sflag:s26], $0x80  }
0x305: {  	p1 =	sgt.u32 s12, $0x4C;
	[sflag:s26] =	ssyncset.done $0x0  }
0x306: {  	s13 =	simm.s32 $0x14100;
	s2 =	sadd.s32 @!p1 s7, s8;
	[sflag:s26] =	ssyncadd.s32 $0xFFFFFF80  }
0x307: {  	[tilespmem:s18], [sflag:$0x5] =	stream.indirect.gather [hbm4b:s5+s17], $0x80, s13, s17, $0xb8;
	[tilespmem:$0x1C400] =	vst v63  }
0x308: {  	s11 =	simm.s32 @!p1 $0x0;
	s10 =	simm.s32 @!p1 $0x14000;
	s2 =	sadd.s32 @!p1 $0x14040, s2  }
0x309: {  	[tilespmem:s10], [sflag:$0x1] =	stream.linear.gather @!p1 [hbm4b:s2+s11], $0x80, $0x38;
	[tilespmem:$0x1C400] =	vst v63  }
0x30a: {  	s2 =	sadd.s32 @!p1 s7, s9  }
0x30b: {  	s10 =	simm.s32 @!p1 $0x14200;
	s2 =	sadd.s32 @!p1 $0x14040, s2  }
0x30c: {  	[tilespmem:s10], [sflag:$0x1] =	stream.linear.gather @!p1 [hbm4b:s2+s11], $0x80, $0x38;
	[tilespmem:$0x1C400] =	vst v63  }
0x30d: {  	_ =	swait.ge [sflag:s28], $0x4000  }
0x30e: {  	[sflag:s28] =	ssyncset.done $0x0  }
0x30f: {  	s14 =	simm.s32 $0x14280;
	[sflag:s28] =	ssyncadd.s32 $0xFFFFC000  }
0x310: {  	[spmem:s3] =	stream.indirect.scatter.add.f32 [tilespmem:s21], [sflag:$0x8], $0x80, s14, s17, $0xb8;
	[tilespmem:$0x1C400] =	vst v63  }
0x311: {  	_ =	swait.ge [sflag:s0], $0x4000  }
0x312: {  	[sflag:s0] =	ssyncset.done $0x0  }
0x313: {  	[sflag:s0] =	ssyncadd.s32 $0xFFFFC000  }
0x314: {  	_ =	swait.ge [sflag:s1], $0x80  }
0x315: {  	[sflag:s1] =	ssyncset.done $0x0  }
0x316: {  	[sflag:s1] =	ssyncadd.s32 $0xFFFFFF80  }
0x317: {  	s15 =	sadd.s32 $0xFFFFFFFF, s29;
	_ =	swait.ge [sflag:s1], $0x80  }
0x318: {  	p1 =	sgt.u32 s15, $0x4C;
	[sflag:s1] =	ssyncset.done $0x0  }
0x319: {  	s2 =	sadd.s32 @!p1 s7, s8;
	[sflag:s1] =	ssyncadd.s32 $0xFFFFFF80  }
0x31a: {  	[tilespmem:s21], [sflag:$0x6] =	stream.indirect.gather [hbm4b:s5+s17], $0x80, s22, s17, $0xb8;
	[tilespmem:$0x1C400] =	vst v63  }
0x31b: {  	s10 =	simm.s32 @!p1 $0x14080;
	s11 =	simm.s32 @!p1 $0x0;
	s2 =	sadd.s32 @!p1 $0x14050, s2  }
0x31c: {  	[tilespmem:s10], [sflag:$0x2] =	stream.linear.gather @!p1 [hbm4b:s2+s11], $0x80, $0x38;
	[tilespmem:$0x1C400] =	vst v63  }
0x31d: {  	s2 =	sadd.s32 @!p1 s7, s9  }
0x31e: {  	s10 =	simm.s32 @!p1 $0x14280;
	s2 =	sadd.s32 @!p1 $0x14050, s2  }
0x31f: {  	[tilespmem:s10], [sflag:$0x2] =	stream.linear.gather @!p1 [hbm4b:s2+s11], $0x80, $0x38;
	[tilespmem:$0x1C400] =	vst v63  }
0x320: {  	_ =	swait.ge [sflag:s24], $0x4000  }
0x321: {  	[sflag:s24] =	ssyncset.done $0x0  }
0x322: {  	s16 =	simm.s32 $0x14300;
	[sflag:s24] =	ssyncadd.s32 $0xFFFFC000  }
0x323: {  	[spmem:s3] =	stream.indirect.scatter.add.f32 [tilespmem:s18], [sflag:$0x7], $0x80, s16, s17, $0xb8;
	[tilespmem:$0x1C400] =	vst v63  }
0x324: {  	_ =	swait.ge [sflag:s25], $0x4000  }
0x325: {  	p1 =	sgt.u32 s29, $0x4E;
	[sflag:s25] =	ssyncset.done $0x0  }
0x326: {  	s2 =	simm.s32 @!p1 $0x1;
	[sflag:s25] =	ssyncadd.s32 $0xFFFFC000  }
0x327: {  	_ =	swait.ge @!p1 [sflag:s2], $0x80  }
0x328: {  	[sflag:s2] =	ssyncset.done @!p1 $0x0  }
0x329: {  	[sflag:s2] =	ssyncadd.s32 @!p1 $0xFFFFFF80  }
0x32a: {  	p2 =	sgt.u32 @!p1 s29, $0x4C;
	_ =	swait.ge @!p1 [sflag:s2], $0x80  }
0x32b: {  	s10 =	simm.s32 @!p1 $0x14000;
	s11 =	simm.s32 @!p1 $0x14400;
	[sflag:s2] =	ssyncset.done @!p1 $0x0  }
0x32c: {  	p2 =	por p2, p1;
	[sflag:s2] =	ssyncadd.s32 @!p1 $0xFFFFFF80;
	s2 =	simm.s32 @!p1 $0x80  }
0x32d: {  	[tilespmem:s11], [sflag:$0x5] =	stream.indirect.gather @!p1 [hbm4b:s5+s2], $0x80, s10, s2, $0xb8;
	[tilespmem:$0x1C400] =	vst v63  }
0x32e: {  	s2 =	sadd.s32 @!p2 s7, s8  }
0x32f: {  	s10 =	simm.s32 @!p2 $0x0;
	s11 =	simm.s32 @!p2 $0x14100;
	s2 =	sadd.s32 @!p2 $0x14060, s2  }
0x330: {  	[tilespmem:s11], [sflag:$0x3] =	stream.linear.gather @!p2 [hbm4b:s2+s10], $0x80, $0x38;
	[tilespmem:$0x1C400] =	vst v63  }
0x331: {  	s2 =	sadd.s32 @!p2 s7, s9  }
0x332: {  	s7 =	simm.s32 @!p2 $0x14300;
	s2 =	sadd.s32 @!p2 $0x14060, s2  }
0x333: {  	[tilespmem:s7], [sflag:$0x3] =	stream.linear.gather @!p2 [hbm4b:s2+s10], $0x80, $0x38;
	[tilespmem:$0x1C400] =	vst v63  }
0x334: {  	_ =	swait.ge [sflag:s28], $0x4000  }
0x335: {  	[sflag:s28] =	ssyncset.done $0x0  }
0x336: {  	[sflag:s28] =	ssyncadd.s32 $0xFFFFC000  }
0x337: {  	[spmem:s3] =	stream.indirect.scatter.add.f32 [tilespmem:s21], [sflag:$0x8], $0x80, s23, s17, $0xb8;
	[tilespmem:$0x1C400] =	vst v63  }
0x338: {  	_ =	swait.ge [sflag:s0], $0x4000  }
0x339: {  	[sflag:s0] =	ssyncset.done $0x0  }
0x33a: {  	[sflag:s0] =	ssyncadd.s32 $0xFFFFC000  }
0x33b: {  	[bflag:$0x0] =	sbarrier.arrive $0xFFFF  }
0x33c: {  	s7 =	rddreg [dreg:$0x1a]  }
0x33d: {  	s2 =	simm.s32 @p0 $0x1FC9;
	s10 =	rddreg [dreg:$0x1e]  }
0x33e: {  	[hbm:s7], [sflag:s2] =	dma.local @p0 [spmem:s10], $0x2080  }
0x33f: {  	s2 =	simm.s32 @p0 $0x9  }
0x340: {  	_ =	swait.ge @p0 [sflag:s2], $0x2080  }
0x341: {  	s10 =	sld [smem:$0x7FD]  }
0x342: {  	[sflag:s2] =	ssyncset.done @p0 $0x0  }
0x343: {  	[sflag:s2] =	ssyncadd.s32 @p0 $0xFFFFDF80;
	s2 =	rddreg [dreg:$0x1f]  }
0x344: {  	[hbm:s7], [sflag:s2] =	dma.local @!p0 [spmem:s10], $0x2780  }
0x345: {  	s2 =	simm.s32 @!p0 $0x9  }
0x346: {  	_ =	swait.ge @!p0 [sflag:s2], $0x2780  }
0x347: {  	s30 =	rddreg [dreg:$0x1d]  }
0x348: {  	s31 =	rddreg [dreg:$0x1b];
	s7 =	sadd.s32 $0x1, s30  }
0x349: {  	p1 =	sne.s32 s7, s31  }
.Ltmp3:
0x34a: {  	_ = 	snop;
	(pc) =	sbr.rel @p1 .LBB2_1-.Ltmp3, $3  }
0x34b: {  	[sflag:s2] =	ssyncset.done @!p0 $0x0  }
0x34c: {  	[sflag:s2] =	ssyncadd.s32 @!p0 $0xFFFFD880  }
0x34d: {  	[bflag:$0x0] =	sbarrier.arrive $0xFFFF;
	_ =	sdelay $0x1  }
0x34e: {  	_ =	sfence.sel $0x180000  }
0x34f: {  	[bflag:$0x0] =	sbarrier.arrive $0xFFFF  }
0x350: {  	_ =	strace $0x90000047  }
0x351: {  	s0 =	stileid.u32;
	[bflag:$0x2] =	sbarrier.arrive $0xFFFF  }
0x352: {  	p0 =	sne.s32 s0, $0x0;
	s0 =	rddreg [dreg:$0x3]  }
0x353: {  	s0 =	sadd.s32 @!p0 $0x100000, s0  }
0x354: {  	[sflag:s0] =	ssyncadd.tile.s32 @!p0 $0x1;
	_ =	shalt  }
.Lfunc_end2:
_tile_overlayer_lowered:
.L_overlay_start_2:
0x355: {  	(tag) =	ssettag $0x2  }
0x356: {  	s0 =	rddreg [dreg:$0x0];
	s2 =	stileid.u32  }
0x357: {  	s1 =	rddreg [dreg:$0x1];
	p0 =	sne.s32 s2, $0x0  }
0x358: {  	s3 =	rddreg [dreg:$0x2];
	[bflag:$0x3] =	sbarrier.arrive $0xFFFF;
	s2 =	simm.s32 @!p0 $0x1C09  }
0x359: {  	[timem:s3], [sflag:s2] =	dma.local @!p0 [hbm:s0], s1  }
0x35a: {  	s0 =	simm.s32 @!p0 $0x9  }
0x35b: {  	_ =	swait.ge @!p0 [sflag:s0], s1  }
0x35c: {  	s1 =	ssub.s32 @!p0 $0x0, s1;
	[sflag:s0] =	ssyncset.done @!p0 $0x0  }
0x35d: {  	[sflag:s0] =	ssyncadd.s32 @!p0 s1  }
0x35e: {  	[bflag:$0x3] =	sbarrier.arrive $0xFFFF  }
0x35f: {  	_ =	shalt  }

</sc_bundles>
